<compile_context>
chip_gen: v7x
topology: tpu7x:2x2x1
jax: 0.10.2.dev20260603
libtpu: 0.0.44.dev20260713+nightly
codegen_flags: <defaults>
</compile_context>

<pallas_src>
import jax
import jax.numpy as jnp
from jax import lax
from jax.experimental import pallas as pl
from jax.experimental.pallas import tpu as pltpu
from jax.experimental.pallas import tpu_sc as plsc

N_NODES = 10000
N_EDGES = 320000
IN_C = 128
HID_C = 128
OUT_C = 64

NC = 2
NS = 16
NW = NC * NS
EDGE_BLK = 128
CHUNKS_HALF = (N_EDGES + NW * EDGE_BLK - 1) // (NW * EDGE_BLK)
CH0 = 132
E_PAD = CHUNKS_HALF * NW * EDGE_BLK
N_ACC = 10240
ROWS_PER_TILE = N_ACC // NS

ROW_BLK = 1000
GRID = N_NODES // ROW_BLK

_f32 = jnp.float32



def _make_sc_scatter(with_gather):
    mesh = plsc.VectorSubcoreMesh(core_axis_name="c", subcore_axis_name="s")
    d = HID_C

    def body(y_hbm, src_hbm, dst_hbm, zrow_hbm, acc_out,
             src0_v, src1_v, dst0_v, dst1_v, rows_v, rows1_v, acc_sh,
             sem, gs1, is0, is1):
        srcs = (src0_v, src1_v)
        dsts = (dst0_v, dst1_v)
        rowsb = (rows_v, rows1_v)
        gsem = (sem, gs1)
        isem = (is0, is1)
        cid = lax.axis_index("c")
        sid = lax.axis_index("s")
        wid = sid * NC + cid
        r0 = sid * ROWS_PER_TILE

        pltpu.sync_copy(zrow_hbm, rows_v)

        @pl.loop(0, ROWS_PER_TILE // EDGE_BLK)
        def _init(k):
            pltpu.sync_copy(rows_v, acc_sh.at[pl.ds(r0 + k * EDGE_BLK,
                                                    EDGE_BLK)])

        if with_gather:
            base_c = sid * (2 * CHUNKS_HALF) + cid * CH0
            n_my = jnp.where(cid == 0, CH0, 2 * CHUNKS_HALF - CH0)
        else:
            pltpu.sync_copy(y_hbm, rows_v)
            base_c = wid * CHUNKS_HALF
            n_my = CHUNKS_HALF
        plsc.subcore_barrier()

        if with_gather:
            def idx_issue(j, b):
                off = (base_c + j) * EDGE_BLK
                pltpu.async_copy(src_hbm.at[pl.ds(off, EDGE_BLK)],
                                 srcs[b], isem[b])
                pltpu.async_copy(dst_hbm.at[pl.ds(off, EDGE_BLK)],
                                 dsts[b], isem[b])

            def idx_wait(j, b):
                off = (base_c + j) * EDGE_BLK
                pltpu.make_async_copy(src_hbm.at[pl.ds(off, EDGE_BLK)],
                                      srcs[b], isem[b]).wait()
                pltpu.make_async_copy(dst_hbm.at[pl.ds(off, EDGE_BLK)],
                                      dsts[b], isem[b]).wait()

            def g_issue(b):
                return pltpu.async_copy(y_hbm.at[srcs[b]], rowsb[b],
                                        gsem[b])

            def g_wait(b):
                pltpu.make_async_copy(y_hbm.at[srcs[b]], rowsb[b],
                                      gsem[b]).wait()

            def scat(b):
                pltpu.sync_copy(rowsb[b], acc_sh.at[dsts[b]], add=True)

            idx_issue(0, 0)
            idx_wait(0, 0)
            idx_issue(1, 1)
            g_issue(0)

            @pl.loop(0, n_my - 2, step=2)
            def _chunk(i):
                g_wait(0)
                idx_wait(i + 1, 1)
                g_issue(1)
                scat(0)
                idx_issue(i + 2, 0)
                g_wait(1)
                idx_wait(i + 2, 0)
                g_issue(0)
                scat(1)
                idx_issue(i + 3, 1)

            g_wait(0)
            idx_wait(n_my - 1, 1)
            g_issue(1)
            scat(0)
            g_wait(1)
            scat(1)
        else:
            def didx_issue(j, b):
                off = (base_c + j) * EDGE_BLK
                pltpu.async_copy(dst_hbm.at[pl.ds(off, EDGE_BLK)],
                                 dsts[b], isem[b])

            def didx_wait(j, b):
                off = (base_c + j) * EDGE_BLK
                pltpu.make_async_copy(dst_hbm.at[pl.ds(off, EDGE_BLK)],
                                      dsts[b], isem[b]).wait()

            didx_issue(0, 0)

            @pl.loop(0, n_my - 1, step=2)
            def _chunk(i):
                didx_issue(i + 1, 1)
                didx_wait(i, 0)
                pltpu.sync_copy(rows_v, acc_sh.at[dsts[0]], add=True)
                didx_issue(i + 2, 0)
                didx_wait(i + 1, 1)
                pltpu.sync_copy(rows_v, acc_sh.at[dsts[1]], add=True)

            didx_wait(n_my - 1, 0)
            pltpu.sync_copy(rows_v, acc_sh.at[dsts[0]], add=True)

        plsc.subcore_barrier()

        @pl.loop(0, ROWS_PER_TILE // EDGE_BLK)
        def _wb(k):
            rr = r0 + k * EDGE_BLK
            pltpu.sync_copy(acc_sh.at[pl.ds(rr, EDGE_BLK)], rows_v)
            pltpu.sync_copy(rows_v, acc_out.at[cid, pl.ds(rr, EDGE_BLK)])

    return pl.kernel(
        body,
        out_type=jax.ShapeDtypeStruct((NC, N_ACC, d), _f32),
        mesh=mesh,
        scratch_types=[
            pltpu.VMEM((EDGE_BLK,), jnp.int32),
            pltpu.VMEM((EDGE_BLK,), jnp.int32),
            pltpu.VMEM((EDGE_BLK,), jnp.int32),
            pltpu.VMEM((EDGE_BLK,), jnp.int32),
            pltpu.VMEM((EDGE_BLK, d), _f32),
            pltpu.VMEM((EDGE_BLK, d), _f32),
            pltpu.VMEM_SHARED((N_ACC, d), _f32),
            pltpu.SemaphoreType.DMA, pltpu.SemaphoreType.DMA,
            pltpu.SemaphoreType.DMA, pltpu.SemaphoreType.DMA,
        ],
        name=f"sage_sc_scatter_g{int(with_gather)}")



def _dotT(a, w):
    return lax.dot_general(a, w, (((1,), (1,)), ((), ())),
                           precision=lax.Precision.HIGHEST,
                           preferred_element_type=_f32)


def _lin_in_body(x_ref, wl_ref, wr_ref, b_ref, y_ref, z_ref):
    xb = x_ref[...]
    y_ref[...] = _dotT(xb, wl_ref[...])
    z_ref[...] = _dotT(xb, wr_ref[...]) + b_ref[...]


def _combine_body(a0_ref, a1_ref, d0_ref, d1_ref, z_ref, wl_ref, wr_ref,
                  b_ref, y_ref, zn_ref):
    deg = d0_ref[:, 0:1] + d1_ref[:, 0:1]
    rdeg = 1.0 / jnp.maximum(deg, 1.0)
    h = jnp.maximum((a0_ref[...] + a1_ref[...]) * rdeg + z_ref[...], 0.0)
    y_ref[...] = _dotT(h, wl_ref[...])
    zn_ref[...] = _dotT(h, wr_ref[...]) + b_ref[...]


def _make_combine(c, cout_y, cout_z):
    return pl.pallas_call(
        _combine_body,
        grid=(GRID,),
        in_specs=[_row_spec(c), _row_spec(c), _row_spec(HID_C),
                  _row_spec(HID_C), _row_spec(c), _full_spec((cout_y, c)),
                  _full_spec((cout_z, c)), _full_spec((1, cout_z))],
        out_specs=[_row_spec(cout_y), _row_spec(cout_z)],
        out_shape=[jax.ShapeDtypeStruct((N_NODES, cout_y), _f32),
                   jax.ShapeDtypeStruct((N_NODES, cout_z), _f32)],
        name=f"sage_combine_{c}_{cout_y}_{cout_z}",
    )


def _final_body(a0_ref, a1_ref, d0_ref, d1_ref, z_ref, o_ref):
    deg = d0_ref[:, 0:1] + d1_ref[:, 0:1]
    rdeg = 1.0 / jnp.maximum(deg, 1.0)
    c = o_ref.shape[1]
    h = (a0_ref[:, :c] + a1_ref[:, :c]) * rdeg + z_ref[...]
    m = jnp.max(h, axis=-1, keepdims=True)
    e = h - m
    o_ref[...] = e - jnp.log(jnp.sum(jnp.exp(e), axis=-1, keepdims=True))


def _row_spec(c):
    return pl.BlockSpec((ROW_BLK, c), lambda i: (i, 0))


def _full_spec(shape):
    return pl.BlockSpec(shape, lambda i: tuple(0 for _ in shape))


def _make_lin_in(cin, cout):
    return pl.pallas_call(
        _lin_in_body,
        grid=(GRID,),
        in_specs=[_row_spec(cin), _full_spec((cout, cin)),
                  _full_spec((cout, cin)), _full_spec((1, cout))],
        out_specs=[_row_spec(cout), _row_spec(cout)],
        out_shape=[jax.ShapeDtypeStruct((N_NODES, cout), _f32)] * 2,
        name=f"sage_lin_in_{cin}_{cout}",
    )


def _make_final(c):
    return pl.pallas_call(
        _final_body,
        grid=(GRID,),
        in_specs=[_row_spec(HID_C), _row_spec(HID_C), _row_spec(HID_C),
                  _row_spec(HID_C), _row_spec(c)],
        out_specs=_row_spec(c),
        out_shape=jax.ShapeDtypeStruct((N_NODES, c), _f32),
        name=f"sage_final_{c}",
    )



@jax.jit
def kernel(x, edge_index, Wl0, bl0, Wr0, Wl1, bl1, Wr1, Wl2, bl2, Wr2):
    x = x.astype(_f32)
    src = edge_index[0].astype(jnp.int32)
    dst = edge_index[1].astype(jnp.int32)
    pad = E_PAD + EDGE_BLK - N_EDGES
    src_p = jnp.concatenate([src, jnp.zeros((pad,), jnp.int32)])
    dst_p = jnp.concatenate([dst, jnp.full((pad,), N_NODES, jnp.int32)])

    zrow128 = jnp.zeros((EDGE_BLK, HID_C), _f32)
    ones128 = jnp.ones((EDGE_BLK, HID_C), _f32)
    Wl2p = jnp.concatenate([Wl2, jnp.zeros((HID_C - OUT_C, HID_C), _f32)])

    sc_gather = _make_sc_scatter(True)
    sc_degree = _make_sc_scatter(False)

    deg = sc_degree(ones128, src_p, dst_p, zrow128)

    y0, z0 = _make_lin_in(IN_C, HID_C)(x, Wl0, Wr0, bl0.reshape(1, -1))
    acc0 = sc_gather(y0, src_p, dst_p, zrow128)

    y1, z1 = _make_combine(HID_C, HID_C, HID_C)(
        acc0[0], acc0[1], deg[0], deg[1], z0, Wl1, Wr1, bl1.reshape(1, -1))
    acc1 = sc_gather(y1, src_p, dst_p, zrow128)

    y2, z2 = _make_combine(HID_C, HID_C, OUT_C)(
        acc1[0], acc1[1], deg[0], deg[1], z1, Wl2p, Wr2, bl2.reshape(1, -1))
    acc2 = sc_gather(y2, src_p, dst_p, zrow128)

    return _make_final(OUT_C)(acc2[0], acc2[1], deg[0], deg[1], z2)

# --- scband reference (transcript-rebuilt; emitter-appended) ---
"""Pipeline reference for scband-sage-10153302688007 (READ-ONLY COPY).

The authoritative reference and input builder live on the scoring server;
editing this copy changes nothing except your own understanding.
"""

import jax, jax.numpy as jnp
import numpy as np

N_NODES = 10000
N_EDGES = 320000
IN_C = 128
HID_C = 128
OUT_C = 64

def setup_inputs(seed: int = 0) -> dict:
    key = jax.random.key(seed)
    ks = jax.random.split(key, 12)
    x = jax.random.normal(ks[0], (N_NODES, IN_C), dtype=jnp.float32)
    edge_index = jax.random.randint(ks[1], (2, N_EDGES), 0, N_NODES, dtype=jnp.int64)
    s = 0.05
    Wl0 = jax.random.normal(ks[2], (HID_C, IN_C), dtype=jnp.float32) * s
    bl0 = jnp.zeros((HID_C,), dtype=jnp.float32)
    Wr0 = jax.random.normal(ks[3], (HID_C, IN_C), dtype=jnp.float32) * s
    Wl1 = jax.random.normal(ks[4], (HID_C, HID_C), dtype=jnp.float32) * s
    bl1 = jnp.zeros((HID_C,), dtype=jnp.float32)
    Wr1 = jax.random.normal(ks[5], (HID_C, HID_C), dtype=jnp.float32) * s
    Wl2 = jax.random.normal(ks[6], (OUT_C, HID_C), dtype=jnp.float32) * s
    bl2 = jnp.zeros((OUT_C,), dtype=jnp.float32)
    Wr2 = jax.random.normal(ks[7], (OUT_C, HID_C), dtype=jnp.float32) * s
    return {"x": x, "edge_index": edge_index,
            "Wl0": Wl0, "bl0": bl0, "Wr0": Wr0,
            "Wl1": Wl1, "bl1": bl1, "Wr1": Wr1,
            "Wl2": Wl2, "bl2": bl2, "Wr2": Wr2}

def _sage_conv(x, edge_index, Wl, bl, Wr):
    # PyG SAGEConv with mean aggregation: out = lin_l(mean_j x_j) + lin_r(x_i)
    src = edge_index[0]
    dst = edge_index[1]
    msgs = jnp.take(x, src, axis=0)                     # gather [E, d]
    agg = jax.ops.segment_sum(msgs, dst, num_segments=N_NODES)  # scatter-add
    deg = jax.ops.segment_sum(jnp.ones((msgs.shape[0],), dtype=x.dtype), dst, num_segments=N_NODES)
    agg = agg / jnp.clip(deg, 1.0, None)[:, None]       # mean
    return agg @ Wl.T + bl + x @ Wr.T

def reference(x, edge_index, Wl0, bl0, Wr0, Wl1, bl1, Wr1, Wl2, bl2, Wr2):
    # eval mode: F.dropout is identity
    h = _sage_conv(x, edge_index, Wl0, bl0, Wr0)
    h = jax.nn.relu(h)
    h = _sage_conv(h, edge_index, Wl1, bl1, Wr1)
    h = jax.nn.relu(h)
    h = _sage_conv(h, edge_index, Wl2, bl2, Wr2)
    return jax.nn.log_softmax(h, axis=-1)

if __name__ == "__main__":
    import jax
    _d = setup_inputs()
    print(jax.jit(kernel)(*tuple(_d.values())))

</pallas_src>

<mosaic_0001>
#map = affine_map<(d0, d1) -> (0, 0)>
#map1 = affine_map<(d0, d1) -> (0)>
#map2 = affine_map<(d0, d1) -> (0, 0, 0)>
module attributes {stable_mosaic.version = 14 : i64} {
  func.func @sage_sc_scatter_g1(%arg0: i32, %arg1: i32, %arg2: memref<10000x128xf32, #tpu.memory_space<hbm>>, %arg3: memref<323712xi32, #tpu.memory_space<hbm>>, %arg4: memref<323712xi32, #tpu.memory_space<hbm>>, %arg5: memref<128x128xf32, #tpu.memory_space<hbm>>, %arg6: memref<2x10240x128xf32, #tpu.memory_space<hbm>>, %arg7: memref<128xi32, #tpu.memory_space<vmem>>, %arg8: memref<128xi32, #tpu.memory_space<vmem>>, %arg9: memref<128xi32, #tpu.memory_space<vmem>>, %arg10: memref<128xi32, #tpu.memory_space<vmem>>, %arg11: memref<128x128xf32, #tpu.memory_space<vmem>>, %arg12: memref<128x128xf32, #tpu.memory_space<vmem>>, %arg13: memref<10240x128xf32, #tpu.memory_space<vmem_shared>>, %arg14: memref<!tpu.dma_semaphore, #tpu.memory_space<semaphore_mem>>, %arg15: memref<!tpu.dma_semaphore, #tpu.memory_space<semaphore_mem>>, %arg16: memref<!tpu.dma_semaphore, #tpu.memory_space<semaphore_mem>>, %arg17: memref<!tpu.dma_semaphore, #tpu.memory_space<semaphore_mem>>) attributes {dimension_semantics = [#tpu.dimension_semantics<core_parallel>, #tpu.dimension_semantics<subcore_parallel>], iteration_bounds = array<i64: 2, 16>, scalar_prefetch = 0 : i64, scratch_operands = 11 : i64, tpu.core_type = #tpu.core_type<sc_vector_subcore>, window_params = [{transform_indices = #map}, {transform_indices = #map1}, {transform_indices = #map1}, {transform_indices = #map}, {transform_indices = #map2}]} {
    %mul3A = arith.constant 2 : i32
    %mul3A_0 = arith.muli %arg1, %mul3A : i32
    %add3A = arith.addi %mul3A_0, %arg0 : i32
    %mul3A_1 = arith.constant 640 : i32
    %mul3A_2 = arith.muli %arg1, %mul3A_1 : i32
    "tpu.region"() ({
      %run_scoped3A = tpu.sem_alloc : memref<!tpu.dma_semaphore, #tpu.memory_space<semaphore_mem>>
      tpu.enqueue_dma source(%arg5 : memref<128x128xf32, #tpu.memory_space<hbm>>) target(%arg11 : memref<128x128xf32, #tpu.memory_space<vmem>>) target_semaphore(%run_scoped3A : memref<!tpu.dma_semaphore, #tpu.memory_space<semaphore_mem>>)
      tpu.wait_dma2 semaphore(%run_scoped3A : memref<!tpu.dma_semaphore, #tpu.memory_space<semaphore_mem>>) src(%arg5 : memref<128x128xf32, #tpu.memory_space<hbm>>) dst(%arg11 : memref<128x128xf32, #tpu.memory_space<vmem>>)
      tpu.yield
    }) : () -> ()
    %scan3A = arith.constant 0 : i32
    %scan3A_3 = arith.constant 5 : i32
    %scan3A_4 = arith.addi %scan3A, %scan3A_3 : i32
    %scan3A_5 = arith.constant 1 : i32
    scf.for %scan3A_81 = %scan3A to %scan3A_4 step %scan3A_5  : i32 {
      %mul3A_82 = arith.constant 1 : i32
      %mul3A_83 = arith.muli %scan3A_81, %mul3A_82 : i32
      %add3A_84 = arith.constant 0 : i32
      %add3A_85 = arith.addi %add3A_84, %mul3A_83 : i32
      %mul3A_86 = arith.constant 128 : i32
      %mul3A_87 = arith.muli %add3A_85, %mul3A_86 : i32
      %add3A_88 = arith.addi %mul3A_2, %mul3A_87 : i32
      "tpu.region"() ({
        %run_scoped3A = tpu.sem_alloc : memref<!tpu.dma_semaphore, #tpu.memory_space<semaphore_mem>>
        %dma_start3A_89 = arith.constant 0 : i32
        %dma_start3A_90 = tpu.memref_slice %arg13[%add3A_88, %dma_start3A_89] : memref<10240x128xf32, #tpu.memory_space<vmem_shared>> -> memref<128x128xf32, #tpu.memory_space<vmem_shared>>
        %dma_start3A_91 = arith.constant 0 : i32
        %dma_start3A_92 = tpu.memref_slice %arg13[%add3A_88, %dma_start3A_91] : memref<10240x128xf32, #tpu.memory_space<vmem_shared>> -> memref<128x128xf32, #tpu.memory_space<vmem_shared>>
        tpu.enqueue_dma source(%arg11 : memref<128x128xf32, #tpu.memory_space<vmem>>) target(%dma_start3A_92 : memref<128x128xf32, #tpu.memory_space<vmem_shared>>) target_semaphore(%run_scoped3A : memref<!tpu.dma_semaphore, #tpu.memory_space<semaphore_mem>>)
        %dma_wait3A_93 = arith.constant 0 : i32
        %dma_wait3A_94 = tpu.memref_slice %arg13[%add3A_88, %dma_wait3A_93] : memref<10240x128xf32, #tpu.memory_space<vmem_shared>> -> memref<128x128xf32, #tpu.memory_space<vmem_shared>>
        %dma_wait3A_95 = arith.constant 0 : i32
        %dma_wait3A_96 = tpu.memref_slice %arg13[%add3A_88, %dma_wait3A_95] : memref<10240x128xf32, #tpu.memory_space<vmem_shared>> -> memref<128x128xf32, #tpu.memory_space<vmem_shared>>
        tpu.wait_dma2 semaphore(%run_scoped3A : memref<!tpu.dma_semaphore, #tpu.memory_space<semaphore_mem>>) src(%arg11 : memref<128x128xf32, #tpu.memory_space<vmem>>) dst(%dma_wait3A_96 : memref<128x128xf32, #tpu.memory_space<vmem_shared>>)
        tpu.yield
      }) : () -> ()
    }
    %scan3A_6 = arith.constant 5 : i32
    %mul3A_7 = arith.constant 158 : i32
    %mul3A_8 = arith.muli %arg1, %mul3A_7 : i32
    %mul3A_9 = arith.constant 132 : i32
    %mul3A_10 = arith.muli %arg0, %mul3A_9 : i32
    %add3A_11 = arith.addi %mul3A_8, %mul3A_10 : i32
    %eq3A = arith.constant 0 : i32
    %eq3A_12 = arith.cmpi eq, %arg0, %eq3A : i32
    %jit3A = arith.constant 132 : i32
    %jit3A_13 = arith.constant 26 : i32
    %select_n3A = arith.select %eq3A_12, %jit3A, %jit3A_13 : i32
    %barrier3A = arith.constant 0 : index
    tpu.barrier barrier_id(%barrier3A)
    %add3A_14 = arith.constant 0 : i32
    %add3A_15 = arith.addi %add3A_11, %add3A_14 : i32
    %mul3A_16 = arith.constant 128 : i32
    %mul3A_17 = arith.muli %add3A_15, %mul3A_16 : i32
    %dma_start3A = tpu.memref_slice %arg3[%mul3A_17] : memref<323712xi32, #tpu.memory_space<hbm>> -> memref<128xi32, #tpu.memory_space<hbm>>
    %dma_start3A_18 = tpu.memref_slice %arg3[%mul3A_17] : memref<323712xi32, #tpu.memory_space<hbm>> -> memref<128xi32, #tpu.memory_space<hbm>>
    tpu.enqueue_dma source(%dma_start3A_18 : memref<128xi32, #tpu.memory_space<hbm>>) target(%arg7 : memref<128xi32, #tpu.memory_space<vmem>>) target_semaphore(%arg16 : memref<!tpu.dma_semaphore, #tpu.memory_space<semaphore_mem>>)
    %dma_start3A_19 = tpu.memref_slice %arg4[%mul3A_17] : memref<323712xi32, #tpu.memory_space<hbm>> -> memref<128xi32, #tpu.memory_space<hbm>>
    %dma_start3A_20 = tpu.memref_slice %arg4[%mul3A_17] : memref<323712xi32, #tpu.memory_space<hbm>> -> memref<128xi32, #tpu.memory_space<hbm>>
    tpu.enqueue_dma source(%dma_start3A_20 : memref<128xi32, #tpu.memory_space<hbm>>) target(%arg9 : memref<128xi32, #tpu.memory_space<vmem>>) target_semaphore(%arg16 : memref<!tpu.dma_semaphore, #tpu.memory_space<semaphore_mem>>)
    %add3A_21 = arith.constant 0 : i32
    %add3A_22 = arith.addi %add3A_11, %add3A_21 : i32
    %mul3A_23 = arith.constant 128 : i32
    %mul3A_24 = arith.muli %add3A_22, %mul3A_23 : i32
    %dma_wait3A = tpu.memref_slice %arg3[%mul3A_24] : memref<323712xi32, #tpu.memory_space<hbm>> -> memref<128xi32, #tpu.memory_space<hbm>>
    %dma_wait3A_25 = tpu.memref_slice %arg3[%mul3A_24] : memref<323712xi32, #tpu.memory_space<hbm>> -> memref<128xi32, #tpu.memory_space<hbm>>
    tpu.wait_dma2 semaphore(%arg16 : memref<!tpu.dma_semaphore, #tpu.memory_space<semaphore_mem>>) src(%dma_wait3A_25 : memref<128xi32, #tpu.memory_space<hbm>>) dst(%arg7 : memref<128xi32, #tpu.memory_space<vmem>>)
    %dma_wait3A_26 = tpu.memref_slice %arg4[%mul3A_24] : memref<323712xi32, #tpu.memory_space<hbm>> -> memref<128xi32, #tpu.memory_space<hbm>>
    %dma_wait3A_27 = tpu.memref_slice %arg4[%mul3A_24] : memref<323712xi32, #tpu.memory_space<hbm>> -> memref<128xi32, #tpu.memory_space<hbm>>
    tpu.wait_dma2 semaphore(%arg16 : memref<!tpu.dma_semaphore, #tpu.memory_space<semaphore_mem>>) src(%dma_wait3A_27 : memref<128xi32, #tpu.memory_space<hbm>>) dst(%arg9 : memref<128xi32, #tpu.memory_space<vmem>>)
    %add3A_28 = arith.constant 1 : i32
    %add3A_29 = arith.addi %add3A_11, %add3A_28 : i32
    %mul3A_30 = arith.constant 128 : i32
    %mul3A_31 = arith.muli %add3A_29, %mul3A_30 : i32
    %dma_start3A_32 = tpu.memref_slice %arg3[%mul3A_31] : memref<323712xi32, #tpu.memory_space<hbm>> -> memref<128xi32, #tpu.memory_space<hbm>>
    %dma_start3A_33 = tpu.memref_slice %arg3[%mul3A_31] : memref<323712xi32, #tpu.memory_space<hbm>> -> memref<128xi32, #tpu.memory_space<hbm>>
    tpu.enqueue_dma source(%dma_start3A_33 : memref<128xi32, #tpu.memory_space<hbm>>) target(%arg8 : memref<128xi32, #tpu.memory_space<vmem>>) target_semaphore(%arg17 : memref<!tpu.dma_semaphore, #tpu.memory_space<semaphore_mem>>)
    %dma_start3A_34 = tpu.memref_slice %arg4[%mul3A_31] : memref<323712xi32, #tpu.memory_space<hbm>> -> memref<128xi32, #tpu.memory_space<hbm>>
    %dma_start3A_35 = tpu.memref_slice %arg4[%mul3A_31] : memref<323712xi32, #tpu.memory_space<hbm>> -> memref<128xi32, #tpu.memory_space<hbm>>
    tpu.enqueue_dma source(%dma_start3A_35 : memref<128xi32, #tpu.memory_space<hbm>>) target(%arg10 : memref<128xi32, #tpu.memory_space<vmem>>) target_semaphore(%arg17 : memref<!tpu.dma_semaphore, #tpu.memory_space<semaphore_mem>>)
    %dma_start3A_36 = arith.constant 0 : i32
    %dma_start3A_37 = arith.constant 0 : i32
    %dma_start3A_38 = tpu.memref_slice %arg2[%dma_start3A_36, %dma_start3A_37] : memref<10000x128xf32, #tpu.memory_space<hbm>> -> memref<10000x128xf32, #tpu.memory_space<hbm>>
    tpu.enqueue_indirect_dma source(%dma_start3A_38 : memref<10000x128xf32, #tpu.memory_space<hbm>>) target(%arg11 : memref<128x128xf32, #tpu.memory_space<vmem>>) offsets(%arg7 : memref<128xi32, #tpu.memory_space<vmem>>) semaphore(%arg14 : memref<!tpu.dma_semaphore, #tpu.memory_space<semaphore_mem>>)
    %sub3A = arith.constant 2 : i32
    %sub3A_39 = arith.subi %select_n3A, %sub3A : i32
    %sub3A_40 = arith.constant 0 : i32
    %sub3A_41 = arith.subi %sub3A_39, %sub3A_40 : i32
    %sub3A_42 = arith.constant 2 : i32
    %sub3A_43 = arith.constant 1 : i32
    %sub3A_44 = arith.subi %sub3A_42, %sub3A_43 : i32
    %add3A_45 = arith.addi %sub3A_41, %sub3A_44 : i32
    %div3A = arith.constant 2 : i32
    %div3A_46 = arith.divsi %add3A_45, %div3A : i32
    %while3A = arith.constant 2 : i32
    %while3A_47 = arith.constant 0 : i32
    %while3A_48 = arith.constant 0 : i32
    %while3A_49 = arith.subi %div3A_46, %while3A_48 : i32
    %while3A_50 = arith.addi %while3A_48, %while3A_49 : i32
    %while3A_51 = arith.constant 1 : i32
    %while3A_52 = arith.divsi %while3A_49, %while3A_51 : i32
    %while3A_53 = arith.muli %while3A_52, %while3A_51 : i32
    %while3A_54 = arith.addi %while3A_48, %while3A_53 : i32
    %while3A_55 = arith.constant 1 : i32
    scf.for %while3A_81 = %while3A_48 to %while3A_54 step %while3A_55  : i32 {
      %mul3A_82 = arith.muli %while3A_81, %while3A : i32
      %add3A_83 = arith.addi %while3A_47, %mul3A_82 : i32
      %dma_wait3A_84 = arith.constant 0 : i32
      %dma_wait3A_85 = arith.constant 0 : i32
      %dma_wait3A_86 = tpu.memref_slice %arg2[%dma_wait3A_84, %dma_wait3A_85] : memref<10000x128xf32, #tpu.memory_space<hbm>> -> memref<10000x128xf32, #tpu.memory_space<hbm>>
      tpu.wait_indirect_dma semaphore(%arg14 : memref<!tpu.dma_semaphore, #tpu.memory_space<semaphore_mem>>) src(%dma_wait3A_86 : memref<10000x128xf32, #tpu.memory_space<hbm>>) dst(%arg11 : memref<128x128xf32, #tpu.memory_space<vmem>>)
      %add3A_87 = arith.constant 1 : i32
      %add3A_88 = arith.addi %add3A_83, %add3A_87 : i32
      %add3A_89 = arith.addi %add3A_11, %add3A_88 : i32
      %mul3A_90 = arith.constant 128 : i32
      %mul3A_91 = arith.muli %add3A_89, %mul3A_90 : i32
      %dma_wait3A_92 = tpu.memref_slice %arg3[%mul3A_91] : memref<323712xi32, #tpu.memory_space<hbm>> -> memref<128xi32, #tpu.memory_space<hbm>>
      %dma_wait3A_93 = tpu.memref_slice %arg3[%mul3A_91] : memref<323712xi32, #tpu.memory_space<hbm>> -> memref<128xi32, #tpu.memory_space<hbm>>
      tpu.wait_dma2 semaphore(%arg17 : memref<!tpu.dma_semaphore, #tpu.memory_space<semaphore_mem>>) src(%dma_wait3A_93 : memref<128xi32, #tpu.memory_space<hbm>>) dst(%arg8 : memref<128xi32, #tpu.memory_space<vmem>>)
      %dma_wait3A_94 = tpu.memref_slice %arg4[%mul3A_91] : memref<323712xi32, #tpu.memory_space<hbm>> -> memref<128xi32, #tpu.memory_space<hbm>>
      %dma_wait3A_95 = tpu.memref_slice %arg4[%mul3A_91] : memref<323712xi32, #tpu.memory_space<hbm>> -> memref<128xi32, #tpu.memory_space<hbm>>
      tpu.wait_dma2 semaphore(%arg17 : memref<!tpu.dma_semaphore, #tpu.memory_space<semaphore_mem>>) src(%dma_wait3A_95 : memref<128xi32, #tpu.memory_space<hbm>>) dst(%arg10 : memref<128xi32, #tpu.memory_space<vmem>>)
      %dma_start3A_96 = arith.constant 0 : i32
      %dma_start3A_97 = arith.constant 0 : i32
      %dma_start3A_98 = tpu.memref_slice %arg2[%dma_start3A_96, %dma_start3A_97] : memref<10000x128xf32, #tpu.memory_space<hbm>> -> memref<10000x128xf32, #tpu.memory_space<hbm>>
      tpu.enqueue_indirect_dma source(%dma_start3A_98 : memref<10000x128xf32, #tpu.memory_space<hbm>>) target(%arg12 : memref<128x128xf32, #tpu.memory_space<vmem>>) offsets(%arg8 : memref<128xi32, #tpu.memory_space<vmem>>) semaphore(%arg15 : memref<!tpu.dma_semaphore, #tpu.memory_space<semaphore_mem>>)
      "tpu.region"() ({
        %run_scoped3A = tpu.sem_alloc : memref<!tpu.dma_semaphore, #tpu.memory_space<semaphore_mem>>
        %dma_start3A_132 = arith.constant 0 : i32
        %dma_start3A_133 = arith.constant 0 : i32
        %dma_start3A_134 = tpu.memref_slice %arg13[%dma_start3A_132, %dma_start3A_133] : memref<10240x128xf32, #tpu.memory_space<vmem_shared>> -> memref<10240x128xf32, #tpu.memory_space<vmem_shared>>
        tpu.enqueue_indirect_dma source(%arg11 : memref<128x128xf32, #tpu.memory_space<vmem>>) target(%dma_start3A_134 : memref<10240x128xf32, #tpu.memory_space<vmem_shared>>) offsets(%arg9 : memref<128xi32, #tpu.memory_space<vmem>>) semaphore(%run_scoped3A : memref<!tpu.dma_semaphore, #tpu.memory_space<semaphore_mem>>) {add = true}
        %dma_wait3A_135 = arith.constant 0 : i32
        %dma_wait3A_136 = arith.constant 0 : i32
        %dma_wait3A_137 = tpu.memref_slice %arg13[%dma_wait3A_135, %dma_wait3A_136] : memref<10240x128xf32, #tpu.memory_space<vmem_shared>> -> memref<10240x128xf32, #tpu.memory_space<vmem_shared>>
        tpu.wait_indirect_dma semaphore(%run_scoped3A : memref<!tpu.dma_semaphore, #tpu.memory_space<semaphore_mem>>) src(%arg11 : memref<128x128xf32, #tpu.memory_space<vmem>>) dst(%dma_wait3A_137 : memref<10240x128xf32, #tpu.memory_space<vmem_shared>>)
        tpu.yield
      }) : () -> ()
      %add3A_99 = arith.constant 2 : i32
      %add3A_100 = arith.addi %add3A_83, %add3A_99 : i32
      %add3A_101 = arith.addi %add3A_11, %add3A_100 : i32
      %mul3A_102 = arith.constant 128 : i32
      %mul3A_103 = arith.muli %add3A_101, %mul3A_102 : i32
      %dma_start3A_104 = tpu.memref_slice %arg3[%mul3A_103] : memref<323712xi32, #tpu.memory_space<hbm>> -> memref<128xi32, #tpu.memory_space<hbm>>
      %dma_start3A_105 = tpu.memref_slice %arg3[%mul3A_103] : memref<323712xi32, #tpu.memory_space<hbm>> -> memref<128xi32, #tpu.memory_space<hbm>>
      tpu.enqueue_dma source(%dma_start3A_105 : memref<128xi32, #tpu.memory_space<hbm>>) target(%arg7 : memref<128xi32, #tpu.memory_space<vmem>>) target_semaphore(%arg16 : memref<!tpu.dma_semaphore, #tpu.memory_space<semaphore_mem>>)
      %dma_start3A_106 = tpu.memref_slice %arg4[%mul3A_103] : memref<323712xi32, #tpu.memory_space<hbm>> -> memref<128xi32, #tpu.memory_space<hbm>>
      %dma_start3A_107 = tpu.memref_slice %arg4[%mul3A_103] : memref<323712xi32, #tpu.memory_space<hbm>> -> memref<128xi32, #tpu.memory_space<hbm>>
      tpu.enqueue_dma source(%dma_start3A_107 : memref<128xi32, #tpu.memory_space<hbm>>) target(%arg9 : memref<128xi32, #tpu.memory_space<vmem>>) target_semaphore(%arg16 : memref<!tpu.dma_semaphore, #tpu.memory_space<semaphore_mem>>)
      %dma_wait3A_108 = arith.constant 0 : i32
      %dma_wait3A_109 = arith.constant 0 : i32
      %dma_wait3A_110 = tpu.memref_slice %arg2[%dma_wait3A_108, %dma_wait3A_109] : memref<10000x128xf32, #tpu.memory_space<hbm>> -> memref<10000x128xf32, #tpu.memory_space<hbm>>
      tpu.wait_indirect_dma semaphore(%arg15 : memref<!tpu.dma_semaphore, #tpu.memory_space<semaphore_mem>>) src(%dma_wait3A_110 : memref<10000x128xf32, #tpu.memory_space<hbm>>) dst(%arg12 : memref<128x128xf32, #tpu.memory_space<vmem>>)
      %add3A_111 = arith.constant 2 : i32
      %add3A_112 = arith.addi %add3A_83, %add3A_111 : i32
      %add3A_113 = arith.addi %add3A_11, %add3A_112 : i32
      %mul3A_114 = arith.constant 128 : i32
      %mul3A_115 = arith.muli %add3A_113, %mul3A_114 : i32
      %dma_wait3A_116 = tpu.memref_slice %arg3[%mul3A_115] : memref<323712xi32, #tpu.memory_space<hbm>> -> memref<128xi32, #tpu.memory_space<hbm>>
      %dma_wait3A_117 = tpu.memref_slice %arg3[%mul3A_115] : memref<323712xi32, #tpu.memory_space<hbm>> -> memref<128xi32, #tpu.memory_space<hbm>>
      tpu.wait_dma2 semaphore(%arg16 : memref<!tpu.dma_semaphore, #tpu.memory_space<semaphore_mem>>) src(%dma_wait3A_117 : memref<128xi32, #tpu.memory_space<hbm>>) dst(%arg7 : memref<128xi32, #tpu.memory_space<vmem>>)
      %dma_wait3A_118 = tpu.memref_slice %arg4[%mul3A_115] : memref<323712xi32, #tpu.memory_space<hbm>> -> memref<128xi32, #tpu.memory_space<hbm>>
      %dma_wait3A_119 = tpu.memref_slice %arg4[%mul3A_115] : memref<323712xi32, #tpu.memory_space<hbm>> -> memref<128xi32, #tpu.memory_space<hbm>>
      tpu.wait_dma2 semaphore(%arg16 : memref<!tpu.dma_semaphore, #tpu.memory_space<semaphore_mem>>) src(%dma_wait3A_119 : memref<128xi32, #tpu.memory_space<hbm>>) dst(%arg9 : memref<128xi32, #tpu.memory_space<vmem>>)
      %dma_start3A_120 = arith.constant 0 : i32
      %dma_start3A_121 = arith.constant 0 : i32
      %dma_start3A_122 = tpu.memref_slice %arg2[%dma_start3A_120, %dma_start3A_121] : memref<10000x128xf32, #tpu.memory_space<hbm>> -> memref<10000x128xf32, #tpu.memory_space<hbm>>
      tpu.enqueue_indirect_dma source(%dma_start3A_122 : memref<10000x128xf32, #tpu.memory_space<hbm>>) target(%arg11 : memref<128x128xf32, #tpu.memory_space<vmem>>) offsets(%arg7 : memref<128xi32, #tpu.memory_space<vmem>>) semaphore(%arg14 : memref<!tpu.dma_semaphore, #tpu.memory_space<semaphore_mem>>)
      "tpu.region"() ({
        %run_scoped3A = tpu.sem_alloc : memref<!tpu.dma_semaphore, #tpu.memory_space<semaphore_mem>>
        %dma_start3A_132 = arith.constant 0 : i32
        %dma_start3A_133 = arith.constant 0 : i32
        %dma_start3A_134 = tpu.memref_slice %arg13[%dma_start3A_132, %dma_start3A_133] : memref<10240x128xf32, #tpu.memory_space<vmem_shared>> -> memref<10240x128xf32, #tpu.memory_space<vmem_shared>>
        tpu.enqueue_indirect_dma source(%arg12 : memref<128x128xf32, #tpu.memory_space<vmem>>) target(%dma_start3A_134 : memref<10240x128xf32, #tpu.memory_space<vmem_shared>>) offsets(%arg10 : memref<128xi32, #tpu.memory_space<vmem>>) semaphore(%run_scoped3A : memref<!tpu.dma_semaphore, #tpu.memory_space<semaphore_mem>>) {add = true}
        %dma_wait3A_135 = arith.constant 0 : i32
        %dma_wait3A_136 = arith.constant 0 : i32
        %dma_wait3A_137 = tpu.memref_slice %arg13[%dma_wait3A_135, %dma_wait3A_136] : memref<10240x128xf32, #tpu.memory_space<vmem_shared>> -> memref<10240x128xf32, #tpu.memory_space<vmem_shared>>
        tpu.wait_indirect_dma semaphore(%run_scoped3A : memref<!tpu.dma_semaphore, #tpu.memory_space<semaphore_mem>>) src(%arg12 : memref<128x128xf32, #tpu.memory_space<vmem>>) dst(%dma_wait3A_137 : memref<10240x128xf32, #tpu.memory_space<vmem_shared>>)
        tpu.yield
      }) : () -> ()
      %add3A_123 = arith.constant 3 : i32
      %add3A_124 = arith.addi %add3A_83, %add3A_123 : i32
      %add3A_125 = arith.addi %add3A_11, %add3A_124 : i32
      %mul3A_126 = arith.constant 128 : i32
      %mul3A_127 = arith.muli %add3A_125, %mul3A_126 : i32
      %dma_start3A_128 = tpu.memref_slice %arg3[%mul3A_127] : memref<323712xi32, #tpu.memory_space<hbm>> -> memref<128xi32, #tpu.memory_space<hbm>>
      %dma_start3A_129 = tpu.memref_slice %arg3[%mul3A_127] : memref<323712xi32, #tpu.memory_space<hbm>> -> memref<128xi32, #tpu.memory_space<hbm>>
      tpu.enqueue_dma source(%dma_start3A_129 : memref<128xi32, #tpu.memory_space<hbm>>) target(%arg8 : memref<128xi32, #tpu.memory_space<vmem>>) target_semaphore(%arg17 : memref<!tpu.dma_semaphore, #tpu.memory_space<semaphore_mem>>)
      %dma_start3A_130 = tpu.memref_slice %arg4[%mul3A_127] : memref<323712xi32, #tpu.memory_space<hbm>> -> memref<128xi32, #tpu.memory_space<hbm>>
      %dma_start3A_131 = tpu.memref_slice %arg4[%mul3A_127] : memref<323712xi32, #tpu.memory_space<hbm>> -> memref<128xi32, #tpu.memory_space<hbm>>
      tpu.enqueue_dma source(%dma_start3A_131 : memref<128xi32, #tpu.memory_space<hbm>>) target(%arg10 : memref<128xi32, #tpu.memory_space<vmem>>) target_semaphore(%arg17 : memref<!tpu.dma_semaphore, #tpu.memory_space<semaphore_mem>>)
    }
    %while3A_56 = arith.constant 1 : i32
    scf.for %while3A_81 = %while3A_54 to %while3A_50 step %while3A_56  : i32 {
      %mul3A_82 = arith.muli %while3A_81, %while3A : i32
      %add3A_83 = arith.addi %while3A_47, %mul3A_82 : i32
      %dma_wait3A_84 = arith.constant 0 : i32
      %dma_wait3A_85 = arith.constant 0 : i32
      %dma_wait3A_86 = tpu.memref_slice %arg2[%dma_wait3A_84, %dma_wait3A_85] : memref<10000x128xf32, #tpu.memory_space<hbm>> -> memref<10000x128xf32, #tpu.memory_space<hbm>>
      tpu.wait_indirect_dma semaphore(%arg14 : memref<!tpu.dma_semaphore, #tpu.memory_space<semaphore_mem>>) src(%dma_wait3A_86 : memref<10000x128xf32, #tpu.memory_space<hbm>>) dst(%arg11 : memref<128x128xf32, #tpu.memory_space<vmem>>)
      %add3A_87 = arith.constant 1 : i32
      %add3A_88 = arith.addi %add3A_83, %add3A_87 : i32
      %add3A_89 = arith.addi %add3A_11, %add3A_88 : i32
      %mul3A_90 = arith.constant 128 : i32
      %mul3A_91 = arith.muli %add3A_89, %mul3A_90 : i32
      %dma_wait3A_92 = tpu.memref_slice %arg3[%mul3A_91] : memref<323712xi32, #tpu.memory_space<hbm>> -> memref<128xi32, #tpu.memory_space<hbm>>
      %dma_wait3A_93 = tpu.memref_slice %arg3[%mul3A_91] : memref<323712xi32, #tpu.memory_space<hbm>> -> memref<128xi32, #tpu.memory_space<hbm>>
      tpu.wait_dma2 semaphore(%arg17 : memref<!tpu.dma_semaphore, #tpu.memory_space<semaphore_mem>>) src(%dma_wait3A_93 : memref<128xi32, #tpu.memory_space<hbm>>) dst(%arg8 : memref<128xi32, #tpu.memory_space<vmem>>)
      %dma_wait3A_94 = tpu.memref_slice %arg4[%mul3A_91] : memref<323712xi32, #tpu.memory_space<hbm>> -> memref<128xi32, #tpu.memory_space<hbm>>
      %dma_wait3A_95 = tpu.memref_slice %arg4[%mul3A_91] : memref<323712xi32, #tpu.memory_space<hbm>> -> memref<128xi32, #tpu.memory_space<hbm>>
      tpu.wait_dma2 semaphore(%arg17 : memref<!tpu.dma_semaphore, #tpu.memory_space<semaphore_mem>>) src(%dma_wait3A_95 : memref<128xi32, #tpu.memory_space<hbm>>) dst(%arg10 : memref<128xi32, #tpu.memory_space<vmem>>)
      %dma_start3A_96 = arith.constant 0 : i32
      %dma_start3A_97 = arith.constant 0 : i32
      %dma_start3A_98 = tpu.memref_slice %arg2[%dma_start3A_96, %dma_start3A_97] : memref<10000x128xf32, #tpu.memory_space<hbm>> -> memref<10000x128xf32, #tpu.memory_space<hbm>>
      tpu.enqueue_indirect_dma source(%dma_start3A_98 : memref<10000x128xf32, #tpu.memory_space<hbm>>) target(%arg12 : memref<128x128xf32, #tpu.memory_space<vmem>>) offsets(%arg8 : memref<128xi32, #tpu.memory_space<vmem>>) semaphore(%arg15 : memref<!tpu.dma_semaphore, #tpu.memory_space<semaphore_mem>>)
      "tpu.region"() ({
        %run_scoped3A = tpu.sem_alloc : memref<!tpu.dma_semaphore, #tpu.memory_space<semaphore_mem>>
        %dma_start3A_132 = arith.constant 0 : i32
        %dma_start3A_133 = arith.constant 0 : i32
        %dma_start3A_134 = tpu.memref_slice %arg13[%dma_start3A_132, %dma_start3A_133] : memref<10240x128xf32, #tpu.memory_space<vmem_shared>> -> memref<10240x128xf32, #tpu.memory_space<vmem_shared>>
        tpu.enqueue_indirect_dma source(%arg11 : memref<128x128xf32, #tpu.memory_space<vmem>>) target(%dma_start3A_134 : memref<10240x128xf32, #tpu.memory_space<vmem_shared>>) offsets(%arg9 : memref<128xi32, #tpu.memory_space<vmem>>) semaphore(%run_scoped3A : memref<!tpu.dma_semaphore, #tpu.memory_space<semaphore_mem>>) {add = true}
        %dma_wait3A_135 = arith.constant 0 : i32
        %dma_wait3A_136 = arith.constant 0 : i32
        %dma_wait3A_137 = tpu.memref_slice %arg13[%dma_wait3A_135, %dma_wait3A_136] : memref<10240x128xf32, #tpu.memory_space<vmem_shared>> -> memref<10240x128xf32, #tpu.memory_space<vmem_shared>>
        tpu.wait_indirect_dma semaphore(%run_scoped3A : memref<!tpu.dma_semaphore, #tpu.memory_space<semaphore_mem>>) src(%arg11 : memref<128x128xf32, #tpu.memory_space<vmem>>) dst(%dma_wait3A_137 : memref<10240x128xf32, #tpu.memory_space<vmem_shared>>)
        tpu.yield
      }) : () -> ()
      %add3A_99 = arith.constant 2 : i32
      %add3A_100 = arith.addi %add3A_83, %add3A_99 : i32
      %add3A_101 = arith.addi %add3A_11, %add3A_100 : i32
      %mul3A_102 = arith.constant 128 : i32
      %mul3A_103 = arith.muli %add3A_101, %mul3A_102 : i32
      %dma_start3A_104 = tpu.memref_slice %arg3[%mul3A_103] : memref<323712xi32, #tpu.memory_space<hbm>> -> memref<128xi32, #tpu.memory_space<hbm>>
      %dma_start3A_105 = tpu.memref_slice %arg3[%mul3A_103] : memref<323712xi32, #tpu.memory_space<hbm>> -> memref<128xi32, #tpu.memory_space<hbm>>
      tpu.enqueue_dma source(%dma_start3A_105 : memref<128xi32, #tpu.memory_space<hbm>>) target(%arg7 : memref<128xi32, #tpu.memory_space<vmem>>) target_semaphore(%arg16 : memref<!tpu.dma_semaphore, #tpu.memory_space<semaphore_mem>>)
      %dma_start3A_106 = tpu.memref_slice %arg4[%mul3A_103] : memref<323712xi32, #tpu.memory_space<hbm>> -> memref<128xi32, #tpu.memory_space<hbm>>
      %dma_start3A_107 = tpu.memref_slice %arg4[%mul3A_103] : memref<323712xi32, #tpu.memory_space<hbm>> -> memref<128xi32, #tpu.memory_space<hbm>>
      tpu.enqueue_dma source(%dma_start3A_107 : memref<128xi32, #tpu.memory_space<hbm>>) target(%arg9 : memref<128xi32, #tpu.memory_space<vmem>>) target_semaphore(%arg16 : memref<!tpu.dma_semaphore, #tpu.memory_space<semaphore_mem>>)
      %dma_wait3A_108 = arith.constant 0 : i32
      %dma_wait3A_109 = arith.constant 0 : i32
      %dma_wait3A_110 = tpu.memref_slice %arg2[%dma_wait3A_108, %dma_wait3A_109] : memref<10000x128xf32, #tpu.memory_space<hbm>> -> memref<10000x128xf32, #tpu.memory_space<hbm>>
      tpu.wait_indirect_dma semaphore(%arg15 : memref<!tpu.dma_semaphore, #tpu.memory_space<semaphore_mem>>) src(%dma_wait3A_110 : memref<10000x128xf32, #tpu.memory_space<hbm>>) dst(%arg12 : memref<128x128xf32, #tpu.memory_space<vmem>>)
      %add3A_111 = arith.constant 2 : i32
      %add3A_112 = arith.addi %add3A_83, %add3A_111 : i32
      %add3A_113 = arith.addi %add3A_11, %add3A_112 : i32
      %mul3A_114 = arith.constant 128 : i32
      %mul3A_115 = arith.muli %add3A_113, %mul3A_114 : i32
      %dma_wait3A_116 = tpu.memref_slice %arg3[%mul3A_115] : memref<323712xi32, #tpu.memory_space<hbm>> -> memref<128xi32, #tpu.memory_space<hbm>>
      %dma_wait3A_117 = tpu.memref_slice %arg3[%mul3A_115] : memref<323712xi32, #tpu.memory_space<hbm>> -> memref<128xi32, #tpu.memory_space<hbm>>
      tpu.wait_dma2 semaphore(%arg16 : memref<!tpu.dma_semaphore, #tpu.memory_space<semaphore_mem>>) src(%dma_wait3A_117 : memref<128xi32, #tpu.memory_space<hbm>>) dst(%arg7 : memref<128xi32, #tpu.memory_space<vmem>>)
      %dma_wait3A_118 = tpu.memref_slice %arg4[%mul3A_115] : memref<323712xi32, #tpu.memory_space<hbm>> -> memref<128xi32, #tpu.memory_space<hbm>>
      %dma_wait3A_119 = tpu.memref_slice %arg4[%mul3A_115] : memref<323712xi32, #tpu.memory_space<hbm>> -> memref<128xi32, #tpu.memory_space<hbm>>
      tpu.wait_dma2 semaphore(%arg16 : memref<!tpu.dma_semaphore, #tpu.memory_space<semaphore_mem>>) src(%dma_wait3A_119 : memref<128xi32, #tpu.memory_space<hbm>>) dst(%arg9 : memref<128xi32, #tpu.memory_space<vmem>>)
      %dma_start3A_120 = arith.constant 0 : i32
      %dma_start3A_121 = arith.constant 0 : i32
      %dma_start3A_122 = tpu.memref_slice %arg2[%dma_start3A_120, %dma_start3A_121] : memref<10000x128xf32, #tpu.memory_space<hbm>> -> memref<10000x128xf32, #tpu.memory_space<hbm>>
      tpu.enqueue_indirect_dma source(%dma_start3A_122 : memref<10000x128xf32, #tpu.memory_space<hbm>>) target(%arg11 : memref<128x128xf32, #tpu.memory_space<vmem>>) offsets(%arg7 : memref<128xi32, #tpu.memory_space<vmem>>) semaphore(%arg14 : memref<!tpu.dma_semaphore, #tpu.memory_space<semaphore_mem>>)
      "tpu.region"() ({
        %run_scoped3A = tpu.sem_alloc : memref<!tpu.dma_semaphore, #tpu.memory_space<semaphore_mem>>
        %dma_start3A_132 = arith.constant 0 : i32
        %dma_start3A_133 = arith.constant 0 : i32
        %dma_start3A_134 = tpu.memref_slice %arg13[%dma_start3A_132, %dma_start3A_133] : memref<10240x128xf32, #tpu.memory_space<vmem_shared>> -> memref<10240x128xf32, #tpu.memory_space<vmem_shared>>
        tpu.enqueue_indirect_dma source(%arg12 : memref<128x128xf32, #tpu.memory_space<vmem>>) target(%dma_start3A_134 : memref<10240x128xf32, #tpu.memory_space<vmem_shared>>) offsets(%arg10 : memref<128xi32, #tpu.memory_space<vmem>>) semaphore(%run_scoped3A : memref<!tpu.dma_semaphore, #tpu.memory_space<semaphore_mem>>) {add = true}
        %dma_wait3A_135 = arith.constant 0 : i32
        %dma_wait3A_136 = arith.constant 0 : i32
        %dma_wait3A_137 = tpu.memref_slice %arg13[%dma_wait3A_135, %dma_wait3A_136] : memref<10240x128xf32, #tpu.memory_space<vmem_shared>> -> memref<10240x128xf32, #tpu.memory_space<vmem_shared>>
        tpu.wait_indirect_dma semaphore(%run_scoped3A : memref<!tpu.dma_semaphore, #tpu.memory_space<semaphore_mem>>) src(%arg12 : memref<128x128xf32, #tpu.memory_space<vmem>>) dst(%dma_wait3A_137 : memref<10240x128xf32, #tpu.memory_space<vmem_shared>>)
        tpu.yield
      }) : () -> ()
      %add3A_123 = arith.constant 3 : i32
      %add3A_124 = arith.addi %add3A_83, %add3A_123 : i32
      %add3A_125 = arith.addi %add3A_11, %add3A_124 : i32
      %mul3A_126 = arith.constant 128 : i32
      %mul3A_127 = arith.muli %add3A_125, %mul3A_126 : i32
      %dma_start3A_128 = tpu.memref_slice %arg3[%mul3A_127] : memref<323712xi32, #tpu.memory_space<hbm>> -> memref<128xi32, #tpu.memory_space<hbm>>
      %dma_start3A_129 = tpu.memref_slice %arg3[%mul3A_127] : memref<323712xi32, #tpu.memory_space<hbm>> -> memref<128xi32, #tpu.memory_space<hbm>>
      tpu.enqueue_dma source(%dma_start3A_129 : memref<128xi32, #tpu.memory_space<hbm>>) target(%arg8 : memref<128xi32, #tpu.memory_space<vmem>>) target_semaphore(%arg17 : memref<!tpu.dma_semaphore, #tpu.memory_space<semaphore_mem>>)
      %dma_start3A_130 = tpu.memref_slice %arg4[%mul3A_127] : memref<323712xi32, #tpu.memory_space<hbm>> -> memref<128xi32, #tpu.memory_space<hbm>>
      %dma_start3A_131 = tpu.memref_slice %arg4[%mul3A_127] : memref<323712xi32, #tpu.memory_space<hbm>> -> memref<128xi32, #tpu.memory_space<hbm>>
      tpu.enqueue_dma source(%dma_start3A_131 : memref<128xi32, #tpu.memory_space<hbm>>) target(%arg10 : memref<128xi32, #tpu.memory_space<vmem>>) target_semaphore(%arg17 : memref<!tpu.dma_semaphore, #tpu.memory_space<semaphore_mem>>)
    }
    %dma_wait3A_57 = arith.constant 0 : i32
    %dma_wait3A_58 = arith.constant 0 : i32
    %dma_wait3A_59 = tpu.memref_slice %arg2[%dma_wait3A_57, %dma_wait3A_58] : memref<10000x128xf32, #tpu.memory_space<hbm>> -> memref<10000x128xf32, #tpu.memory_space<hbm>>
    tpu.wait_indirect_dma semaphore(%arg14 : memref<!tpu.dma_semaphore, #tpu.memory_space<semaphore_mem>>) src(%dma_wait3A_59 : memref<10000x128xf32, #tpu.memory_space<hbm>>) dst(%arg11 : memref<128x128xf32, #tpu.memory_space<vmem>>)
    %sub3A_60 = arith.constant 1 : i32
    %sub3A_61 = arith.subi %select_n3A, %sub3A_60 : i32
    %add3A_62 = arith.addi %add3A_11, %sub3A_61 : i32
    %mul3A_63 = arith.constant 128 : i32
    %mul3A_64 = arith.muli %add3A_62, %mul3A_63 : i32
    %dma_wait3A_65 = tpu.memref_slice %arg3[%mul3A_64] : memref<323712xi32, #tpu.memory_space<hbm>> -> memref<128xi32, #tpu.memory_space<hbm>>
    %dma_wait3A_66 = tpu.memref_slice %arg3[%mul3A_64] : memref<323712xi32, #tpu.memory_space<hbm>> -> memref<128xi32, #tpu.memory_space<hbm>>
    tpu.wait_dma2 semaphore(%arg17 : memref<!tpu.dma_semaphore, #tpu.memory_space<semaphore_mem>>) src(%dma_wait3A_66 : memref<128xi32, #tpu.memory_space<hbm>>) dst(%arg8 : memref<128xi32, #tpu.memory_space<vmem>>)
    %dma_wait3A_67 = tpu.memref_slice %arg4[%mul3A_64] : memref<323712xi32, #tpu.memory_space<hbm>> -> memref<128xi32, #tpu.memory_space<hbm>>
    %dma_wait3A_68 = tpu.memref_slice %arg4[%mul3A_64] : memref<323712xi32, #tpu.memory_space<hbm>> -> memref<128xi32, #tpu.memory_space<hbm>>
    tpu.wait_dma2 semaphore(%arg17 : memref<!tpu.dma_semaphore, #tpu.memory_space<semaphore_mem>>) src(%dma_wait3A_68 : memref<128xi32, #tpu.memory_space<hbm>>) dst(%arg10 : memref<128xi32, #tpu.memory_space<vmem>>)
    %dma_start3A_69 = arith.constant 0 : i32
    %dma_start3A_70 = arith.constant 0 : i32
    %dma_start3A_71 = tpu.memref_slice %arg2[%dma_start3A_69, %dma_start3A_70] : memref<10000x128xf32, #tpu.memory_space<hbm>> -> memref<10000x128xf32, #tpu.memory_space<hbm>>
    tpu.enqueue_indirect_dma source(%dma_start3A_71 : memref<10000x128xf32, #tpu.memory_space<hbm>>) target(%arg12 : memref<128x128xf32, #tpu.memory_space<vmem>>) offsets(%arg8 : memref<128xi32, #tpu.memory_space<vmem>>) semaphore(%arg15 : memref<!tpu.dma_semaphore, #tpu.memory_space<semaphore_mem>>)
    "tpu.region"() ({
      %run_scoped3A = tpu.sem_alloc : memref<!tpu.dma_semaphore, #tpu.memory_space<semaphore_mem>>
      %dma_start3A_81 = arith.constant 0 : i32
      %dma_start3A_82 = arith.constant 0 : i32
      %dma_start3A_83 = tpu.memref_slice %arg13[%dma_start3A_81, %dma_start3A_82] : memref<10240x128xf32, #tpu.memory_space<vmem_shared>> -> memref<10240x128xf32, #tpu.memory_space<vmem_shared>>
      tpu.enqueue_indirect_dma source(%arg11 : memref<128x128xf32, #tpu.memory_space<vmem>>) target(%dma_start3A_83 : memref<10240x128xf32, #tpu.memory_space<vmem_shared>>) offsets(%arg9 : memref<128xi32, #tpu.memory_space<vmem>>) semaphore(%run_scoped3A : memref<!tpu.dma_semaphore, #tpu.memory_space<semaphore_mem>>) {add = true}
      %dma_wait3A_84 = arith.constant 0 : i32
      %dma_wait3A_85 = arith.constant 0 : i32
      %dma_wait3A_86 = tpu.memref_slice %arg13[%dma_wait3A_84, %dma_wait3A_85] : memref<10240x128xf32, #tpu.memory_space<vmem_shared>> -> memref<10240x128xf32, #tpu.memory_space<vmem_shared>>
      tpu.wait_indirect_dma semaphore(%run_scoped3A : memref<!tpu.dma_semaphore, #tpu.memory_space<semaphore_mem>>) src(%arg11 : memref<128x128xf32, #tpu.memory_space<vmem>>) dst(%dma_wait3A_86 : memref<10240x128xf32, #tpu.memory_space<vmem_shared>>)
      tpu.yield
    }) : () -> ()
    %dma_wait3A_72 = arith.constant 0 : i32
    %dma_wait3A_73 = arith.constant 0 : i32
    %dma_wait3A_74 = tpu.memref_slice %arg2[%dma_wait3A_72, %dma_wait3A_73] : memref<10000x128xf32, #tpu.memory_space<hbm>> -> memref<10000x128xf32, #tpu.memory_space<hbm>>
    tpu.wait_indirect_dma semaphore(%arg15 : memref<!tpu.dma_semaphore, #tpu.memory_space<semaphore_mem>>) src(%dma_wait3A_74 : memref<10000x128xf32, #tpu.memory_space<hbm>>) dst(%arg12 : memref<128x128xf32, #tpu.memory_space<vmem>>)
    "tpu.region"() ({
      %run_scoped3A = tpu.sem_alloc : memref<!tpu.dma_semaphore, #tpu.memory_space<semaphore_mem>>
      %dma_start3A_81 = arith.constant 0 : i32
      %dma_start3A_82 = arith.constant 0 : i32
      %dma_start3A_83 = tpu.memref_slice %arg13[%dma_start3A_81, %dma_start3A_82] : memref<10240x128xf32, #tpu.memory_space<vmem_shared>> -> memref<10240x128xf32, #tpu.memory_space<vmem_shared>>
      tpu.enqueue_indirect_dma source(%arg12 : memref<128x128xf32, #tpu.memory_space<vmem>>) target(%dma_start3A_83 : memref<10240x128xf32, #tpu.memory_space<vmem_shared>>) offsets(%arg10 : memref<128xi32, #tpu.memory_space<vmem>>) semaphore(%run_scoped3A : memref<!tpu.dma_semaphore, #tpu.memory_space<semaphore_mem>>) {add = true}
      %dma_wait3A_84 = arith.constant 0 : i32
      %dma_wait3A_85 = arith.constant 0 : i32
      %dma_wait3A_86 = tpu.memref_slice %arg13[%dma_wait3A_84, %dma_wait3A_85] : memref<10240x128xf32, #tpu.memory_space<vmem_shared>> -> memref<10240x128xf32, #tpu.memory_space<vmem_shared>>
      tpu.wait_indirect_dma semaphore(%run_scoped3A : memref<!tpu.dma_semaphore, #tpu.memory_space<semaphore_mem>>) src(%arg12 : memref<128x128xf32, #tpu.memory_space<vmem>>) dst(%dma_wait3A_86 : memref<10240x128xf32, #tpu.memory_space<vmem_shared>>)
      tpu.yield
    }) : () -> ()
    %barrier3A_75 = arith.constant 0 : index
    tpu.barrier barrier_id(%barrier3A_75)
    %scan3A_76 = arith.constant 0 : i32
    %scan3A_77 = arith.constant 5 : i32
    %scan3A_78 = arith.addi %scan3A_76, %scan3A_77 : i32
    %scan3A_79 = arith.constant 1 : i32
    scf.for %scan3A_81 = %scan3A_76 to %scan3A_78 step %scan3A_79  : i32 {
      %mul3A_82 = arith.constant 1 : i32
      %mul3A_83 = arith.muli %scan3A_81, %mul3A_82 : i32
      %add3A_84 = arith.constant 0 : i32
      %add3A_85 = arith.addi %add3A_84, %mul3A_83 : i32
      %mul3A_86 = arith.constant 128 : i32
      %mul3A_87 = arith.muli %add3A_85, %mul3A_86 : i32
      %add3A_88 = arith.addi %mul3A_2, %mul3A_87 : i32
      "tpu.region"() ({
        %run_scoped3A = tpu.sem_alloc : memref<!tpu.dma_semaphore, #tpu.memory_space<semaphore_mem>>
        %dma_start3A_89 = arith.constant 0 : i32
        %dma_start3A_90 = tpu.memref_slice %arg13[%add3A_88, %dma_start3A_89] : memref<10240x128xf32, #tpu.memory_space<vmem_shared>> -> memref<128x128xf32, #tpu.memory_space<vmem_shared>>
        %dma_start3A_91 = arith.constant 0 : i32
        %dma_start3A_92 = tpu.memref_slice %arg13[%add3A_88, %dma_start3A_91] : memref<10240x128xf32, #tpu.memory_space<vmem_shared>> -> memref<128x128xf32, #tpu.memory_space<vmem_shared>>
        tpu.enqueue_dma source(%dma_start3A_92 : memref<128x128xf32, #tpu.memory_space<vmem_shared>>) target(%arg11 : memref<128x128xf32, #tpu.memory_space<vmem>>) target_semaphore(%run_scoped3A : memref<!tpu.dma_semaphore, #tpu.memory_space<semaphore_mem>>)
        %dma_wait3A_93 = arith.constant 0 : i32
        %dma_wait3A_94 = tpu.memref_slice %arg13[%add3A_88, %dma_wait3A_93] : memref<10240x128xf32, #tpu.memory_space<vmem_shared>> -> memref<128x128xf32, #tpu.memory_space<vmem_shared>>
        %dma_wait3A_95 = arith.constant 0 : i32
        %dma_wait3A_96 = tpu.memref_slice %arg13[%add3A_88, %dma_wait3A_95] : memref<10240x128xf32, #tpu.memory_space<vmem_shared>> -> memref<128x128xf32, #tpu.memory_space<vmem_shared>>
        tpu.wait_dma2 semaphore(%run_scoped3A : memref<!tpu.dma_semaphore, #tpu.memory_space<semaphore_mem>>) src(%dma_wait3A_96 : memref<128x128xf32, #tpu.memory_space<vmem_shared>>) dst(%arg11 : memref<128x128xf32, #tpu.memory_space<vmem>>)
        tpu.yield
      }) : () -> ()
      "tpu.region"() ({
        %run_scoped3A = tpu.sem_alloc : memref<!tpu.dma_semaphore, #tpu.memory_space<semaphore_mem>>
        %dma_start3A_89 = arith.constant 0 : i32
        %dma_start3A_90 = tpu.memref_slice %arg6[%arg0, %add3A_88, %dma_start3A_89] : memref<2x10240x128xf32, #tpu.memory_space<hbm>> -> memref<1x128x128xf32, #tpu.memory_space<hbm>>
        %dma_start3A_91 = tpu.memref_squeeze %dma_start3A_90 : memref<1x128x128xf32, #tpu.memory_space<hbm>> -> memref<128x128xf32, #tpu.memory_space<hbm>>
        %dma_start3A_92 = arith.constant 0 : i32
        %dma_start3A_93 = tpu.memref_slice %arg6[%arg0, %add3A_88, %dma_start3A_92] : memref<2x10240x128xf32, #tpu.memory_space<hbm>> -> memref<1x128x128xf32, #tpu.memory_space<hbm>>
        %dma_start3A_94 = tpu.memref_squeeze %dma_start3A_93 : memref<1x128x128xf32, #tpu.memory_space<hbm>> -> memref<128x128xf32, #tpu.memory_space<hbm>>
        tpu.enqueue_dma source(%arg11 : memref<128x128xf32, #tpu.memory_space<vmem>>) target(%dma_start3A_94 : memref<128x128xf32, #tpu.memory_space<hbm>>) target_semaphore(%run_scoped3A : memref<!tpu.dma_semaphore, #tpu.memory_space<semaphore_mem>>)
        %dma_wait3A_95 = arith.constant 0 : i32
        %dma_wait3A_96 = tpu.memref_slice %arg6[%arg0, %add3A_88, %dma_wait3A_95] : memref<2x10240x128xf32, #tpu.memory_space<hbm>> -> memref<1x128x128xf32, #tpu.memory_space<hbm>>
        %dma_wait3A_97 = tpu.memref_squeeze %dma_wait3A_96 : memref<1x128x128xf32, #tpu.memory_space<hbm>> -> memref<128x128xf32, #tpu.memory_space<hbm>>
        %dma_wait3A_98 = arith.constant 0 : i32
        %dma_wait3A_99 = tpu.memref_slice %arg6[%arg0, %add3A_88, %dma_wait3A_98] : memref<2x10240x128xf32, #tpu.memory_space<hbm>> -> memref<1x128x128xf32, #tpu.memory_space<hbm>>
        %dma_wait3A_100 = tpu.memref_squeeze %dma_wait3A_99 : memref<1x128x128xf32, #tpu.memory_space<hbm>> -> memref<128x128xf32, #tpu.memory_space<hbm>>
        tpu.wait_dma2 semaphore(%run_scoped3A : memref<!tpu.dma_semaphore, #tpu.memory_space<semaphore_mem>>) src(%arg11 : memref<128x128xf32, #tpu.memory_space<vmem>>) dst(%dma_wait3A_100 : memref<128x128xf32, #tpu.memory_space<hbm>>)
        tpu.yield
      }) : () -> ()
    }
    %scan3A_80 = arith.constant 5 : i32
    return
  }
}

#map = affine_map<(d0, d1) -> (0, 0)>
#map1 = affine_map<(d0, d1) -> (0)>
#map2 = affine_map<(d0, d1) -> (0, 0, 0)>
module attributes {stable_mosaic.version = 14 : i64} {
  func.func @sage_sc_scatter_g0(%arg0: i32, %arg1: i32, %arg2: memref<128x128xf32, #tpu.memory_space<hbm>>, %arg3: memref<323712xi32, #tpu.memory_space<hbm>>, %arg4: memref<323712xi32, #tpu.memory_space<hbm>>, %arg5: memref<128x128xf32, #tpu.memory_space<hbm>>, %arg6: memref<2x10240x128xf32, #tpu.memory_space<hbm>>, %arg7: memref<128xi32, #tpu.memory_space<vmem>>, %arg8: memref<128xi32, #tpu.memory_space<vmem>>, %arg9: memref<128xi32, #tpu.memory_space<vmem>>, %arg10: memref<128xi32, #tpu.memory_space<vmem>>, %arg11: memref<128x128xf32, #tpu.memory_space<vmem>>, %arg12: memref<128x128xf32, #tpu.memory_space<vmem>>, %arg13: memref<10240x128xf32, #tpu.memory_space<vmem_shared>>, %arg14: memref<!tpu.dma_semaphore, #tpu.memory_space<semaphore_mem>>, %arg15: memref<!tpu.dma_semaphore, #tpu.memory_space<semaphore_mem>>, %arg16: memref<!tpu.dma_semaphore, #tpu.memory_space<semaphore_mem>>, %arg17: memref<!tpu.dma_semaphore, #tpu.memory_space<semaphore_mem>>) attributes {dimension_semantics = [#tpu.dimension_semantics<core_parallel>, #tpu.dimension_semantics<subcore_parallel>], iteration_bounds = array<i64: 2, 16>, scalar_prefetch = 0 : i64, scratch_operands = 11 : i64, tpu.core_type = #tpu.core_type<sc_vector_subcore>, window_params = [{transform_indices = #map}, {transform_indices = #map1}, {transform_indices = #map1}, {transform_indices = #map}, {transform_indices = #map2}]} {
    %mul3A = arith.constant 2 : i32
    %mul3A_0 = arith.muli %arg1, %mul3A : i32
    %add3A = arith.addi %mul3A_0, %arg0 : i32
    %mul3A_1 = arith.constant 640 : i32
    %mul3A_2 = arith.muli %arg1, %mul3A_1 : i32
    "tpu.region"() ({
      %run_scoped3A = tpu.sem_alloc : memref<!tpu.dma_semaphore, #tpu.memory_space<semaphore_mem>>
      tpu.enqueue_dma source(%arg5 : memref<128x128xf32, #tpu.memory_space<hbm>>) target(%arg11 : memref<128x128xf32, #tpu.memory_space<vmem>>) target_semaphore(%run_scoped3A : memref<!tpu.dma_semaphore, #tpu.memory_space<semaphore_mem>>)
      tpu.wait_dma2 semaphore(%run_scoped3A : memref<!tpu.dma_semaphore, #tpu.memory_space<semaphore_mem>>) src(%arg5 : memref<128x128xf32, #tpu.memory_space<hbm>>) dst(%arg11 : memref<128x128xf32, #tpu.memory_space<vmem>>)
      tpu.yield
    }) : () -> ()
    %scan3A = arith.constant 0 : i32
    %scan3A_3 = arith.constant 5 : i32
    %scan3A_4 = arith.addi %scan3A, %scan3A_3 : i32
    %scan3A_5 = arith.constant 1 : i32
    scf.for %scan3A_30 = %scan3A to %scan3A_4 step %scan3A_5  : i32 {
      %mul3A_31 = arith.constant 1 : i32
      %mul3A_32 = arith.muli %scan3A_30, %mul3A_31 : i32
      %add3A_33 = arith.constant 0 : i32
      %add3A_34 = arith.addi %add3A_33, %mul3A_32 : i32
      %mul3A_35 = arith.constant 128 : i32
      %mul3A_36 = arith.muli %add3A_34, %mul3A_35 : i32
      %add3A_37 = arith.addi %mul3A_2, %mul3A_36 : i32
      "tpu.region"() ({
        %run_scoped3A = tpu.sem_alloc : memref<!tpu.dma_semaphore, #tpu.memory_space<semaphore_mem>>
        %dma_start3A_38 = arith.constant 0 : i32
        %dma_start3A_39 = tpu.memref_slice %arg13[%add3A_37, %dma_start3A_38] : memref<10240x128xf32, #tpu.memory_space<vmem_shared>> -> memref<128x128xf32, #tpu.memory_space<vmem_shared>>
        %dma_start3A_40 = arith.constant 0 : i32
        %dma_start3A_41 = tpu.memref_slice %arg13[%add3A_37, %dma_start3A_40] : memref<10240x128xf32, #tpu.memory_space<vmem_shared>> -> memref<128x128xf32, #tpu.memory_space<vmem_shared>>
        tpu.enqueue_dma source(%arg11 : memref<128x128xf32, #tpu.memory_space<vmem>>) target(%dma_start3A_41 : memref<128x128xf32, #tpu.memory_space<vmem_shared>>) target_semaphore(%run_scoped3A : memref<!tpu.dma_semaphore, #tpu.memory_space<semaphore_mem>>)
        %dma_wait3A_42 = arith.constant 0 : i32
        %dma_wait3A_43 = tpu.memref_slice %arg13[%add3A_37, %dma_wait3A_42] : memref<10240x128xf32, #tpu.memory_space<vmem_shared>> -> memref<128x128xf32, #tpu.memory_space<vmem_shared>>
        %dma_wait3A_44 = arith.constant 0 : i32
        %dma_wait3A_45 = tpu.memref_slice %arg13[%add3A_37, %dma_wait3A_44] : memref<10240x128xf32, #tpu.memory_space<vmem_shared>> -> memref<128x128xf32, #tpu.memory_space<vmem_shared>>
        tpu.wait_dma2 semaphore(%run_scoped3A : memref<!tpu.dma_semaphore, #tpu.memory_space<semaphore_mem>>) src(%arg11 : memref<128x128xf32, #tpu.memory_space<vmem>>) dst(%dma_wait3A_45 : memref<128x128xf32, #tpu.memory_space<vmem_shared>>)
        tpu.yield
      }) : () -> ()
    }
    %scan3A_6 = arith.constant 5 : i32
    "tpu.region"() ({
      %run_scoped3A = tpu.sem_alloc : memref<!tpu.dma_semaphore, #tpu.memory_space<semaphore_mem>>
      tpu.enqueue_dma source(%arg2 : memref<128x128xf32, #tpu.memory_space<hbm>>) target(%arg11 : memref<128x128xf32, #tpu.memory_space<vmem>>) target_semaphore(%run_scoped3A : memref<!tpu.dma_semaphore, #tpu.memory_space<semaphore_mem>>)
      tpu.wait_dma2 semaphore(%run_scoped3A : memref<!tpu.dma_semaphore, #tpu.memory_space<semaphore_mem>>) src(%arg2 : memref<128x128xf32, #tpu.memory_space<hbm>>) dst(%arg11 : memref<128x128xf32, #tpu.memory_space<vmem>>)
      tpu.yield
    }) : () -> ()
    %mul3A_7 = arith.constant 79 : i32
    %mul3A_8 = arith.muli %add3A, %mul3A_7 : i32
    %barrier3A = arith.constant 0 : index
    tpu.barrier barrier_id(%barrier3A)
    %add3A_9 = arith.constant 0 : i32
    %add3A_10 = arith.addi %mul3A_8, %add3A_9 : i32
    %mul3A_11 = arith.constant 128 : i32
    %mul3A_12 = arith.muli %add3A_10, %mul3A_11 : i32
    %dma_start3A = tpu.memref_slice %arg4[%mul3A_12] : memref<323712xi32, #tpu.memory_space<hbm>> -> memref<128xi32, #tpu.memory_space<hbm>>
    %dma_start3A_13 = tpu.memref_slice %arg4[%mul3A_12] : memref<323712xi32, #tpu.memory_space<hbm>> -> memref<128xi32, #tpu.memory_space<hbm>>
    tpu.enqueue_dma source(%dma_start3A_13 : memref<128xi32, #tpu.memory_space<hbm>>) target(%arg9 : memref<128xi32, #tpu.memory_space<vmem>>) target_semaphore(%arg16 : memref<!tpu.dma_semaphore, #tpu.memory_space<semaphore_mem>>)
    %scan3A_14 = arith.constant 0 : i32
    %scan3A_15 = arith.constant 39 : i32
    %scan3A_16 = arith.addi %scan3A_14, %scan3A_15 : i32
    %scan3A_17 = arith.constant 1 : i32
    scf.for %scan3A_30 = %scan3A_14 to %scan3A_16 step %scan3A_17  : i32 {
      %mul3A_31 = arith.constant 2 : i32
      %mul3A_32 = arith.muli %scan3A_30, %mul3A_31 : i32
      %add3A_33 = arith.constant 0 : i32
      %add3A_34 = arith.addi %add3A_33, %mul3A_32 : i32
      %add3A_35 = arith.constant 1 : i32
      %add3A_36 = arith.addi %add3A_34, %add3A_35 : i32
      %add3A_37 = arith.addi %mul3A_8, %add3A_36 : i32
      %mul3A_38 = arith.constant 128 : i32
      %mul3A_39 = arith.muli %add3A_37, %mul3A_38 : i32
      %dma_start3A_40 = tpu.memref_slice %arg4[%mul3A_39] : memref<323712xi32, #tpu.memory_space<hbm>> -> memref<128xi32, #tpu.memory_space<hbm>>
      %dma_start3A_41 = tpu.memref_slice %arg4[%mul3A_39] : memref<323712xi32, #tpu.memory_space<hbm>> -> memref<128xi32, #tpu.memory_space<hbm>>
      tpu.enqueue_dma source(%dma_start3A_41 : memref<128xi32, #tpu.memory_space<hbm>>) target(%arg10 : memref<128xi32, #tpu.memory_space<vmem>>) target_semaphore(%arg17 : memref<!tpu.dma_semaphore, #tpu.memory_space<semaphore_mem>>)
      %add3A_42 = arith.addi %mul3A_8, %add3A_34 : i32
      %mul3A_43 = arith.constant 128 : i32
      %mul3A_44 = arith.muli %add3A_42, %mul3A_43 : i32
      %dma_wait3A_45 = tpu.memref_slice %arg4[%mul3A_44] : memref<323712xi32, #tpu.memory_space<hbm>> -> memref<128xi32, #tpu.memory_space<hbm>>
      %dma_wait3A_46 = tpu.memref_slice %arg4[%mul3A_44] : memref<323712xi32, #tpu.memory_space<hbm>> -> memref<128xi32, #tpu.memory_space<hbm>>
      tpu.wait_dma2 semaphore(%arg16 : memref<!tpu.dma_semaphore, #tpu.memory_space<semaphore_mem>>) src(%dma_wait3A_46 : memref<128xi32, #tpu.memory_space<hbm>>) dst(%arg9 : memref<128xi32, #tpu.memory_space<vmem>>)
      "tpu.region"() ({
        %run_scoped3A = tpu.sem_alloc : memref<!tpu.dma_semaphore, #tpu.memory_space<semaphore_mem>>
        %dma_start3A_61 = arith.constant 0 : i32
        %dma_start3A_62 = arith.constant 0 : i32
        %dma_start3A_63 = tpu.memref_slice %arg13[%dma_start3A_61, %dma_start3A_62] : memref<10240x128xf32, #tpu.memory_space<vmem_shared>> -> memref<10240x128xf32, #tpu.memory_space<vmem_shared>>
        tpu.enqueue_indirect_dma source(%arg11 : memref<128x128xf32, #tpu.memory_space<vmem>>) target(%dma_start3A_63 : memref<10240x128xf32, #tpu.memory_space<vmem_shared>>) offsets(%arg9 : memref<128xi32, #tpu.memory_space<vmem>>) semaphore(%run_scoped3A : memref<!tpu.dma_semaphore, #tpu.memory_space<semaphore_mem>>) {add = true}
        %dma_wait3A_64 = arith.constant 0 : i32
        %dma_wait3A_65 = arith.constant 0 : i32
        %dma_wait3A_66 = tpu.memref_slice %arg13[%dma_wait3A_64, %dma_wait3A_65] : memref<10240x128xf32, #tpu.memory_space<vmem_shared>> -> memref<10240x128xf32, #tpu.memory_space<vmem_shared>>
        tpu.wait_indirect_dma semaphore(%run_scoped3A : memref<!tpu.dma_semaphore, #tpu.memory_space<semaphore_mem>>) src(%arg11 : memref<128x128xf32, #tpu.memory_space<vmem>>) dst(%dma_wait3A_66 : memref<10240x128xf32, #tpu.memory_space<vmem_shared>>)
        tpu.yield
      }) : () -> ()
      %add3A_47 = arith.constant 2 : i32
      %add3A_48 = arith.addi %add3A_34, %add3A_47 : i32
      %add3A_49 = arith.addi %mul3A_8, %add3A_48 : i32
      %mul3A_50 = arith.constant 128 : i32
      %mul3A_51 = arith.muli %add3A_49, %mul3A_50 : i32
      %dma_start3A_52 = tpu.memref_slice %arg4[%mul3A_51] : memref<323712xi32, #tpu.memory_space<hbm>> -> memref<128xi32, #tpu.memory_space<hbm>>
      %dma_start3A_53 = tpu.memref_slice %arg4[%mul3A_51] : memref<323712xi32, #tpu.memory_space<hbm>> -> memref<128xi32, #tpu.memory_space<hbm>>
      tpu.enqueue_dma source(%dma_start3A_53 : memref<128xi32, #tpu.memory_space<hbm>>) target(%arg9 : memref<128xi32, #tpu.memory_space<vmem>>) target_semaphore(%arg16 : memref<!tpu.dma_semaphore, #tpu.memory_space<semaphore_mem>>)
      %add3A_54 = arith.constant 1 : i32
      %add3A_55 = arith.addi %add3A_34, %add3A_54 : i32
      %add3A_56 = arith.addi %mul3A_8, %add3A_55 : i32
      %mul3A_57 = arith.constant 128 : i32
      %mul3A_58 = arith.muli %add3A_56, %mul3A_57 : i32
      %dma_wait3A_59 = tpu.memref_slice %arg4[%mul3A_58] : memref<323712xi32, #tpu.memory_space<hbm>> -> memref<128xi32, #tpu.memory_space<hbm>>
      %dma_wait3A_60 = tpu.memref_slice %arg4[%mul3A_58] : memref<323712xi32, #tpu.memory_space<hbm>> -> memref<128xi32, #tpu.memory_space<hbm>>
      tpu.wait_dma2 semaphore(%arg17 : memref<!tpu.dma_semaphore, #tpu.memory_space<semaphore_mem>>) src(%dma_wait3A_60 : memref<128xi32, #tpu.memory_space<hbm>>) dst(%arg10 : memref<128xi32, #tpu.memory_space<vmem>>)
      "tpu.region"() ({
        %run_scoped3A = tpu.sem_alloc : memref<!tpu.dma_semaphore, #tpu.memory_space<semaphore_mem>>
        %dma_start3A_61 = arith.constant 0 : i32
        %dma_start3A_62 = arith.constant 0 : i32
        %dma_start3A_63 = tpu.memref_slice %arg13[%dma_start3A_61, %dma_start3A_62] : memref<10240x128xf32, #tpu.memory_space<vmem_shared>> -> memref<10240x128xf32, #tpu.memory_space<vmem_shared>>
        tpu.enqueue_indirect_dma source(%arg11 : memref<128x128xf32, #tpu.memory_space<vmem>>) target(%dma_start3A_63 : memref<10240x128xf32, #tpu.memory_space<vmem_shared>>) offsets(%arg10 : memref<128xi32, #tpu.memory_space<vmem>>) semaphore(%run_scoped3A : memref<!tpu.dma_semaphore, #tpu.memory_space<semaphore_mem>>) {add = true}
        %dma_wait3A_64 = arith.constant 0 : i32
        %dma_wait3A_65 = arith.constant 0 : i32
        %dma_wait3A_66 = tpu.memref_slice %arg13[%dma_wait3A_64, %dma_wait3A_65] : memref<10240x128xf32, #tpu.memory_space<vmem_shared>> -> memref<10240x128xf32, #tpu.memory_space<vmem_shared>>
        tpu.wait_indirect_dma semaphore(%run_scoped3A : memref<!tpu.dma_semaphore, #tpu.memory_space<semaphore_mem>>) src(%arg11 : memref<128x128xf32, #tpu.memory_space<vmem>>) dst(%dma_wait3A_66 : memref<10240x128xf32, #tpu.memory_space<vmem_shared>>)
        tpu.yield
      }) : () -> ()
    }
    %scan3A_18 = arith.constant 39 : i32
    %add3A_19 = arith.constant 78 : i32
    %add3A_20 = arith.addi %mul3A_8, %add3A_19 : i32
    %mul3A_21 = arith.constant 128 : i32
    %mul3A_22 = arith.muli %add3A_20, %mul3A_21 : i32
    %dma_wait3A = tpu.memref_slice %arg4[%mul3A_22] : memref<323712xi32, #tpu.memory_space<hbm>> -> memref<128xi32, #tpu.memory_space<hbm>>
    %dma_wait3A_23 = tpu.memref_slice %arg4[%mul3A_22] : memref<323712xi32, #tpu.memory_space<hbm>> -> memref<128xi32, #tpu.memory_space<hbm>>
    tpu.wait_dma2 semaphore(%arg16 : memref<!tpu.dma_semaphore, #tpu.memory_space<semaphore_mem>>) src(%dma_wait3A_23 : memref<128xi32, #tpu.memory_space<hbm>>) dst(%arg9 : memref<128xi32, #tpu.memory_space<vmem>>)
    "tpu.region"() ({
      %run_scoped3A = tpu.sem_alloc : memref<!tpu.dma_semaphore, #tpu.memory_space<semaphore_mem>>
      %dma_start3A_30 = arith.constant 0 : i32
      %dma_start3A_31 = arith.constant 0 : i32
      %dma_start3A_32 = tpu.memref_slice %arg13[%dma_start3A_30, %dma_start3A_31] : memref<10240x128xf32, #tpu.memory_space<vmem_shared>> -> memref<10240x128xf32, #tpu.memory_space<vmem_shared>>
      tpu.enqueue_indirect_dma source(%arg11 : memref<128x128xf32, #tpu.memory_space<vmem>>) target(%dma_start3A_32 : memref<10240x128xf32, #tpu.memory_space<vmem_shared>>) offsets(%arg9 : memref<128xi32, #tpu.memory_space<vmem>>) semaphore(%run_scoped3A : memref<!tpu.dma_semaphore, #tpu.memory_space<semaphore_mem>>) {add = true}
      %dma_wait3A_33 = arith.constant 0 : i32
      %dma_wait3A_34 = arith.constant 0 : i32
      %dma_wait3A_35 = tpu.memref_slice %arg13[%dma_wait3A_33, %dma_wait3A_34] : memref<10240x128xf32, #tpu.memory_space<vmem_shared>> -> memref<10240x128xf32, #tpu.memory_space<vmem_shared>>
      tpu.wait_indirect_dma semaphore(%run_scoped3A : memref<!tpu.dma_semaphore, #tpu.memory_space<semaphore_mem>>) src(%arg11 : memref<128x128xf32, #tpu.memory_space<vmem>>) dst(%dma_wait3A_35 : memref<10240x128xf32, #tpu.memory_space<vmem_shared>>)
      tpu.yield
    }) : () -> ()
    %barrier3A_24 = arith.constant 0 : index
    tpu.barrier barrier_id(%barrier3A_24)
    %scan3A_25 = arith.constant 0 : i32
    %scan3A_26 = arith.constant 5 : i32
    %scan3A_27 = arith.addi %scan3A_25, %scan3A_26 : i32
    %scan3A_28 = arith.constant 1 : i32
    scf.for %scan3A_30 = %scan3A_25 to %scan3A_27 step %scan3A_28  : i32 {
      %mul3A_31 = arith.constant 1 : i32
      %mul3A_32 = arith.muli %scan3A_30, %mul3A_31 : i32
      %add3A_33 = arith.constant 0 : i32
      %add3A_34 = arith.addi %add3A_33, %mul3A_32 : i32
      %mul3A_35 = arith.constant 128 : i32
      %mul3A_36 = arith.muli %add3A_34, %mul3A_35 : i32
      %add3A_37 = arith.addi %mul3A_2, %mul3A_36 : i32
      "tpu.region"() ({
        %run_scoped3A = tpu.sem_alloc : memref<!tpu.dma_semaphore, #tpu.memory_space<semaphore_mem>>
        %dma_start3A_38 = arith.constant 0 : i32
        %dma_start3A_39 = tpu.memref_slice %arg13[%add3A_37, %dma_start3A_38] : memref<10240x128xf32, #tpu.memory_space<vmem_shared>> -> memref<128x128xf32, #tpu.memory_space<vmem_shared>>
        %dma_start3A_40 = arith.constant 0 : i32
        %dma_start3A_41 = tpu.memref_slice %arg13[%add3A_37, %dma_start3A_40] : memref<10240x128xf32, #tpu.memory_space<vmem_shared>> -> memref<128x128xf32, #tpu.memory_space<vmem_shared>>
        tpu.enqueue_dma source(%dma_start3A_41 : memref<128x128xf32, #tpu.memory_space<vmem_shared>>) target(%arg11 : memref<128x128xf32, #tpu.memory_space<vmem>>) target_semaphore(%run_scoped3A : memref<!tpu.dma_semaphore, #tpu.memory_space<semaphore_mem>>)
        %dma_wait3A_42 = arith.constant 0 : i32
        %dma_wait3A_43 = tpu.memref_slice %arg13[%add3A_37, %dma_wait3A_42] : memref<10240x128xf32, #tpu.memory_space<vmem_shared>> -> memref<128x128xf32, #tpu.memory_space<vmem_shared>>
        %dma_wait3A_44 = arith.constant 0 : i32
        %dma_wait3A_45 = tpu.memref_slice %arg13[%add3A_37, %dma_wait3A_44] : memref<10240x128xf32, #tpu.memory_space<vmem_shared>> -> memref<128x128xf32, #tpu.memory_space<vmem_shared>>
        tpu.wait_dma2 semaphore(%run_scoped3A : memref<!tpu.dma_semaphore, #tpu.memory_space<semaphore_mem>>) src(%dma_wait3A_45 : memref<128x128xf32, #tpu.memory_space<vmem_shared>>) dst(%arg11 : memref<128x128xf32, #tpu.memory_space<vmem>>)
        tpu.yield
      }) : () -> ()
      "tpu.region"() ({
        %run_scoped3A = tpu.sem_alloc : memref<!tpu.dma_semaphore, #tpu.memory_space<semaphore_mem>>
        %dma_start3A_38 = arith.constant 0 : i32
        %dma_start3A_39 = tpu.memref_slice %arg6[%arg0, %add3A_37, %dma_start3A_38] : memref<2x10240x128xf32, #tpu.memory_space<hbm>> -> memref<1x128x128xf32, #tpu.memory_space<hbm>>
        %dma_start3A_40 = tpu.memref_squeeze %dma_start3A_39 : memref<1x128x128xf32, #tpu.memory_space<hbm>> -> memref<128x128xf32, #tpu.memory_space<hbm>>
        %dma_start3A_41 = arith.constant 0 : i32
        %dma_start3A_42 = tpu.memref_slice %arg6[%arg0, %add3A_37, %dma_start3A_41] : memref<2x10240x128xf32, #tpu.memory_space<hbm>> -> memref<1x128x128xf32, #tpu.memory_space<hbm>>
        %dma_start3A_43 = tpu.memref_squeeze %dma_start3A_42 : memref<1x128x128xf32, #tpu.memory_space<hbm>> -> memref<128x128xf32, #tpu.memory_space<hbm>>
        tpu.enqueue_dma source(%arg11 : memref<128x128xf32, #tpu.memory_space<vmem>>) target(%dma_start3A_43 : memref<128x128xf32, #tpu.memory_space<hbm>>) target_semaphore(%run_scoped3A : memref<!tpu.dma_semaphore, #tpu.memory_space<semaphore_mem>>)
        %dma_wait3A_44 = arith.constant 0 : i32
        %dma_wait3A_45 = tpu.memref_slice %arg6[%arg0, %add3A_37, %dma_wait3A_44] : memref<2x10240x128xf32, #tpu.memory_space<hbm>> -> memref<1x128x128xf32, #tpu.memory_space<hbm>>
        %dma_wait3A_46 = tpu.memref_squeeze %dma_wait3A_45 : memref<1x128x128xf32, #tpu.memory_space<hbm>> -> memref<128x128xf32, #tpu.memory_space<hbm>>
        %dma_wait3A_47 = arith.constant 0 : i32
        %dma_wait3A_48 = tpu.memref_slice %arg6[%arg0, %add3A_37, %dma_wait3A_47] : memref<2x10240x128xf32, #tpu.memory_space<hbm>> -> memref<1x128x128xf32, #tpu.memory_space<hbm>>
        %dma_wait3A_49 = tpu.memref_squeeze %dma_wait3A_48 : memref<1x128x128xf32, #tpu.memory_space<hbm>> -> memref<128x128xf32, #tpu.memory_space<hbm>>
        tpu.wait_dma2 semaphore(%run_scoped3A : memref<!tpu.dma_semaphore, #tpu.memory_space<semaphore_mem>>) src(%arg11 : memref<128x128xf32, #tpu.memory_space<vmem>>) dst(%dma_wait3A_49 : memref<128x128xf32, #tpu.memory_space<hbm>>)
        tpu.yield
      }) : () -> ()
    }
    %scan3A_29 = arith.constant 5 : i32
    return
  }
}

#map = affine_map<(d0, d1) -> (0, 0)>
#map1 = affine_map<(d0, d1) -> (0)>
#map2 = affine_map<(d0, d1) -> (0, 0, 0)>
module attributes {stable_mosaic.version = 14 : i64} {
  func.func @sage_sc_scatter_g1(%arg0: i32, %arg1: i32, %arg2: memref<10000x128xf32, #tpu.memory_space<hbm>>, %arg3: memref<323712xi32, #tpu.memory_space<hbm>>, %arg4: memref<323712xi32, #tpu.memory_space<hbm>>, %arg5: memref<128x128xf32, #tpu.memory_space<hbm>>, %arg6: memref<2x10240x128xf32, #tpu.memory_space<hbm>>, %arg7: memref<128xi32, #tpu.memory_space<vmem>>, %arg8: memref<128xi32, #tpu.memory_space<vmem>>, %arg9: memref<128xi32, #tpu.memory_space<vmem>>, %arg10: memref<128xi32, #tpu.memory_space<vmem>>, %arg11: memref<128x128xf32, #tpu.memory_space<vmem>>, %arg12: memref<128x128xf32, #tpu.memory_space<vmem>>, %arg13: memref<10240x128xf32, #tpu.memory_space<vmem_shared>>, %arg14: memref<!tpu.dma_semaphore, #tpu.memory_space<semaphore_mem>>, %arg15: memref<!tpu.dma_semaphore, #tpu.memory_space<semaphore_mem>>, %arg16: memref<!tpu.dma_semaphore, #tpu.memory_space<semaphore_mem>>, %arg17: memref<!tpu.dma_semaphore, #tpu.memory_space<semaphore_mem>>) attributes {dimension_semantics = [#tpu.dimension_semantics<core_parallel>, #tpu.dimension_semantics<subcore_parallel>], iteration_bounds = array<i64: 2, 16>, scalar_prefetch = 0 : i64, scratch_operands = 11 : i64, tpu.core_type = #tpu.core_type<sc_vector_subcore>, window_params = [{transform_indices = #map}, {transform_indices = #map1}, {transform_indices = #map1}, {transform_indices = #map}, {transform_indices = #map2}]} {
    %mul3A = arith.constant 2 : i32
    %mul3A_0 = arith.muli %arg1, %mul3A : i32
    %add3A = arith.addi %mul3A_0, %arg0 : i32
    %mul3A_1 = arith.constant 640 : i32
    %mul3A_2 = arith.muli %arg1, %mul3A_1 : i32
    "tpu.region"() ({
      %run_scoped3A = tpu.sem_alloc : memref<!tpu.dma_semaphore, #tpu.memory_space<semaphore_mem>>
      tpu.enqueue_dma source(%arg5 : memref<128x128xf32, #tpu.memory_space<hbm>>) target(%arg11 : memref<128x128xf32, #tpu.memory_space<vmem>>) target_semaphore(%run_scoped3A : memref<!tpu.dma_semaphore, #tpu.memory_space<semaphore_mem>>)
      tpu.wait_dma2 semaphore(%run_scoped3A : memref<!tpu.dma_semaphore, #tpu.memory_space<semaphore_mem>>) src(%arg5 : memref<128x128xf32, #tpu.memory_space<hbm>>) dst(%arg11 : memref<128x128xf32, #tpu.memory_space<vmem>>)
      tpu.yield
    }) : () -> ()
    %scan3A = arith.constant 0 : i32
    %scan3A_3 = arith.constant 5 : i32
    %scan3A_4 = arith.addi %scan3A, %scan3A_3 : i32
    %scan3A_5 = arith.constant 1 : i32
    scf.for %scan3A_81 = %scan3A to %scan3A_4 step %scan3A_5  : i32 {
      %mul3A_82 = arith.constant 1 : i32
      %mul3A_83 = arith.muli %scan3A_81, %mul3A_82 : i32
      %add3A_84 = arith.constant 0 : i32
      %add3A_85 = arith.addi %add3A_84, %mul3A_83 : i32
      %mul3A_86 = arith.constant 128 : i32
      %mul3A_87 = arith.muli %add3A_85, %mul3A_86 : i32
      %add3A_88 = arith.addi %mul3A_2, %mul3A_87 : i32
      "tpu.region"() ({
        %run_scoped3A = tpu.sem_alloc : memref<!tpu.dma_semaphore, #tpu.memory_space<semaphore_mem>>
        %dma_start3A_89 = arith.constant 0 : i32
        %dma_start3A_90 = tpu.memref_slice %arg13[%add3A_88, %dma_start3A_89] : memref<10240x128xf32, #tpu.memory_space<vmem_shared>> -> memref<128x128xf32, #tpu.memory_space<vmem_shared>>
        %dma_start3A_91 = arith.constant 0 : i32
        %dma_start3A_92 = tpu.memref_slice %arg13[%add3A_88, %dma_start3A_91] : memref<10240x128xf32, #tpu.memory_space<vmem_shared>> -> memref<128x128xf32, #tpu.memory_space<vmem_shared>>
        tpu.enqueue_dma source(%arg11 : memref<128x128xf32, #tpu.memory_space<vmem>>) target(%dma_start3A_92 : memref<128x128xf32, #tpu.memory_space<vmem_shared>>) target_semaphore(%run_scoped3A : memref<!tpu.dma_semaphore, #tpu.memory_space<semaphore_mem>>)
        %dma_wait3A_93 = arith.constant 0 : i32
        %dma_wait3A_94 = tpu.memref_slice %arg13[%add3A_88, %dma_wait3A_93] : memref<10240x128xf32, #tpu.memory_space<vmem_shared>> -> memref<128x128xf32, #tpu.memory_space<vmem_shared>>
        %dma_wait3A_95 = arith.constant 0 : i32
        %dma_wait3A_96 = tpu.memref_slice %arg13[%add3A_88, %dma_wait3A_95] : memref<10240x128xf32, #tpu.memory_space<vmem_shared>> -> memref<128x128xf32, #tpu.memory_space<vmem_shared>>
        tpu.wait_dma2 semaphore(%run_scoped3A : memref<!tpu.dma_semaphore, #tpu.memory_space<semaphore_mem>>) src(%arg11 : memref<128x128xf32, #tpu.memory_space<vmem>>) dst(%dma_wait3A_96 : memref<128x128xf32, #tpu.memory_space<vmem_shared>>)
        tpu.yield
      }) : () -> ()
    }
    %scan3A_6 = arith.constant 5 : i32
    %mul3A_7 = arith.constant 158 : i32
    %mul3A_8 = arith.muli %arg1, %mul3A_7 : i32
    %mul3A_9 = arith.constant 132 : i32
    %mul3A_10 = arith.muli %arg0, %mul3A_9 : i32
    %add3A_11 = arith.addi %mul3A_8, %mul3A_10 : i32
    %eq3A = arith.constant 0 : i32
    %eq3A_12 = arith.cmpi eq, %arg0, %eq3A : i32
    %jit3A = arith.constant 132 : i32
    %jit3A_13 = arith.constant 26 : i32
    %select_n3A = arith.select %eq3A_12, %jit3A, %jit3A_13 : i32
    %barrier3A = arith.constant 0 : index
    tpu.barrier barrier_id(%barrier3A)
    %add3A_14 = arith.constant 0 : i32
    %add3A_15 = arith.addi %add3A_11, %add3A_14 : i32
    %mul3A_16 = arith.constant 128 : i32
    %mul3A_17 = arith.muli %add3A_15, %mul3A_16 : i32
    %dma_start3A = tpu.memref_slice %arg3[%mul3A_17] : memref<323712xi32, #tpu.memory_space<hbm>> -> memref<128xi32, #tpu.memory_space<hbm>>
    %dma_start3A_18 = tpu.memref_slice %arg3[%mul3A_17] : memref<323712xi32, #tpu.memory_space<hbm>> -> memref<128xi32, #tpu.memory_space<hbm>>
    tpu.enqueue_dma source(%dma_start3A_18 : memref<128xi32, #tpu.memory_space<hbm>>) target(%arg7 : memref<128xi32, #tpu.memory_space<vmem>>) target_semaphore(%arg16 : memref<!tpu.dma_semaphore, #tpu.memory_space<semaphore_mem>>)
    %dma_start3A_19 = tpu.memref_slice %arg4[%mul3A_17] : memref<323712xi32, #tpu.memory_space<hbm>> -> memref<128xi32, #tpu.memory_space<hbm>>
    %dma_start3A_20 = tpu.memref_slice %arg4[%mul3A_17] : memref<323712xi32, #tpu.memory_space<hbm>> -> memref<128xi32, #tpu.memory_space<hbm>>
    tpu.enqueue_dma source(%dma_start3A_20 : memref<128xi32, #tpu.memory_space<hbm>>) target(%arg9 : memref<128xi32, #tpu.memory_space<vmem>>) target_semaphore(%arg16 : memref<!tpu.dma_semaphore, #tpu.memory_space<semaphore_mem>>)
    %add3A_21 = arith.constant 0 : i32
    %add3A_22 = arith.addi %add3A_11, %add3A_21 : i32
    %mul3A_23 = arith.constant 128 : i32
    %mul3A_24 = arith.muli %add3A_22, %mul3A_23 : i32
    %dma_wait3A = tpu.memref_slice %arg3[%mul3A_24] : memref<323712xi32, #tpu.memory_space<hbm>> -> memref<128xi32, #tpu.memory_space<hbm>>
    %dma_wait3A_25 = tpu.memref_slice %arg3[%mul3A_24] : memref<323712xi32, #tpu.memory_space<hbm>> -> memref<128xi32, #tpu.memory_space<hbm>>
    tpu.wait_dma2 semaphore(%arg16 : memref<!tpu.dma_semaphore, #tpu.memory_space<semaphore_mem>>) src(%dma_wait3A_25 : memref<128xi32, #tpu.memory_space<hbm>>) dst(%arg7 : memref<128xi32, #tpu.memory_space<vmem>>)
    %dma_wait3A_26 = tpu.memref_slice %arg4[%mul3A_24] : memref<323712xi32, #tpu.memory_space<hbm>> -> memref<128xi32, #tpu.memory_space<hbm>>
    %dma_wait3A_27 = tpu.memref_slice %arg4[%mul3A_24] : memref<323712xi32, #tpu.memory_space<hbm>> -> memref<128xi32, #tpu.memory_space<hbm>>
    tpu.wait_dma2 semaphore(%arg16 : memref<!tpu.dma_semaphore, #tpu.memory_space<semaphore_mem>>) src(%dma_wait3A_27 : memref<128xi32, #tpu.memory_space<hbm>>) dst(%arg9 : memref<128xi32, #tpu.memory_space<vmem>>)
    %add3A_28 = arith.constant 1 : i32
    %add3A_29 = arith.addi %add3A_11, %add3A_28 : i32
    %mul3A_30 = arith.constant 128 : i32
    %mul3A_31 = arith.muli %add3A_29, %mul3A_30 : i32
    %dma_start3A_32 = tpu.memref_slice %arg3[%mul3A_31] : memref<323712xi32, #tpu.memory_space<hbm>> -> memref<128xi32, #tpu.memory_space<hbm>>
    %dma_start3A_33 = tpu.memref_slice %arg3[%mul3A_31] : memref<323712xi32, #tpu.memory_space<hbm>> -> memref<128xi32, #tpu.memory_space<hbm>>
    tpu.enqueue_dma source(%dma_start3A_33 : memref<128xi32, #tpu.memory_space<hbm>>) target(%arg8 : memref<128xi32, #tpu.memory_space<vmem>>) target_semaphore(%arg17 : memref<!tpu.dma_semaphore, #tpu.memory_space<semaphore_mem>>)
    %dma_start3A_34 = tpu.memref_slice %arg4[%mul3A_31] : memref<323712xi32, #tpu.memory_space<hbm>> -> memref<128xi32, #tpu.memory_space<hbm>>
    %dma_start3A_35 = tpu.memref_slice %arg4[%mul3A_31] : memref<323712xi32, #tpu.memory_space<hbm>> -> memref<128xi32, #tpu.memory_space<hbm>>
    tpu.enqueue_dma source(%dma_start3A_35 : memref<128xi32, #tpu.memory_space<hbm>>) target(%arg10 : memref<128xi32, #tpu.memory_space<vmem>>) target_semaphore(%arg17 : memref<!tpu.dma_semaphore, #tpu.memory_space<semaphore_mem>>)
    %dma_start3A_36 = arith.constant 0 : i32
    %dma_start3A_37 = arith.constant 0 : i32
    %dma_start3A_38 = tpu.memref_slice %arg2[%dma_start3A_36, %dma_start3A_37] : memref<10000x128xf32, #tpu.memory_space<hbm>> -> memref<10000x128xf32, #tpu.memory_space<hbm>>
    tpu.enqueue_indirect_dma source(%dma_start3A_38 : memref<10000x128xf32, #tpu.memory_space<hbm>>) target(%arg11 : memref<128x128xf32, #tpu.memory_space<vmem>>) offsets(%arg7 : memref<128xi32, #tpu.memory_space<vmem>>) semaphore(%arg14 : memref<!tpu.dma_semaphore, #tpu.memory_space<semaphore_mem>>)
    %sub3A = arith.constant 2 : i32
    %sub3A_39 = arith.subi %select_n3A, %sub3A : i32
    %sub3A_40 = arith.constant 0 : i32
    %sub3A_41 = arith.subi %sub3A_39, %sub3A_40 : i32
    %sub3A_42 = arith.constant 2 : i32
    %sub3A_43 = arith.constant 1 : i32
    %sub3A_44 = arith.subi %sub3A_42, %sub3A_43 : i32
    %add3A_45 = arith.addi %sub3A_41, %sub3A_44 : i32
    %div3A = arith.constant 2 : i32
    %div3A_46 = arith.divsi %add3A_45, %div3A : i32
    %while3A = arith.constant 2 : i32
    %while3A_47 = arith.constant 0 : i32
    %while3A_48 = arith.constant 0 : i32
    %while3A_49 = arith.subi %div3A_46, %while3A_48 : i32
    %while3A_50 = arith.addi %while3A_48, %while3A_49 : i32
    %while3A_51 = arith.constant 1 : i32
    %while3A_52 = arith.divsi %while3A_49, %while3A_51 : i32
    %while3A_53 = arith.muli %while3A_52, %while3A_51 : i32
    %while3A_54 = arith.addi %while3A_48, %while3A_53 : i32
    %while3A_55 = arith.constant 1 : i32
    scf.for %while3A_81 = %while3A_48 to %while3A_54 step %while3A_55  : i32 {
      %mul3A_82 = arith.muli %while3A_81, %while3A : i32
      %add3A_83 = arith.addi %while3A_47, %mul3A_82 : i32
      %dma_wait3A_84 = arith.constant 0 : i32
      %dma_wait3A_85 = arith.constant 0 : i32
      %dma_wait3A_86 = tpu.memref_slice %arg2[%dma_wait3A_84, %dma_wait3A_85] : memref<10000x128xf32, #tpu.memory_space<hbm>> -> memref<10000x128xf32, #tpu.memory_space<hbm>>
      tpu.wait_indirect_dma semaphore(%arg14 : memref<!tpu.dma_semaphore, #tpu.memory_space<semaphore_mem>>) src(%dma_wait3A_86 : memref<10000x128xf32, #tpu.memory_space<hbm>>) dst(%arg11 : memref<128x128xf32, #tpu.memory_space<vmem>>)
      %add3A_87 = arith.constant 1 : i32
      %add3A_88 = arith.addi %add3A_83, %add3A_87 : i32
      %add3A_89 = arith.addi %add3A_11, %add3A_88 : i32
      %mul3A_90 = arith.constant 128 : i32
      %mul3A_91 = arith.muli %add3A_89, %mul3A_90 : i32
      %dma_wait3A_92 = tpu.memref_slice %arg3[%mul3A_91] : memref<323712xi32, #tpu.memory_space<hbm>> -> memref<128xi32, #tpu.memory_space<hbm>>
      %dma_wait3A_93 = tpu.memref_slice %arg3[%mul3A_91] : memref<323712xi32, #tpu.memory_space<hbm>> -> memref<128xi32, #tpu.memory_space<hbm>>
      tpu.wait_dma2 semaphore(%arg17 : memref<!tpu.dma_semaphore, #tpu.memory_space<semaphore_mem>>) src(%dma_wait3A_93 : memref<128xi32, #tpu.memory_space<hbm>>) dst(%arg8 : memref<128xi32, #tpu.memory_space<vmem>>)
      %dma_wait3A_94 = tpu.memref_slice %arg4[%mul3A_91] : memref<323712xi32, #tpu.memory_space<hbm>> -> memref<128xi32, #tpu.memory_space<hbm>>
      %dma_wait3A_95 = tpu.memref_slice %arg4[%mul3A_91] : memref<323712xi32, #tpu.memory_space<hbm>> -> memref<128xi32, #tpu.memory_space<hbm>>
      tpu.wait_dma2 semaphore(%arg17 : memref<!tpu.dma_semaphore, #tpu.memory_space<semaphore_mem>>) src(%dma_wait3A_95 : memref<128xi32, #tpu.memory_space<hbm>>) dst(%arg10 : memref<128xi32, #tpu.memory_space<vmem>>)
      %dma_start3A_96 = arith.constant 0 : i32
      %dma_start3A_97 = arith.constant 0 : i32
      %dma_start3A_98 = tpu.memref_slice %arg2[%dma_start3A_96, %dma_start3A_97] : memref<10000x128xf32, #tpu.memory_space<hbm>> -> memref<10000x128xf32, #tpu.memory_space<hbm>>
      tpu.enqueue_indirect_dma source(%dma_start3A_98 : memref<10000x128xf32, #tpu.memory_space<hbm>>) target(%arg12 : memref<128x128xf32, #tpu.memory_space<vmem>>) offsets(%arg8 : memref<128xi32, #tpu.memory_space<vmem>>) semaphore(%arg15 : memref<!tpu.dma_semaphore, #tpu.memory_space<semaphore_mem>>)
      "tpu.region"() ({
        %run_scoped3A = tpu.sem_alloc : memref<!tpu.dma_semaphore, #tpu.memory_space<semaphore_mem>>
        %dma_start3A_132 = arith.constant 0 : i32
        %dma_start3A_133 = arith.constant 0 : i32
        %dma_start3A_134 = tpu.memref_slice %arg13[%dma_start3A_132, %dma_start3A_133] : memref<10240x128xf32, #tpu.memory_space<vmem_shared>> -> memref<10240x128xf32, #tpu.memory_space<vmem_shared>>
        tpu.enqueue_indirect_dma source(%arg11 : memref<128x128xf32, #tpu.memory_space<vmem>>) target(%dma_start3A_134 : memref<10240x128xf32, #tpu.memory_space<vmem_shared>>) offsets(%arg9 : memref<128xi32, #tpu.memory_space<vmem>>) semaphore(%run_scoped3A : memref<!tpu.dma_semaphore, #tpu.memory_space<semaphore_mem>>) {add = true}
        %dma_wait3A_135 = arith.constant 0 : i32
        %dma_wait3A_136 = arith.constant 0 : i32
        %dma_wait3A_137 = tpu.memref_slice %arg13[%dma_wait3A_135, %dma_wait3A_136] : memref<10240x128xf32, #tpu.memory_space<vmem_shared>> -> memref<10240x128xf32, #tpu.memory_space<vmem_shared>>
        tpu.wait_indirect_dma semaphore(%run_scoped3A : memref<!tpu.dma_semaphore, #tpu.memory_space<semaphore_mem>>) src(%arg11 : memref<128x128xf32, #tpu.memory_space<vmem>>) dst(%dma_wait3A_137 : memref<10240x128xf32, #tpu.memory_space<vmem_shared>>)
        tpu.yield
      }) : () -> ()
      %add3A_99 = arith.constant 2 : i32
      %add3A_100 = arith.addi %add3A_83, %add3A_99 : i32
      %add3A_101 = arith.addi %add3A_11, %add3A_100 : i32
      %mul3A_102 = arith.constant 128 : i32
      %mul3A_103 = arith.muli %add3A_101, %mul3A_102 : i32
      %dma_start3A_104 = tpu.memref_slice %arg3[%mul3A_103] : memref<323712xi32, #tpu.memory_space<hbm>> -> memref<128xi32, #tpu.memory_space<hbm>>
      %dma_start3A_105 = tpu.memref_slice %arg3[%mul3A_103] : memref<323712xi32, #tpu.memory_space<hbm>> -> memref<128xi32, #tpu.memory_space<hbm>>
      tpu.enqueue_dma source(%dma_start3A_105 : memref<128xi32, #tpu.memory_space<hbm>>) target(%arg7 : memref<128xi32, #tpu.memory_space<vmem>>) target_semaphore(%arg16 : memref<!tpu.dma_semaphore, #tpu.memory_space<semaphore_mem>>)
      %dma_start3A_106 = tpu.memref_slice %arg4[%mul3A_103] : memref<323712xi32, #tpu.memory_space<hbm>> -> memref<128xi32, #tpu.memory_space<hbm>>
      %dma_start3A_107 = tpu.memref_slice %arg4[%mul3A_103] : memref<323712xi32, #tpu.memory_space<hbm>> -> memref<128xi32, #tpu.memory_space<hbm>>
      tpu.enqueue_dma source(%dma_start3A_107 : memref<128xi32, #tpu.memory_space<hbm>>) target(%arg9 : memref<128xi32, #tpu.memory_space<vmem>>) target_semaphore(%arg16 : memref<!tpu.dma_semaphore, #tpu.memory_space<semaphore_mem>>)
      %dma_wait3A_108 = arith.constant 0 : i32
      %dma_wait3A_109 = arith.constant 0 : i32
      %dma_wait3A_110 = tpu.memref_slice %arg2[%dma_wait3A_108, %dma_wait3A_109] : memref<10000x128xf32, #tpu.memory_space<hbm>> -> memref<10000x128xf32, #tpu.memory_space<hbm>>
      tpu.wait_indirect_dma semaphore(%arg15 : memref<!tpu.dma_semaphore, #tpu.memory_space<semaphore_mem>>) src(%dma_wait3A_110 : memref<10000x128xf32, #tpu.memory_space<hbm>>) dst(%arg12 : memref<128x128xf32, #tpu.memory_space<vmem>>)
      %add3A_111 = arith.constant 2 : i32
      %add3A_112 = arith.addi %add3A_83, %add3A_111 : i32
      %add3A_113 = arith.addi %add3A_11, %add3A_112 : i32
      %mul3A_114 = arith.constant 128 : i32
      %mul3A_115 = arith.muli %add3A_113, %mul3A_114 : i32
      %dma_wait3A_116 = tpu.memref_slice %arg3[%mul3A_115] : memref<323712xi32, #tpu.memory_space<hbm>> -> memref<128xi32, #tpu.memory_space<hbm>>
      %dma_wait3A_117 = tpu.memref_slice %arg3[%mul3A_115] : memref<323712xi32, #tpu.memory_space<hbm>> -> memref<128xi32, #tpu.memory_space<hbm>>
      tpu.wait_dma2 semaphore(%arg16 : memref<!tpu.dma_semaphore, #tpu.memory_space<semaphore_mem>>) src(%dma_wait3A_117 : memref<128xi32, #tpu.memory_space<hbm>>) dst(%arg7 : memref<128xi32, #tpu.memory_space<vmem>>)
      %dma_wait3A_118 = tpu.memref_slice %arg4[%mul3A_115] : memref<323712xi32, #tpu.memory_space<hbm>> -> memref<128xi32, #tpu.memory_space<hbm>>
      %dma_wait3A_119 = tpu.memref_slice %arg4[%mul3A_115] : memref<323712xi32, #tpu.memory_space<hbm>> -> memref<128xi32, #tpu.memory_space<hbm>>
      tpu.wait_dma2 semaphore(%arg16 : memref<!tpu.dma_semaphore, #tpu.memory_space<semaphore_mem>>) src(%dma_wait3A_119 : memref<128xi32, #tpu.memory_space<hbm>>) dst(%arg9 : memref<128xi32, #tpu.memory_space<vmem>>)
      %dma_start3A_120 = arith.constant 0 : i32
      %dma_start3A_121 = arith.constant 0 : i32
      %dma_start3A_122 = tpu.memref_slice %arg2[%dma_start3A_120, %dma_start3A_121] : memref<10000x128xf32, #tpu.memory_space<hbm>> -> memref<10000x128xf32, #tpu.memory_space<hbm>>
      tpu.enqueue_indirect_dma source(%dma_start3A_122 : memref<10000x128xf32, #tpu.memory_space<hbm>>) target(%arg11 : memref<128x128xf32, #tpu.memory_space<vmem>>) offsets(%arg7 : memref<128xi32, #tpu.memory_space<vmem>>) semaphore(%arg14 : memref<!tpu.dma_semaphore, #tpu.memory_space<semaphore_mem>>)
      "tpu.region"() ({
        %run_scoped3A = tpu.sem_alloc : memref<!tpu.dma_semaphore, #tpu.memory_space<semaphore_mem>>
        %dma_start3A_132 = arith.constant 0 : i32
        %dma_start3A_133 = arith.constant 0 : i32
        %dma_start3A_134 = tpu.memref_slice %arg13[%dma_start3A_132, %dma_start3A_133] : memref<10240x128xf32, #tpu.memory_space<vmem_shared>> -> memref<10240x128xf32, #tpu.memory_space<vmem_shared>>
        tpu.enqueue_indirect_dma source(%arg12 : memref<128x128xf32, #tpu.memory_space<vmem>>) target(%dma_start3A_134 : memref<10240x128xf32, #tpu.memory_space<vmem_shared>>) offsets(%arg10 : memref<128xi32, #tpu.memory_space<vmem>>) semaphore(%run_scoped3A : memref<!tpu.dma_semaphore, #tpu.memory_space<semaphore_mem>>) {add = true}
        %dma_wait3A_135 = arith.constant 0 : i32
        %dma_wait3A_136 = arith.constant 0 : i32
        %dma_wait3A_137 = tpu.memref_slice %arg13[%dma_wait3A_135, %dma_wait3A_136] : memref<10240x128xf32, #tpu.memory_space<vmem_shared>> -> memref<10240x128xf32, #tpu.memory_space<vmem_shared>>
        tpu.wait_indirect_dma semaphore(%run_scoped3A : memref<!tpu.dma_semaphore, #tpu.memory_space<semaphore_mem>>) src(%arg12 : memref<128x128xf32, #tpu.memory_space<vmem>>) dst(%dma_wait3A_137 : memref<10240x128xf32, #tpu.memory_space<vmem_shared>>)
        tpu.yield
      }) : () -> ()
      %add3A_123 = arith.constant 3 : i32
      %add3A_124 = arith.addi %add3A_83, %add3A_123 : i32
      %add3A_125 = arith.addi %add3A_11, %add3A_124 : i32
      %mul3A_126 = arith.constant 128 : i32
      %mul3A_127 = arith.muli %add3A_125, %mul3A_126 : i32
      %dma_start3A_128 = tpu.memref_slice %arg3[%mul3A_127] : memref<323712xi32, #tpu.memory_space<hbm>> -> memref<128xi32, #tpu.memory_space<hbm>>
      %dma_start3A_129 = tpu.memref_slice %arg3[%mul3A_127] : memref<323712xi32, #tpu.memory_space<hbm>> -> memref<128xi32, #tpu.memory_space<hbm>>
      tpu.enqueue_dma source(%dma_start3A_129 : memref<128xi32, #tpu.memory_space<hbm>>) target(%arg8 : memref<128xi32, #tpu.memory_space<vmem>>) target_semaphore(%arg17 : memref<!tpu.dma_semaphore, #tpu.memory_space<semaphore_mem>>)
      %dma_start3A_130 = tpu.memref_slice %arg4[%mul3A_127] : memref<323712xi32, #tpu.memory_space<hbm>> -> memref<128xi32, #tpu.memory_space<hbm>>
      %dma_start3A_131 = tpu.memref_slice %arg4[%mul3A_127] : memref<323712xi32, #tpu.memory_space<hbm>> -> memref<128xi32, #tpu.memory_space<hbm>>
      tpu.enqueue_dma source(%dma_start3A_131 : memref<128xi32, #tpu.memory_space<hbm>>) target(%arg10 : memref<128xi32, #tpu.memory_space<vmem>>) target_semaphore(%arg17 : memref<!tpu.dma_semaphore, #tpu.memory_space<semaphore_mem>>)
    }
    %while3A_56 = arith.constant 1 : i32
    scf.for %while3A_81 = %while3A_54 to %while3A_50 step %while3A_56  : i32 {
      %mul3A_82 = arith.muli %while3A_81, %while3A : i32
      %add3A_83 = arith.addi %while3A_47, %mul3A_82 : i32
      %dma_wait3A_84 = arith.constant 0 : i32
      %dma_wait3A_85 = arith.constant 0 : i32
      %dma_wait3A_86 = tpu.memref_slice %arg2[%dma_wait3A_84, %dma_wait3A_85] : memref<10000x128xf32, #tpu.memory_space<hbm>> -> memref<10000x128xf32, #tpu.memory_space<hbm>>
      tpu.wait_indirect_dma semaphore(%arg14 : memref<!tpu.dma_semaphore, #tpu.memory_space<semaphore_mem>>) src(%dma_wait3A_86 : memref<10000x128xf32, #tpu.memory_space<hbm>>) dst(%arg11 : memref<128x128xf32, #tpu.memory_space<vmem>>)
      %add3A_87 = arith.constant 1 : i32
      %add3A_88 = arith.addi %add3A_83, %add3A_87 : i32
      %add3A_89 = arith.addi %add3A_11, %add3A_88 : i32
      %mul3A_90 = arith.constant 128 : i32
      %mul3A_91 = arith.muli %add3A_89, %mul3A_90 : i32
      %dma_wait3A_92 = tpu.memref_slice %arg3[%mul3A_91] : memref<323712xi32, #tpu.memory_space<hbm>> -> memref<128xi32, #tpu.memory_space<hbm>>
      %dma_wait3A_93 = tpu.memref_slice %arg3[%mul3A_91] : memref<323712xi32, #tpu.memory_space<hbm>> -> memref<128xi32, #tpu.memory_space<hbm>>
      tpu.wait_dma2 semaphore(%arg17 : memref<!tpu.dma_semaphore, #tpu.memory_space<semaphore_mem>>) src(%dma_wait3A_93 : memref<128xi32, #tpu.memory_space<hbm>>) dst(%arg8 : memref<128xi32, #tpu.memory_space<vmem>>)
      %dma_wait3A_94 = tpu.memref_slice %arg4[%mul3A_91] : memref<323712xi32, #tpu.memory_space<hbm>> -> memref<128xi32, #tpu.memory_space<hbm>>
      %dma_wait3A_95 = tpu.memref_slice %arg4[%mul3A_91] : memref<323712xi32, #tpu.memory_space<hbm>> -> memref<128xi32, #tpu.memory_space<hbm>>
      tpu.wait_dma2 semaphore(%arg17 : memref<!tpu.dma_semaphore, #tpu.memory_space<semaphore_mem>>) src(%dma_wait3A_95 : memref<128xi32, #tpu.memory_space<hbm>>) dst(%arg10 : memref<128xi32, #tpu.memory_space<vmem>>)
      %dma_start3A_96 = arith.constant 0 : i32
      %dma_start3A_97 = arith.constant 0 : i32
      %dma_start3A_98 = tpu.memref_slice %arg2[%dma_start3A_96, %dma_start3A_97] : memref<10000x128xf32, #tpu.memory_space<hbm>> -> memref<10000x128xf32, #tpu.memory_space<hbm>>
      tpu.enqueue_indirect_dma source(%dma_start3A_98 : memref<10000x128xf32, #tpu.memory_space<hbm>>) target(%arg12 : memref<128x128xf32, #tpu.memory_space<vmem>>) offsets(%arg8 : memref<128xi32, #tpu.memory_space<vmem>>) semaphore(%arg15 : memref<!tpu.dma_semaphore, #tpu.memory_space<semaphore_mem>>)
      "tpu.region"() ({
        %run_scoped3A = tpu.sem_alloc : memref<!tpu.dma_semaphore, #tpu.memory_space<semaphore_mem>>
        %dma_start3A_132 = arith.constant 0 : i32
        %dma_start3A_133 = arith.constant 0 : i32
        %dma_start3A_134 = tpu.memref_slice %arg13[%dma_start3A_132, %dma_start3A_133] : memref<10240x128xf32, #tpu.memory_space<vmem_shared>> -> memref<10240x128xf32, #tpu.memory_space<vmem_shared>>
        tpu.enqueue_indirect_dma source(%arg11 : memref<128x128xf32, #tpu.memory_space<vmem>>) target(%dma_start3A_134 : memref<10240x128xf32, #tpu.memory_space<vmem_shared>>) offsets(%arg9 : memref<128xi32, #tpu.memory_space<vmem>>) semaphore(%run_scoped3A : memref<!tpu.dma_semaphore, #tpu.memory_space<semaphore_mem>>) {add = true}
        %dma_wait3A_135 = arith.constant 0 : i32
        %dma_wait3A_136 = arith.constant 0 : i32
        %dma_wait3A_137 = tpu.memref_slice %arg13[%dma_wait3A_135, %dma_wait3A_136] : memref<10240x128xf32, #tpu.memory_space<vmem_shared>> -> memref<10240x128xf32, #tpu.memory_space<vmem_shared>>
        tpu.wait_indirect_dma semaphore(%run_scoped3A : memref<!tpu.dma_semaphore, #tpu.memory_space<semaphore_mem>>) src(%arg11 : memref<128x128xf32, #tpu.memory_space<vmem>>) dst(%dma_wait3A_137 : memref<10240x128xf32, #tpu.memory_space<vmem_shared>>)
        tpu.yield
      }) : () -> ()
      %add3A_99 = arith.constant 2 : i32
      %add3A_100 = arith.addi %add3A_83, %add3A_99 : i32
      %add3A_101 = arith.addi %add3A_11, %add3A_100 : i32
      %mul3A_102 = arith.constant 128 : i32
      %mul3A_103 = arith.muli %add3A_101, %mul3A_102 : i32
      %dma_start3A_104 = tpu.memref_slice %arg3[%mul3A_103] : memref<323712xi32, #tpu.memory_space<hbm>> -> memref<128xi32, #tpu.memory_space<hbm>>
      %dma_start3A_105 = tpu.memref_slice %arg3[%mul3A_103] : memref<323712xi32, #tpu.memory_space<hbm>> -> memref<128xi32, #tpu.memory_space<hbm>>
      tpu.enqueue_dma source(%dma_start3A_105 : memref<128xi32, #tpu.memory_space<hbm>>) target(%arg7 : memref<128xi32, #tpu.memory_space<vmem>>) target_semaphore(%arg16 : memref<!tpu.dma_semaphore, #tpu.memory_space<semaphore_mem>>)
      %dma_start3A_106 = tpu.memref_slice %arg4[%mul3A_103] : memref<323712xi32, #tpu.memory_space<hbm>> -> memref<128xi32, #tpu.memory_space<hbm>>
      %dma_start3A_107 = tpu.memref_slice %arg4[%mul3A_103] : memref<323712xi32, #tpu.memory_space<hbm>> -> memref<128xi32, #tpu.memory_space<hbm>>
      tpu.enqueue_dma source(%dma_start3A_107 : memref<128xi32, #tpu.memory_space<hbm>>) target(%arg9 : memref<128xi32, #tpu.memory_space<vmem>>) target_semaphore(%arg16 : memref<!tpu.dma_semaphore, #tpu.memory_space<semaphore_mem>>)
      %dma_wait3A_108 = arith.constant 0 : i32
      %dma_wait3A_109 = arith.constant 0 : i32
      %dma_wait3A_110 = tpu.memref_slice %arg2[%dma_wait3A_108, %dma_wait3A_109] : memref<10000x128xf32, #tpu.memory_space<hbm>> -> memref<10000x128xf32, #tpu.memory_space<hbm>>
      tpu.wait_indirect_dma semaphore(%arg15 : memref<!tpu.dma_semaphore, #tpu.memory_space<semaphore_mem>>) src(%dma_wait3A_110 : memref<10000x128xf32, #tpu.memory_space<hbm>>) dst(%arg12 : memref<128x128xf32, #tpu.memory_space<vmem>>)
      %add3A_111 = arith.constant 2 : i32
      %add3A_112 = arith.addi %add3A_83, %add3A_111 : i32
      %add3A_113 = arith.addi %add3A_11, %add3A_112 : i32
      %mul3A_114 = arith.constant 128 : i32
      %mul3A_115 = arith.muli %add3A_113, %mul3A_114 : i32
      %dma_wait3A_116 = tpu.memref_slice %arg3[%mul3A_115] : memref<323712xi32, #tpu.memory_space<hbm>> -> memref<128xi32, #tpu.memory_space<hbm>>
      %dma_wait3A_117 = tpu.memref_slice %arg3[%mul3A_115] : memref<323712xi32, #tpu.memory_space<hbm>> -> memref<128xi32, #tpu.memory_space<hbm>>
      tpu.wait_dma2 semaphore(%arg16 : memref<!tpu.dma_semaphore, #tpu.memory_space<semaphore_mem>>) src(%dma_wait3A_117 : memref<128xi32, #tpu.memory_space<hbm>>) dst(%arg7 : memref<128xi32, #tpu.memory_space<vmem>>)
      %dma_wait3A_118 = tpu.memref_slice %arg4[%mul3A_115] : memref<323712xi32, #tpu.memory_space<hbm>> -> memref<128xi32, #tpu.memory_space<hbm>>
      %dma_wait3A_119 = tpu.memref_slice %arg4[%mul3A_115] : memref<323712xi32, #tpu.memory_space<hbm>> -> memref<128xi32, #tpu.memory_space<hbm>>
      tpu.wait_dma2 semaphore(%arg16 : memref<!tpu.dma_semaphore, #tpu.memory_space<semaphore_mem>>) src(%dma_wait3A_119 : memref<128xi32, #tpu.memory_space<hbm>>) dst(%arg9 : memref<128xi32, #tpu.memory_space<vmem>>)
      %dma_start3A_120 = arith.constant 0 : i32
      %dma_start3A_121 = arith.constant 0 : i32
      %dma_start3A_122 = tpu.memref_slice %arg2[%dma_start3A_120, %dma_start3A_121] : memref<10000x128xf32, #tpu.memory_space<hbm>> -> memref<10000x128xf32, #tpu.memory_space<hbm>>
      tpu.enqueue_indirect_dma source(%dma_start3A_122 : memref<10000x128xf32, #tpu.memory_space<hbm>>) target(%arg11 : memref<128x128xf32, #tpu.memory_space<vmem>>) offsets(%arg7 : memref<128xi32, #tpu.memory_space<vmem>>) semaphore(%arg14 : memref<!tpu.dma_semaphore, #tpu.memory_space<semaphore_mem>>)
      "tpu.region"() ({
        %run_scoped3A = tpu.sem_alloc : memref<!tpu.dma_semaphore, #tpu.memory_space<semaphore_mem>>
        %dma_start3A_132 = arith.constant 0 : i32
        %dma_start3A_133 = arith.constant 0 : i32
        %dma_start3A_134 = tpu.memref_slice %arg13[%dma_start3A_132, %dma_start3A_133] : memref<10240x128xf32, #tpu.memory_space<vmem_shared>> -> memref<10240x128xf32, #tpu.memory_space<vmem_shared>>
        tpu.enqueue_indirect_dma source(%arg12 : memref<128x128xf32, #tpu.memory_space<vmem>>) target(%dma_start3A_134 : memref<10240x128xf32, #tpu.memory_space<vmem_shared>>) offsets(%arg10 : memref<128xi32, #tpu.memory_space<vmem>>) semaphore(%run_scoped3A : memref<!tpu.dma_semaphore, #tpu.memory_space<semaphore_mem>>) {add = true}
        %dma_wait3A_135 = arith.constant 0 : i32
        %dma_wait3A_136 = arith.constant 0 : i32
        %dma_wait3A_137 = tpu.memref_slice %arg13[%dma_wait3A_135, %dma_wait3A_136] : memref<10240x128xf32, #tpu.memory_space<vmem_shared>> -> memref<10240x128xf32, #tpu.memory_space<vmem_shared>>
        tpu.wait_indirect_dma semaphore(%run_scoped3A : memref<!tpu.dma_semaphore, #tpu.memory_space<semaphore_mem>>) src(%arg12 : memref<128x128xf32, #tpu.memory_space<vmem>>) dst(%dma_wait3A_137 : memref<10240x128xf32, #tpu.memory_space<vmem_shared>>)
        tpu.yield
      }) : () -> ()
      %add3A_123 = arith.constant 3 : i32
      %add3A_124 = arith.addi %add3A_83, %add3A_123 : i32
      %add3A_125 = arith.addi %add3A_11, %add3A_124 : i32
      %mul3A_126 = arith.constant 128 : i32
      %mul3A_127 = arith.muli %add3A_125, %mul3A_126 : i32
      %dma_start3A_128 = tpu.memref_slice %arg3[%mul3A_127] : memref<323712xi32, #tpu.memory_space<hbm>> -> memref<128xi32, #tpu.memory_space<hbm>>
      %dma_start3A_129 = tpu.memref_slice %arg3[%mul3A_127] : memref<323712xi32, #tpu.memory_space<hbm>> -> memref<128xi32, #tpu.memory_space<hbm>>
      tpu.enqueue_dma source(%dma_start3A_129 : memref<128xi32, #tpu.memory_space<hbm>>) target(%arg8 : memref<128xi32, #tpu.memory_space<vmem>>) target_semaphore(%arg17 : memref<!tpu.dma_semaphore, #tpu.memory_space<semaphore_mem>>)
      %dma_start3A_130 = tpu.memref_slice %arg4[%mul3A_127] : memref<323712xi32, #tpu.memory_space<hbm>> -> memref<128xi32, #tpu.memory_space<hbm>>
      %dma_start3A_131 = tpu.memref_slice %arg4[%mul3A_127] : memref<323712xi32, #tpu.memory_space<hbm>> -> memref<128xi32, #tpu.memory_space<hbm>>
      tpu.enqueue_dma source(%dma_start3A_131 : memref<128xi32, #tpu.memory_space<hbm>>) target(%arg10 : memref<128xi32, #tpu.memory_space<vmem>>) target_semaphore(%arg17 : memref<!tpu.dma_semaphore, #tpu.memory_space<semaphore_mem>>)
    }
    %dma_wait3A_57 = arith.constant 0 : i32
    %dma_wait3A_58 = arith.constant 0 : i32
    %dma_wait3A_59 = tpu.memref_slice %arg2[%dma_wait3A_57, %dma_wait3A_58] : memref<10000x128xf32, #tpu.memory_space<hbm>> -> memref<10000x128xf32, #tpu.memory_space<hbm>>
    tpu.wait_indirect_dma semaphore(%arg14 : memref<!tpu.dma_semaphore, #tpu.memory_space<semaphore_mem>>) src(%dma_wait3A_59 : memref<10000x128xf32, #tpu.memory_space<hbm>>) dst(%arg11 : memref<128x128xf32, #tpu.memory_space<vmem>>)
    %sub3A_60 = arith.constant 1 : i32
    %sub3A_61 = arith.subi %select_n3A, %sub3A_60 : i32
    %add3A_62 = arith.addi %add3A_11, %sub3A_61 : i32
    %mul3A_63 = arith.constant 128 : i32
    %mul3A_64 = arith.muli %add3A_62, %mul3A_63 : i32
    %dma_wait3A_65 = tpu.memref_slice %arg3[%mul3A_64] : memref<323712xi32, #tpu.memory_space<hbm>> -> memref<128xi32, #tpu.memory_space<hbm>>
    %dma_wait3A_66 = tpu.memref_slice %arg3[%mul3A_64] : memref<323712xi32, #tpu.memory_space<hbm>> -> memref<128xi32, #tpu.memory_space<hbm>>
    tpu.wait_dma2 semaphore(%arg17 : memref<!tpu.dma_semaphore, #tpu.memory_space<semaphore_mem>>) src(%dma_wait3A_66 : memref<128xi32, #tpu.memory_space<hbm>>) dst(%arg8 : memref<128xi32, #tpu.memory_space<vmem>>)
    %dma_wait3A_67 = tpu.memref_slice %arg4[%mul3A_64] : memref<323712xi32, #tpu.memory_space<hbm>> -> memref<128xi32, #tpu.memory_space<hbm>>
    %dma_wait3A_68 = tpu.memref_slice %arg4[%mul3A_64] : memref<323712xi32, #tpu.memory_space<hbm>> -> memref<128xi32, #tpu.memory_space<hbm>>
    tpu.wait_dma2 semaphore(%arg17 : memref<!tpu.dma_semaphore, #tpu.memory_space<semaphore_mem>>) src(%dma_wait3A_68 : memref<128xi32, #tpu.memory_space<hbm>>) dst(%arg10 : memref<128xi32, #tpu.memory_space<vmem>>)
    %dma_start3A_69 = arith.constant 0 : i32
    %dma_start3A_70 = arith.constant 0 : i32
    %dma_start3A_71 = tpu.memref_slice %arg2[%dma_start3A_69, %dma_start3A_70] : memref<10000x128xf32, #tpu.memory_space<hbm>> -> memref<10000x128xf32, #tpu.memory_space<hbm>>
    tpu.enqueue_indirect_dma source(%dma_start3A_71 : memref<10000x128xf32, #tpu.memory_space<hbm>>) target(%arg12 : memref<128x128xf32, #tpu.memory_space<vmem>>) offsets(%arg8 : memref<128xi32, #tpu.memory_space<vmem>>) semaphore(%arg15 : memref<!tpu.dma_semaphore, #tpu.memory_space<semaphore_mem>>)
    "tpu.region"() ({
      %run_scoped3A = tpu.sem_alloc : memref<!tpu.dma_semaphore, #tpu.memory_space<semaphore_mem>>
      %dma_start3A_81 = arith.constant 0 : i32
      %dma_start3A_82 = arith.constant 0 : i32
      %dma_start3A_83 = tpu.memref_slice %arg13[%dma_start3A_81, %dma_start3A_82] : memref<10240x128xf32, #tpu.memory_space<vmem_shared>> -> memref<10240x128xf32, #tpu.memory_space<vmem_shared>>
      tpu.enqueue_indirect_dma source(%arg11 : memref<128x128xf32, #tpu.memory_space<vmem>>) target(%dma_start3A_83 : memref<10240x128xf32, #tpu.memory_space<vmem_shared>>) offsets(%arg9 : memref<128xi32, #tpu.memory_space<vmem>>) semaphore(%run_scoped3A : memref<!tpu.dma_semaphore, #tpu.memory_space<semaphore_mem>>) {add = true}
      %dma_wait3A_84 = arith.constant 0 : i32
      %dma_wait3A_85 = arith.constant 0 : i32
      %dma_wait3A_86 = tpu.memref_slice %arg13[%dma_wait3A_84, %dma_wait3A_85] : memref<10240x128xf32, #tpu.memory_space<vmem_shared>> -> memref<10240x128xf32, #tpu.memory_space<vmem_shared>>
      tpu.wait_indirect_dma semaphore(%run_scoped3A : memref<!tpu.dma_semaphore, #tpu.memory_space<semaphore_mem>>) src(%arg11 : memref<128x128xf32, #tpu.memory_space<vmem>>) dst(%dma_wait3A_86 : memref<10240x128xf32, #tpu.memory_space<vmem_shared>>)
      tpu.yield
    }) : () -> ()
    %dma_wait3A_72 = arith.constant 0 : i32
    %dma_wait3A_73 = arith.constant 0 : i32
    %dma_wait3A_74 = tpu.memref_slice %arg2[%dma_wait3A_72, %dma_wait3A_73] : memref<10000x128xf32, #tpu.memory_space<hbm>> -> memref<10000x128xf32, #tpu.memory_space<hbm>>
    tpu.wait_indirect_dma semaphore(%arg15 : memref<!tpu.dma_semaphore, #tpu.memory_space<semaphore_mem>>) src(%dma_wait3A_74 : memref<10000x128xf32, #tpu.memory_space<hbm>>) dst(%arg12 : memref<128x128xf32, #tpu.memory_space<vmem>>)
    "tpu.region"() ({
      %run_scoped3A = tpu.sem_alloc : memref<!tpu.dma_semaphore, #tpu.memory_space<semaphore_mem>>
      %dma_start3A_81 = arith.constant 0 : i32
      %dma_start3A_82 = arith.constant 0 : i32
      %dma_start3A_83 = tpu.memref_slice %arg13[%dma_start3A_81, %dma_start3A_82] : memref<10240x128xf32, #tpu.memory_space<vmem_shared>> -> memref<10240x128xf32, #tpu.memory_space<vmem_shared>>
      tpu.enqueue_indirect_dma source(%arg12 : memref<128x128xf32, #tpu.memory_space<vmem>>) target(%dma_start3A_83 : memref<10240x128xf32, #tpu.memory_space<vmem_shared>>) offsets(%arg10 : memref<128xi32, #tpu.memory_space<vmem>>) semaphore(%run_scoped3A : memref<!tpu.dma_semaphore, #tpu.memory_space<semaphore_mem>>) {add = true}
      %dma_wait3A_84 = arith.constant 0 : i32
      %dma_wait3A_85 = arith.constant 0 : i32
      %dma_wait3A_86 = tpu.memref_slice %arg13[%dma_wait3A_84, %dma_wait3A_85] : memref<10240x128xf32, #tpu.memory_space<vmem_shared>> -> memref<10240x128xf32, #tpu.memory_space<vmem_shared>>
      tpu.wait_indirect_dma semaphore(%run_scoped3A : memref<!tpu.dma_semaphore, #tpu.memory_space<semaphore_mem>>) src(%arg12 : memref<128x128xf32, #tpu.memory_space<vmem>>) dst(%dma_wait3A_86 : memref<10240x128xf32, #tpu.memory_space<vmem_shared>>)
      tpu.yield
    }) : () -> ()
    %barrier3A_75 = arith.constant 0 : index
    tpu.barrier barrier_id(%barrier3A_75)
    %scan3A_76 = arith.constant 0 : i32
    %scan3A_77 = arith.constant 5 : i32
    %scan3A_78 = arith.addi %scan3A_76, %scan3A_77 : i32
    %scan3A_79 = arith.constant 1 : i32
    scf.for %scan3A_81 = %scan3A_76 to %scan3A_78 step %scan3A_79  : i32 {
      %mul3A_82 = arith.constant 1 : i32
      %mul3A_83 = arith.muli %scan3A_81, %mul3A_82 : i32
      %add3A_84 = arith.constant 0 : i32
      %add3A_85 = arith.addi %add3A_84, %mul3A_83 : i32
      %mul3A_86 = arith.constant 128 : i32
      %mul3A_87 = arith.muli %add3A_85, %mul3A_86 : i32
      %add3A_88 = arith.addi %mul3A_2, %mul3A_87 : i32
      "tpu.region"() ({
        %run_scoped3A = tpu.sem_alloc : memref<!tpu.dma_semaphore, #tpu.memory_space<semaphore_mem>>
        %dma_start3A_89 = arith.constant 0 : i32
        %dma_start3A_90 = tpu.memref_slice %arg13[%add3A_88, %dma_start3A_89] : memref<10240x128xf32, #tpu.memory_space<vmem_shared>> -> memref<128x128xf32, #tpu.memory_space<vmem_shared>>
        %dma_start3A_91 = arith.constant 0 : i32
        %dma_start3A_92 = tpu.memref_slice %arg13[%add3A_88, %dma_start3A_91] : memref<10240x128xf32, #tpu.memory_space<vmem_shared>> -> memref<128x128xf32, #tpu.memory_space<vmem_shared>>
        tpu.enqueue_dma source(%dma_start3A_92 : memref<128x128xf32, #tpu.memory_space<vmem_shared>>) target(%arg11 : memref<128x128xf32, #tpu.memory_space<vmem>>) target_semaphore(%run_scoped3A : memref<!tpu.dma_semaphore, #tpu.memory_space<semaphore_mem>>)
        %dma_wait3A_93 = arith.constant 0 : i32
        %dma_wait3A_94 = tpu.memref_slice %arg13[%add3A_88, %dma_wait3A_93] : memref<10240x128xf32, #tpu.memory_space<vmem_shared>> -> memref<128x128xf32, #tpu.memory_space<vmem_shared>>
        %dma_wait3A_95 = arith.constant 0 : i32
        %dma_wait3A_96 = tpu.memref_slice %arg13[%add3A_88, %dma_wait3A_95] : memref<10240x128xf32, #tpu.memory_space<vmem_shared>> -> memref<128x128xf32, #tpu.memory_space<vmem_shared>>
        tpu.wait_dma2 semaphore(%run_scoped3A : memref<!tpu.dma_semaphore, #tpu.memory_space<semaphore_mem>>) src(%dma_wait3A_96 : memref<128x128xf32, #tpu.memory_space<vmem_shared>>) dst(%arg11 : memref<128x128xf32, #tpu.memory_space<vmem>>)
        tpu.yield
      }) : () -> ()
      "tpu.region"() ({
        %run_scoped3A = tpu.sem_alloc : memref<!tpu.dma_semaphore, #tpu.memory_space<semaphore_mem>>
        %dma_start3A_89 = arith.constant 0 : i32
        %dma_start3A_90 = tpu.memref_slice %arg6[%arg0, %add3A_88, %dma_start3A_89] : memref<2x10240x128xf32, #tpu.memory_space<hbm>> -> memref<1x128x128xf32, #tpu.memory_space<hbm>>
        %dma_start3A_91 = tpu.memref_squeeze %dma_start3A_90 : memref<1x128x128xf32, #tpu.memory_space<hbm>> -> memref<128x128xf32, #tpu.memory_space<hbm>>
        %dma_start3A_92 = arith.constant 0 : i32
        %dma_start3A_93 = tpu.memref_slice %arg6[%arg0, %add3A_88, %dma_start3A_92] : memref<2x10240x128xf32, #tpu.memory_space<hbm>> -> memref<1x128x128xf32, #tpu.memory_space<hbm>>
        %dma_start3A_94 = tpu.memref_squeeze %dma_start3A_93 : memref<1x128x128xf32, #tpu.memory_space<hbm>> -> memref<128x128xf32, #tpu.memory_space<hbm>>
        tpu.enqueue_dma source(%arg11 : memref<128x128xf32, #tpu.memory_space<vmem>>) target(%dma_start3A_94 : memref<128x128xf32, #tpu.memory_space<hbm>>) target_semaphore(%run_scoped3A : memref<!tpu.dma_semaphore, #tpu.memory_space<semaphore_mem>>)
        %dma_wait3A_95 = arith.constant 0 : i32
        %dma_wait3A_96 = tpu.memref_slice %arg6[%arg0, %add3A_88, %dma_wait3A_95] : memref<2x10240x128xf32, #tpu.memory_space<hbm>> -> memref<1x128x128xf32, #tpu.memory_space<hbm>>
        %dma_wait3A_97 = tpu.memref_squeeze %dma_wait3A_96 : memref<1x128x128xf32, #tpu.memory_space<hbm>> -> memref<128x128xf32, #tpu.memory_space<hbm>>
        %dma_wait3A_98 = arith.constant 0 : i32
        %dma_wait3A_99 = tpu.memref_slice %arg6[%arg0, %add3A_88, %dma_wait3A_98] : memref<2x10240x128xf32, #tpu.memory_space<hbm>> -> memref<1x128x128xf32, #tpu.memory_space<hbm>>
        %dma_wait3A_100 = tpu.memref_squeeze %dma_wait3A_99 : memref<1x128x128xf32, #tpu.memory_space<hbm>> -> memref<128x128xf32, #tpu.memory_space<hbm>>
        tpu.wait_dma2 semaphore(%run_scoped3A : memref<!tpu.dma_semaphore, #tpu.memory_space<semaphore_mem>>) src(%arg11 : memref<128x128xf32, #tpu.memory_space<vmem>>) dst(%dma_wait3A_100 : memref<128x128xf32, #tpu.memory_space<hbm>>)
        tpu.yield
      }) : () -> ()
    }
    %scan3A_80 = arith.constant 5 : i32
    return
  }
}

#map = affine_map<(d0, d1) -> (0, 0)>
#map1 = affine_map<(d0, d1) -> (0)>
#map2 = affine_map<(d0, d1) -> (0, 0, 0)>
module attributes {stable_mosaic.version = 14 : i64} {
  func.func @sage_sc_scatter_g1(%arg0: i32, %arg1: i32, %arg2: memref<10000x128xf32, #tpu.memory_space<hbm>>, %arg3: memref<323712xi32, #tpu.memory_space<hbm>>, %arg4: memref<323712xi32, #tpu.memory_space<hbm>>, %arg5: memref<128x128xf32, #tpu.memory_space<hbm>>, %arg6: memref<2x10240x128xf32, #tpu.memory_space<hbm>>, %arg7: memref<128xi32, #tpu.memory_space<vmem>>, %arg8: memref<128xi32, #tpu.memory_space<vmem>>, %arg9: memref<128xi32, #tpu.memory_space<vmem>>, %arg10: memref<128xi32, #tpu.memory_space<vmem>>, %arg11: memref<128x128xf32, #tpu.memory_space<vmem>>, %arg12: memref<128x128xf32, #tpu.memory_space<vmem>>, %arg13: memref<10240x128xf32, #tpu.memory_space<vmem_shared>>, %arg14: memref<!tpu.dma_semaphore, #tpu.memory_space<semaphore_mem>>, %arg15: memref<!tpu.dma_semaphore, #tpu.memory_space<semaphore_mem>>, %arg16: memref<!tpu.dma_semaphore, #tpu.memory_space<semaphore_mem>>, %arg17: memref<!tpu.dma_semaphore, #tpu.memory_space<semaphore_mem>>) attributes {dimension_semantics = [#tpu.dimension_semantics<core_parallel>, #tpu.dimension_semantics<subcore_parallel>], iteration_bounds = array<i64: 2, 16>, scalar_prefetch = 0 : i64, scratch_operands = 11 : i64, tpu.core_type = #tpu.core_type<sc_vector_subcore>, window_params = [{transform_indices = #map}, {transform_indices = #map1}, {transform_indices = #map1}, {transform_indices = #map}, {transform_indices = #map2}]} {
    %mul3A = arith.constant 2 : i32
    %mul3A_0 = arith.muli %arg1, %mul3A : i32
    %add3A = arith.addi %mul3A_0, %arg0 : i32
    %mul3A_1 = arith.constant 640 : i32
    %mul3A_2 = arith.muli %arg1, %mul3A_1 : i32
    "tpu.region"() ({
      %run_scoped3A = tpu.sem_alloc : memref<!tpu.dma_semaphore, #tpu.memory_space<semaphore_mem>>
      tpu.enqueue_dma source(%arg5 : memref<128x128xf32, #tpu.memory_space<hbm>>) target(%arg11 : memref<128x128xf32, #tpu.memory_space<vmem>>) target_semaphore(%run_scoped3A : memref<!tpu.dma_semaphore, #tpu.memory_space<semaphore_mem>>)
      tpu.wait_dma2 semaphore(%run_scoped3A : memref<!tpu.dma_semaphore, #tpu.memory_space<semaphore_mem>>) src(%arg5 : memref<128x128xf32, #tpu.memory_space<hbm>>) dst(%arg11 : memref<128x128xf32, #tpu.memory_space<vmem>>)
      tpu.yield
    }) : () -> ()
    %scan3A = arith.constant 0 : i32
    %scan3A_3 = arith.constant 5 : i32
    %scan3A_4 = arith.addi %scan3A, %scan3A_3 : i32
    %scan3A_5 = arith.constant 1 : i32
    scf.for %scan3A_81 = %scan3A to %scan3A_4 step %scan3A_5  : i32 {
      %mul3A_82 = arith.constant 1 : i32
      %mul3A_83 = arith.muli %scan3A_81, %mul3A_82 : i32
      %add3A_84 = arith.constant 0 : i32
      %add3A_85 = arith.addi %add3A_84, %mul3A_83 : i32
      %mul3A_86 = arith.constant 128 : i32
      %mul3A_87 = arith.muli %add3A_85, %mul3A_86 : i32
      %add3A_88 = arith.addi %mul3A_2, %mul3A_87 : i32
      "tpu.region"() ({
        %run_scoped3A = tpu.sem_alloc : memref<!tpu.dma_semaphore, #tpu.memory_space<semaphore_mem>>
        %dma_start3A_89 = arith.constant 0 : i32
        %dma_start3A_90 = tpu.memref_slice %arg13[%add3A_88, %dma_start3A_89] : memref<10240x128xf32, #tpu.memory_space<vmem_shared>> -> memref<128x128xf32, #tpu.memory_space<vmem_shared>>
        %dma_start3A_91 = arith.constant 0 : i32
        %dma_start3A_92 = tpu.memref_slice %arg13[%add3A_88, %dma_start3A_91] : memref<10240x128xf32, #tpu.memory_space<vmem_shared>> -> memref<128x128xf32, #tpu.memory_space<vmem_shared>>
        tpu.enqueue_dma source(%arg11 : memref<128x128xf32, #tpu.memory_space<vmem>>) target(%dma_start3A_92 : memref<128x128xf32, #tpu.memory_space<vmem_shared>>) target_semaphore(%run_scoped3A : memref<!tpu.dma_semaphore, #tpu.memory_space<semaphore_mem>>)
        %dma_wait3A_93 = arith.constant 0 : i32
        %dma_wait3A_94 = tpu.memref_slice %arg13[%add3A_88, %dma_wait3A_93] : memref<10240x128xf32, #tpu.memory_space<vmem_shared>> -> memref<128x128xf32, #tpu.memory_space<vmem_shared>>
        %dma_wait3A_95 = arith.constant 0 : i32
        %dma_wait3A_96 = tpu.memref_slice %arg13[%add3A_88, %dma_wait3A_95] : memref<10240x128xf32, #tpu.memory_space<vmem_shared>> -> memref<128x128xf32, #tpu.memory_space<vmem_shared>>
        tpu.wait_dma2 semaphore(%run_scoped3A : memref<!tpu.dma_semaphore, #tpu.memory_space<semaphore_mem>>) src(%arg11 : memref<128x128xf32, #tpu.memory_space<vmem>>) dst(%dma_wait3A_96 : memref<128x128xf32, #tpu.memory_space<vmem_shared>>)
        tpu.yield
      }) : () -> ()
    }
    %scan3A_6 = arith.constant 5 : i32
    %mul3A_7 = arith.constant 158 : i32
    %mul3A_8 = arith.muli %arg1, %mul3A_7 : i32
    %mul3A_9 = arith.constant 132 : i32
    %mul3A_10 = arith.muli %arg0, %mul3A_9 : i32
    %add3A_11 = arith.addi %mul3A_8, %mul3A_10 : i32
    %eq3A = arith.constant 0 : i32
    %eq3A_12 = arith.cmpi eq, %arg0, %eq3A : i32
    %jit3A = arith.constant 132 : i32
    %jit3A_13 = arith.constant 26 : i32
    %select_n3A = arith.select %eq3A_12, %jit3A, %jit3A_13 : i32
    %barrier3A = arith.constant 0 : index
    tpu.barrier barrier_id(%barrier3A)
    %add3A_14 = arith.constant 0 : i32
    %add3A_15 = arith.addi %add3A_11, %add3A_14 : i32
    %mul3A_16 = arith.constant 128 : i32
    %mul3A_17 = arith.muli %add3A_15, %mul3A_16 : i32
    %dma_start3A = tpu.memref_slice %arg3[%mul3A_17] : memref<323712xi32, #tpu.memory_space<hbm>> -> memref<128xi32, #tpu.memory_space<hbm>>
    %dma_start3A_18 = tpu.memref_slice %arg3[%mul3A_17] : memref<323712xi32, #tpu.memory_space<hbm>> -> memref<128xi32, #tpu.memory_space<hbm>>
    tpu.enqueue_dma source(%dma_start3A_18 : memref<128xi32, #tpu.memory_space<hbm>>) target(%arg7 : memref<128xi32, #tpu.memory_space<vmem>>) target_semaphore(%arg16 : memref<!tpu.dma_semaphore, #tpu.memory_space<semaphore_mem>>)
    %dma_start3A_19 = tpu.memref_slice %arg4[%mul3A_17] : memref<323712xi32, #tpu.memory_space<hbm>> -> memref<128xi32, #tpu.memory_space<hbm>>
    %dma_start3A_20 = tpu.memref_slice %arg4[%mul3A_17] : memref<323712xi32, #tpu.memory_space<hbm>> -> memref<128xi32, #tpu.memory_space<hbm>>
    tpu.enqueue_dma source(%dma_start3A_20 : memref<128xi32, #tpu.memory_space<hbm>>) target(%arg9 : memref<128xi32, #tpu.memory_space<vmem>>) target_semaphore(%arg16 : memref<!tpu.dma_semaphore, #tpu.memory_space<semaphore_mem>>)
    %add3A_21 = arith.constant 0 : i32
    %add3A_22 = arith.addi %add3A_11, %add3A_21 : i32
    %mul3A_23 = arith.constant 128 : i32
    %mul3A_24 = arith.muli %add3A_22, %mul3A_23 : i32
    %dma_wait3A = tpu.memref_slice %arg3[%mul3A_24] : memref<323712xi32, #tpu.memory_space<hbm>> -> memref<128xi32, #tpu.memory_space<hbm>>
    %dma_wait3A_25 = tpu.memref_slice %arg3[%mul3A_24] : memref<323712xi32, #tpu.memory_space<hbm>> -> memref<128xi32, #tpu.memory_space<hbm>>
    tpu.wait_dma2 semaphore(%arg16 : memref<!tpu.dma_semaphore, #tpu.memory_space<semaphore_mem>>) src(%dma_wait3A_25 : memref<128xi32, #tpu.memory_space<hbm>>) dst(%arg7 : memref<128xi32, #tpu.memory_space<vmem>>)
    %dma_wait3A_26 = tpu.memref_slice %arg4[%mul3A_24] : memref<323712xi32, #tpu.memory_space<hbm>> -> memref<128xi32, #tpu.memory_space<hbm>>
    %dma_wait3A_27 = tpu.memref_slice %arg4[%mul3A_24] : memref<323712xi32, #tpu.memory_space<hbm>> -> memref<128xi32, #tpu.memory_space<hbm>>
    tpu.wait_dma2 semaphore(%arg16 : memref<!tpu.dma_semaphore, #tpu.memory_space<semaphore_mem>>) src(%dma_wait3A_27 : memref<128xi32, #tpu.memory_space<hbm>>) dst(%arg9 : memref<128xi32, #tpu.memory_space<vmem>>)
    %add3A_28 = arith.constant 1 : i32
    %add3A_29 = arith.addi %add3A_11, %add3A_28 : i32
    %mul3A_30 = arith.constant 128 : i32
    %mul3A_31 = arith.muli %add3A_29, %mul3A_30 : i32
    %dma_start3A_32 = tpu.memref_slice %arg3[%mul3A_31] : memref<323712xi32, #tpu.memory_space<hbm>> -> memref<128xi32, #tpu.memory_space<hbm>>
    %dma_start3A_33 = tpu.memref_slice %arg3[%mul3A_31] : memref<323712xi32, #tpu.memory_space<hbm>> -> memref<128xi32, #tpu.memory_space<hbm>>
    tpu.enqueue_dma source(%dma_start3A_33 : memref<128xi32, #tpu.memory_space<hbm>>) target(%arg8 : memref<128xi32, #tpu.memory_space<vmem>>) target_semaphore(%arg17 : memref<!tpu.dma_semaphore, #tpu.memory_space<semaphore_mem>>)
    %dma_start3A_34 = tpu.memref_slice %arg4[%mul3A_31] : memref<323712xi32, #tpu.memory_space<hbm>> -> memref<128xi32, #tpu.memory_space<hbm>>
    %dma_start3A_35 = tpu.memref_slice %arg4[%mul3A_31] : memref<323712xi32, #tpu.memory_space<hbm>> -> memref<128xi32, #tpu.memory_space<hbm>>
    tpu.enqueue_dma source(%dma_start3A_35 : memref<128xi32, #tpu.memory_space<hbm>>) target(%arg10 : memref<128xi32, #tpu.memory_space<vmem>>) target_semaphore(%arg17 : memref<!tpu.dma_semaphore, #tpu.memory_space<semaphore_mem>>)
    %dma_start3A_36 = arith.constant 0 : i32
    %dma_start3A_37 = arith.constant 0 : i32
    %dma_start3A_38 = tpu.memref_slice %arg2[%dma_start3A_36, %dma_start3A_37] : memref<10000x128xf32, #tpu.memory_space<hbm>> -> memref<10000x128xf32, #tpu.memory_space<hbm>>
    tpu.enqueue_indirect_dma source(%dma_start3A_38 : memref<10000x128xf32, #tpu.memory_space<hbm>>) target(%arg11 : memref<128x128xf32, #tpu.memory_space<vmem>>) offsets(%arg7 : memref<128xi32, #tpu.memory_space<vmem>>) semaphore(%arg14 : memref<!tpu.dma_semaphore, #tpu.memory_space<semaphore_mem>>)
    %sub3A = arith.constant 2 : i32
    %sub3A_39 = arith.subi %select_n3A, %sub3A : i32
    %sub3A_40 = arith.constant 0 : i32
    %sub3A_41 = arith.subi %sub3A_39, %sub3A_40 : i32
    %sub3A_42 = arith.constant 2 : i32
    %sub3A_43 = arith.constant 1 : i32
    %sub3A_44 = arith.subi %sub3A_42, %sub3A_43 : i32
    %add3A_45 = arith.addi %sub3A_41, %sub3A_44 : i32
    %div3A = arith.constant 2 : i32
    %div3A_46 = arith.divsi %add3A_45, %div3A : i32
    %while3A = arith.constant 2 : i32
    %while3A_47 = arith.constant 0 : i32
    %while3A_48 = arith.constant 0 : i32
    %while3A_49 = arith.subi %div3A_46, %while3A_48 : i32
    %while3A_50 = arith.addi %while3A_48, %while3A_49 : i32
    %while3A_51 = arith.constant 1 : i32
    %while3A_52 = arith.divsi %while3A_49, %while3A_51 : i32
    %while3A_53 = arith.muli %while3A_52, %while3A_51 : i32
    %while3A_54 = arith.addi %while3A_48, %while3A_53 : i32
    %while3A_55 = arith.constant 1 : i32
    scf.for %while3A_81 = %while3A_48 to %while3A_54 step %while3A_55  : i32 {
      %mul3A_82 = arith.muli %while3A_81, %while3A : i32
      %add3A_83 = arith.addi %while3A_47, %mul3A_82 : i32
      %dma_wait3A_84 = arith.constant 0 : i32
      %dma_wait3A_85 = arith.constant 0 : i32
      %dma_wait3A_86 = tpu.memref_slice %arg2[%dma_wait3A_84, %dma_wait3A_85] : memref<10000x128xf32, #tpu.memory_space<hbm>> -> memref<10000x128xf32, #tpu.memory_space<hbm>>
      tpu.wait_indirect_dma semaphore(%arg14 : memref<!tpu.dma_semaphore, #tpu.memory_space<semaphore_mem>>) src(%dma_wait3A_86 : memref<10000x128xf32, #tpu.memory_space<hbm>>) dst(%arg11 : memref<128x128xf32, #tpu.memory_space<vmem>>)
      %add3A_87 = arith.constant 1 : i32
      %add3A_88 = arith.addi %add3A_83, %add3A_87 : i32
      %add3A_89 = arith.addi %add3A_11, %add3A_88 : i32
      %mul3A_90 = arith.constant 128 : i32
      %mul3A_91 = arith.muli %add3A_89, %mul3A_90 : i32
      %dma_wait3A_92 = tpu.memref_slice %arg3[%mul3A_91] : memref<323712xi32, #tpu.memory_space<hbm>> -> memref<128xi32, #tpu.memory_space<hbm>>
      %dma_wait3A_93 = tpu.memref_slice %arg3[%mul3A_91] : memref<323712xi32, #tpu.memory_space<hbm>> -> memref<128xi32, #tpu.memory_space<hbm>>
      tpu.wait_dma2 semaphore(%arg17 : memref<!tpu.dma_semaphore, #tpu.memory_space<semaphore_mem>>) src(%dma_wait3A_93 : memref<128xi32, #tpu.memory_space<hbm>>) dst(%arg8 : memref<128xi32, #tpu.memory_space<vmem>>)
      %dma_wait3A_94 = tpu.memref_slice %arg4[%mul3A_91] : memref<323712xi32, #tpu.memory_space<hbm>> -> memref<128xi32, #tpu.memory_space<hbm>>
      %dma_wait3A_95 = tpu.memref_slice %arg4[%mul3A_91] : memref<323712xi32, #tpu.memory_space<hbm>> -> memref<128xi32, #tpu.memory_space<hbm>>
      tpu.wait_dma2 semaphore(%arg17 : memref<!tpu.dma_semaphore, #tpu.memory_space<semaphore_mem>>) src(%dma_wait3A_95 : memref<128xi32, #tpu.memory_space<hbm>>) dst(%arg10 : memref<128xi32, #tpu.memory_space<vmem>>)
      %dma_start3A_96 = arith.constant 0 : i32
      %dma_start3A_97 = arith.constant 0 : i32
      %dma_start3A_98 = tpu.memref_slice %arg2[%dma_start3A_96, %dma_start3A_97] : memref<10000x128xf32, #tpu.memory_space<hbm>> -> memref<10000x128xf32, #tpu.memory_space<hbm>>
      tpu.enqueue_indirect_dma source(%dma_start3A_98 : memref<10000x128xf32, #tpu.memory_space<hbm>>) target(%arg12 : memref<128x128xf32, #tpu.memory_space<vmem>>) offsets(%arg8 : memref<128xi32, #tpu.memory_space<vmem>>) semaphore(%arg15 : memref<!tpu.dma_semaphore, #tpu.memory_space<semaphore_mem>>)
      "tpu.region"() ({
        %run_scoped3A = tpu.sem_alloc : memref<!tpu.dma_semaphore, #tpu.memory_space<semaphore_mem>>
        %dma_start3A_132 = arith.constant 0 : i32
        %dma_start3A_133 = arith.constant 0 : i32
        %dma_start3A_134 = tpu.memref_slice %arg13[%dma_start3A_132, %dma_start3A_133] : memref<10240x128xf32, #tpu.memory_space<vmem_shared>> -> memref<10240x128xf32, #tpu.memory_space<vmem_shared>>
        tpu.enqueue_indirect_dma source(%arg11 : memref<128x128xf32, #tpu.memory_space<vmem>>) target(%dma_start3A_134 : memref<10240x128xf32, #tpu.memory_space<vmem_shared>>) offsets(%arg9 : memref<128xi32, #tpu.memory_space<vmem>>) semaphore(%run_scoped3A : memref<!tpu.dma_semaphore, #tpu.memory_space<semaphore_mem>>) {add = true}
        %dma_wait3A_135 = arith.constant 0 : i32
        %dma_wait3A_136 = arith.constant 0 : i32
        %dma_wait3A_137 = tpu.memref_slice %arg13[%dma_wait3A_135, %dma_wait3A_136] : memref<10240x128xf32, #tpu.memory_space<vmem_shared>> -> memref<10240x128xf32, #tpu.memory_space<vmem_shared>>
        tpu.wait_indirect_dma semaphore(%run_scoped3A : memref<!tpu.dma_semaphore, #tpu.memory_space<semaphore_mem>>) src(%arg11 : memref<128x128xf32, #tpu.memory_space<vmem>>) dst(%dma_wait3A_137 : memref<10240x128xf32, #tpu.memory_space<vmem_shared>>)
        tpu.yield
      }) : () -> ()
      %add3A_99 = arith.constant 2 : i32
      %add3A_100 = arith.addi %add3A_83, %add3A_99 : i32
      %add3A_101 = arith.addi %add3A_11, %add3A_100 : i32
      %mul3A_102 = arith.constant 128 : i32
      %mul3A_103 = arith.muli %add3A_101, %mul3A_102 : i32
      %dma_start3A_104 = tpu.memref_slice %arg3[%mul3A_103] : memref<323712xi32, #tpu.memory_space<hbm>> -> memref<128xi32, #tpu.memory_space<hbm>>
      %dma_start3A_105 = tpu.memref_slice %arg3[%mul3A_103] : memref<323712xi32, #tpu.memory_space<hbm>> -> memref<128xi32, #tpu.memory_space<hbm>>
      tpu.enqueue_dma source(%dma_start3A_105 : memref<128xi32, #tpu.memory_space<hbm>>) target(%arg7 : memref<128xi32, #tpu.memory_space<vmem>>) target_semaphore(%arg16 : memref<!tpu.dma_semaphore, #tpu.memory_space<semaphore_mem>>)
      %dma_start3A_106 = tpu.memref_slice %arg4[%mul3A_103] : memref<323712xi32, #tpu.memory_space<hbm>> -> memref<128xi32, #tpu.memory_space<hbm>>
      %dma_start3A_107 = tpu.memref_slice %arg4[%mul3A_103] : memref<323712xi32, #tpu.memory_space<hbm>> -> memref<128xi32, #tpu.memory_space<hbm>>
      tpu.enqueue_dma source(%dma_start3A_107 : memref<128xi32, #tpu.memory_space<hbm>>) target(%arg9 : memref<128xi32, #tpu.memory_space<vmem>>) target_semaphore(%arg16 : memref<!tpu.dma_semaphore, #tpu.memory_space<semaphore_mem>>)
      %dma_wait3A_108 = arith.constant 0 : i32
      %dma_wait3A_109 = arith.constant 0 : i32
      %dma_wait3A_110 = tpu.memref_slice %arg2[%dma_wait3A_108, %dma_wait3A_109] : memref<10000x128xf32, #tpu.memory_space<hbm>> -> memref<10000x128xf32, #tpu.memory_space<hbm>>
      tpu.wait_indirect_dma semaphore(%arg15 : memref<!tpu.dma_semaphore, #tpu.memory_space<semaphore_mem>>) src(%dma_wait3A_110 : memref<10000x128xf32, #tpu.memory_space<hbm>>) dst(%arg12 : memref<128x128xf32, #tpu.memory_space<vmem>>)
      %add3A_111 = arith.constant 2 : i32
      %add3A_112 = arith.addi %add3A_83, %add3A_111 : i32
      %add3A_113 = arith.addi %add3A_11, %add3A_112 : i32
      %mul3A_114 = arith.constant 128 : i32
      %mul3A_115 = arith.muli %add3A_113, %mul3A_114 : i32
      %dma_wait3A_116 = tpu.memref_slice %arg3[%mul3A_115] : memref<323712xi32, #tpu.memory_space<hbm>> -> memref<128xi32, #tpu.memory_space<hbm>>
      %dma_wait3A_117 = tpu.memref_slice %arg3[%mul3A_115] : memref<323712xi32, #tpu.memory_space<hbm>> -> memref<128xi32, #tpu.memory_space<hbm>>
      tpu.wait_dma2 semaphore(%arg16 : memref<!tpu.dma_semaphore, #tpu.memory_space<semaphore_mem>>) src(%dma_wait3A_117 : memref<128xi32, #tpu.memory_space<hbm>>) dst(%arg7 : memref<128xi32, #tpu.memory_space<vmem>>)
      %dma_wait3A_118 = tpu.memref_slice %arg4[%mul3A_115] : memref<323712xi32, #tpu.memory_space<hbm>> -> memref<128xi32, #tpu.memory_space<hbm>>
      %dma_wait3A_119 = tpu.memref_slice %arg4[%mul3A_115] : memref<323712xi32, #tpu.memory_space<hbm>> -> memref<128xi32, #tpu.memory_space<hbm>>
      tpu.wait_dma2 semaphore(%arg16 : memref<!tpu.dma_semaphore, #tpu.memory_space<semaphore_mem>>) src(%dma_wait3A_119 : memref<128xi32, #tpu.memory_space<hbm>>) dst(%arg9 : memref<128xi32, #tpu.memory_space<vmem>>)
      %dma_start3A_120 = arith.constant 0 : i32
      %dma_start3A_121 = arith.constant 0 : i32
      %dma_start3A_122 = tpu.memref_slice %arg2[%dma_start3A_120, %dma_start3A_121] : memref<10000x128xf32, #tpu.memory_space<hbm>> -> memref<10000x128xf32, #tpu.memory_space<hbm>>
      tpu.enqueue_indirect_dma source(%dma_start3A_122 : memref<10000x128xf32, #tpu.memory_space<hbm>>) target(%arg11 : memref<128x128xf32, #tpu.memory_space<vmem>>) offsets(%arg7 : memref<128xi32, #tpu.memory_space<vmem>>) semaphore(%arg14 : memref<!tpu.dma_semaphore, #tpu.memory_space<semaphore_mem>>)
      "tpu.region"() ({
        %run_scoped3A = tpu.sem_alloc : memref<!tpu.dma_semaphore, #tpu.memory_space<semaphore_mem>>
        %dma_start3A_132 = arith.constant 0 : i32
        %dma_start3A_133 = arith.constant 0 : i32
        %dma_start3A_134 = tpu.memref_slice %arg13[%dma_start3A_132, %dma_start3A_133] : memref<10240x128xf32, #tpu.memory_space<vmem_shared>> -> memref<10240x128xf32, #tpu.memory_space<vmem_shared>>
        tpu.enqueue_indirect_dma source(%arg12 : memref<128x128xf32, #tpu.memory_space<vmem>>) target(%dma_start3A_134 : memref<10240x128xf32, #tpu.memory_space<vmem_shared>>) offsets(%arg10 : memref<128xi32, #tpu.memory_space<vmem>>) semaphore(%run_scoped3A : memref<!tpu.dma_semaphore, #tpu.memory_space<semaphore_mem>>) {add = true}
        %dma_wait3A_135 = arith.constant 0 : i32
        %dma_wait3A_136 = arith.constant 0 : i32
        %dma_wait3A_137 = tpu.memref_slice %arg13[%dma_wait3A_135, %dma_wait3A_136] : memref<10240x128xf32, #tpu.memory_space<vmem_shared>> -> memref<10240x128xf32, #tpu.memory_space<vmem_shared>>
        tpu.wait_indirect_dma semaphore(%run_scoped3A : memref<!tpu.dma_semaphore, #tpu.memory_space<semaphore_mem>>) src(%arg12 : memref<128x128xf32, #tpu.memory_space<vmem>>) dst(%dma_wait3A_137 : memref<10240x128xf32, #tpu.memory_space<vmem_shared>>)
        tpu.yield
      }) : () -> ()
      %add3A_123 = arith.constant 3 : i32
      %add3A_124 = arith.addi %add3A_83, %add3A_123 : i32
      %add3A_125 = arith.addi %add3A_11, %add3A_124 : i32
      %mul3A_126 = arith.constant 128 : i32
      %mul3A_127 = arith.muli %add3A_125, %mul3A_126 : i32
      %dma_start3A_128 = tpu.memref_slice %arg3[%mul3A_127] : memref<323712xi32, #tpu.memory_space<hbm>> -> memref<128xi32, #tpu.memory_space<hbm>>
      %dma_start3A_129 = tpu.memref_slice %arg3[%mul3A_127] : memref<323712xi32, #tpu.memory_space<hbm>> -> memref<128xi32, #tpu.memory_space<hbm>>
      tpu.enqueue_dma source(%dma_start3A_129 : memref<128xi32, #tpu.memory_space<hbm>>) target(%arg8 : memref<128xi32, #tpu.memory_space<vmem>>) target_semaphore(%arg17 : memref<!tpu.dma_semaphore, #tpu.memory_space<semaphore_mem>>)
      %dma_start3A_130 = tpu.memref_slice %arg4[%mul3A_127] : memref<323712xi32, #tpu.memory_space<hbm>> -> memref<128xi32, #tpu.memory_space<hbm>>
      %dma_start3A_131 = tpu.memref_slice %arg4[%mul3A_127] : memref<323712xi32, #tpu.memory_space<hbm>> -> memref<128xi32, #tpu.memory_space<hbm>>
      tpu.enqueue_dma source(%dma_start3A_131 : memref<128xi32, #tpu.memory_space<hbm>>) target(%arg10 : memref<128xi32, #tpu.memory_space<vmem>>) target_semaphore(%arg17 : memref<!tpu.dma_semaphore, #tpu.memory_space<semaphore_mem>>)
    }
    %while3A_56 = arith.constant 1 : i32
    scf.for %while3A_81 = %while3A_54 to %while3A_50 step %while3A_56  : i32 {
      %mul3A_82 = arith.muli %while3A_81, %while3A : i32
      %add3A_83 = arith.addi %while3A_47, %mul3A_82 : i32
      %dma_wait3A_84 = arith.constant 0 : i32
      %dma_wait3A_85 = arith.constant 0 : i32
      %dma_wait3A_86 = tpu.memref_slice %arg2[%dma_wait3A_84, %dma_wait3A_85] : memref<10000x128xf32, #tpu.memory_space<hbm>> -> memref<10000x128xf32, #tpu.memory_space<hbm>>
      tpu.wait_indirect_dma semaphore(%arg14 : memref<!tpu.dma_semaphore, #tpu.memory_space<semaphore_mem>>) src(%dma_wait3A_86 : memref<10000x128xf32, #tpu.memory_space<hbm>>) dst(%arg11 : memref<128x128xf32, #tpu.memory_space<vmem>>)
      %add3A_87 = arith.constant 1 : i32
      %add3A_88 = arith.addi %add3A_83, %add3A_87 : i32
      %add3A_89 = arith.addi %add3A_11, %add3A_88 : i32
      %mul3A_90 = arith.constant 128 : i32
      %mul3A_91 = arith.muli %add3A_89, %mul3A_90 : i32
      %dma_wait3A_92 = tpu.memref_slice %arg3[%mul3A_91] : memref<323712xi32, #tpu.memory_space<hbm>> -> memref<128xi32, #tpu.memory_space<hbm>>
      %dma_wait3A_93 = tpu.memref_slice %arg3[%mul3A_91] : memref<323712xi32, #tpu.memory_space<hbm>> -> memref<128xi32, #tpu.memory_space<hbm>>
      tpu.wait_dma2 semaphore(%arg17 : memref<!tpu.dma_semaphore, #tpu.memory_space<semaphore_mem>>) src(%dma_wait3A_93 : memref<128xi32, #tpu.memory_space<hbm>>) dst(%arg8 : memref<128xi32, #tpu.memory_space<vmem>>)
      %dma_wait3A_94 = tpu.memref_slice %arg4[%mul3A_91] : memref<323712xi32, #tpu.memory_space<hbm>> -> memref<128xi32, #tpu.memory_space<hbm>>
      %dma_wait3A_95 = tpu.memref_slice %arg4[%mul3A_91] : memref<323712xi32, #tpu.memory_space<hbm>> -> memref<128xi32, #tpu.memory_space<hbm>>
      tpu.wait_dma2 semaphore(%arg17 : memref<!tpu.dma_semaphore, #tpu.memory_space<semaphore_mem>>) src(%dma_wait3A_95 : memref<128xi32, #tpu.memory_space<hbm>>) dst(%arg10 : memref<128xi32, #tpu.memory_space<vmem>>)
      %dma_start3A_96 = arith.constant 0 : i32
      %dma_start3A_97 = arith.constant 0 : i32
      %dma_start3A_98 = tpu.memref_slice %arg2[%dma_start3A_96, %dma_start3A_97] : memref<10000x128xf32, #tpu.memory_space<hbm>> -> memref<10000x128xf32, #tpu.memory_space<hbm>>
      tpu.enqueue_indirect_dma source(%dma_start3A_98 : memref<10000x128xf32, #tpu.memory_space<hbm>>) target(%arg12 : memref<128x128xf32, #tpu.memory_space<vmem>>) offsets(%arg8 : memref<128xi32, #tpu.memory_space<vmem>>) semaphore(%arg15 : memref<!tpu.dma_semaphore, #tpu.memory_space<semaphore_mem>>)
      "tpu.region"() ({
        %run_scoped3A = tpu.sem_alloc : memref<!tpu.dma_semaphore, #tpu.memory_space<semaphore_mem>>
        %dma_start3A_132 = arith.constant 0 : i32
        %dma_start3A_133 = arith.constant 0 : i32
        %dma_start3A_134 = tpu.memref_slice %arg13[%dma_start3A_132, %dma_start3A_133] : memref<10240x128xf32, #tpu.memory_space<vmem_shared>> -> memref<10240x128xf32, #tpu.memory_space<vmem_shared>>
        tpu.enqueue_indirect_dma source(%arg11 : memref<128x128xf32, #tpu.memory_space<vmem>>) target(%dma_start3A_134 : memref<10240x128xf32, #tpu.memory_space<vmem_shared>>) offsets(%arg9 : memref<128xi32, #tpu.memory_space<vmem>>) semaphore(%run_scoped3A : memref<!tpu.dma_semaphore, #tpu.memory_space<semaphore_mem>>) {add = true}
        %dma_wait3A_135 = arith.constant 0 : i32
        %dma_wait3A_136 = arith.constant 0 : i32
        %dma_wait3A_137 = tpu.memref_slice %arg13[%dma_wait3A_135, %dma_wait3A_136] : memref<10240x128xf32, #tpu.memory_space<vmem_shared>> -> memref<10240x128xf32, #tpu.memory_space<vmem_shared>>
        tpu.wait_indirect_dma semaphore(%run_scoped3A : memref<!tpu.dma_semaphore, #tpu.memory_space<semaphore_mem>>) src(%arg11 : memref<128x128xf32, #tpu.memory_space<vmem>>) dst(%dma_wait3A_137 : memref<10240x128xf32, #tpu.memory_space<vmem_shared>>)
        tpu.yield
      }) : () -> ()
      %add3A_99 = arith.constant 2 : i32
      %add3A_100 = arith.addi %add3A_83, %add3A_99 : i32
      %add3A_101 = arith.addi %add3A_11, %add3A_100 : i32
      %mul3A_102 = arith.constant 128 : i32
      %mul3A_103 = arith.muli %add3A_101, %mul3A_102 : i32
      %dma_start3A_104 = tpu.memref_slice %arg3[%mul3A_103] : memref<323712xi32, #tpu.memory_space<hbm>> -> memref<128xi32, #tpu.memory_space<hbm>>
      %dma_start3A_105 = tpu.memref_slice %arg3[%mul3A_103] : memref<323712xi32, #tpu.memory_space<hbm>> -> memref<128xi32, #tpu.memory_space<hbm>>
      tpu.enqueue_dma source(%dma_start3A_105 : memref<128xi32, #tpu.memory_space<hbm>>) target(%arg7 : memref<128xi32, #tpu.memory_space<vmem>>) target_semaphore(%arg16 : memref<!tpu.dma_semaphore, #tpu.memory_space<semaphore_mem>>)
      %dma_start3A_106 = tpu.memref_slice %arg4[%mul3A_103] : memref<323712xi32, #tpu.memory_space<hbm>> -> memref<128xi32, #tpu.memory_space<hbm>>
      %dma_start3A_107 = tpu.memref_slice %arg4[%mul3A_103] : memref<323712xi32, #tpu.memory_space<hbm>> -> memref<128xi32, #tpu.memory_space<hbm>>
      tpu.enqueue_dma source(%dma_start3A_107 : memref<128xi32, #tpu.memory_space<hbm>>) target(%arg9 : memref<128xi32, #tpu.memory_space<vmem>>) target_semaphore(%arg16 : memref<!tpu.dma_semaphore, #tpu.memory_space<semaphore_mem>>)
      %dma_wait3A_108 = arith.constant 0 : i32
      %dma_wait3A_109 = arith.constant 0 : i32
      %dma_wait3A_110 = tpu.memref_slice %arg2[%dma_wait3A_108, %dma_wait3A_109] : memref<10000x128xf32, #tpu.memory_space<hbm>> -> memref<10000x128xf32, #tpu.memory_space<hbm>>
      tpu.wait_indirect_dma semaphore(%arg15 : memref<!tpu.dma_semaphore, #tpu.memory_space<semaphore_mem>>) src(%dma_wait3A_110 : memref<10000x128xf32, #tpu.memory_space<hbm>>) dst(%arg12 : memref<128x128xf32, #tpu.memory_space<vmem>>)
      %add3A_111 = arith.constant 2 : i32
      %add3A_112 = arith.addi %add3A_83, %add3A_111 : i32
      %add3A_113 = arith.addi %add3A_11, %add3A_112 : i32
      %mul3A_114 = arith.constant 128 : i32
      %mul3A_115 = arith.muli %add3A_113, %mul3A_114 : i32
      %dma_wait3A_116 = tpu.memref_slice %arg3[%mul3A_115] : memref<323712xi32, #tpu.memory_space<hbm>> -> memref<128xi32, #tpu.memory_space<hbm>>
      %dma_wait3A_117 = tpu.memref_slice %arg3[%mul3A_115] : memref<323712xi32, #tpu.memory_space<hbm>> -> memref<128xi32, #tpu.memory_space<hbm>>
      tpu.wait_dma2 semaphore(%arg16 : memref<!tpu.dma_semaphore, #tpu.memory_space<semaphore_mem>>) src(%dma_wait3A_117 : memref<128xi32, #tpu.memory_space<hbm>>) dst(%arg7 : memref<128xi32, #tpu.memory_space<vmem>>)
      %dma_wait3A_118 = tpu.memref_slice %arg4[%mul3A_115] : memref<323712xi32, #tpu.memory_space<hbm>> -> memref<128xi32, #tpu.memory_space<hbm>>
      %dma_wait3A_119 = tpu.memref_slice %arg4[%mul3A_115] : memref<323712xi32, #tpu.memory_space<hbm>> -> memref<128xi32, #tpu.memory_space<hbm>>
      tpu.wait_dma2 semaphore(%arg16 : memref<!tpu.dma_semaphore, #tpu.memory_space<semaphore_mem>>) src(%dma_wait3A_119 : memref<128xi32, #tpu.memory_space<hbm>>) dst(%arg9 : memref<128xi32, #tpu.memory_space<vmem>>)
      %dma_start3A_120 = arith.constant 0 : i32
      %dma_start3A_121 = arith.constant 0 : i32
      %dma_start3A_122 = tpu.memref_slice %arg2[%dma_start3A_120, %dma_start3A_121] : memref<10000x128xf32, #tpu.memory_space<hbm>> -> memref<10000x128xf32, #tpu.memory_space<hbm>>
      tpu.enqueue_indirect_dma source(%dma_start3A_122 : memref<10000x128xf32, #tpu.memory_space<hbm>>) target(%arg11 : memref<128x128xf32, #tpu.memory_space<vmem>>) offsets(%arg7 : memref<128xi32, #tpu.memory_space<vmem>>) semaphore(%arg14 : memref<!tpu.dma_semaphore, #tpu.memory_space<semaphore_mem>>)
      "tpu.region"() ({
        %run_scoped3A = tpu.sem_alloc : memref<!tpu.dma_semaphore, #tpu.memory_space<semaphore_mem>>
        %dma_start3A_132 = arith.constant 0 : i32
        %dma_start3A_133 = arith.constant 0 : i32
        %dma_start3A_134 = tpu.memref_slice %arg13[%dma_start3A_132, %dma_start3A_133] : memref<10240x128xf32, #tpu.memory_space<vmem_shared>> -> memref<10240x128xf32, #tpu.memory_space<vmem_shared>>
        tpu.enqueue_indirect_dma source(%arg12 : memref<128x128xf32, #tpu.memory_space<vmem>>) target(%dma_start3A_134 : memref<10240x128xf32, #tpu.memory_space<vmem_shared>>) offsets(%arg10 : memref<128xi32, #tpu.memory_space<vmem>>) semaphore(%run_scoped3A : memref<!tpu.dma_semaphore, #tpu.memory_space<semaphore_mem>>) {add = true}
        %dma_wait3A_135 = arith.constant 0 : i32
        %dma_wait3A_136 = arith.constant 0 : i32
        %dma_wait3A_137 = tpu.memref_slice %arg13[%dma_wait3A_135, %dma_wait3A_136] : memref<10240x128xf32, #tpu.memory_space<vmem_shared>> -> memref<10240x128xf32, #tpu.memory_space<vmem_shared>>
        tpu.wait_indirect_dma semaphore(%run_scoped3A : memref<!tpu.dma_semaphore, #tpu.memory_space<semaphore_mem>>) src(%arg12 : memref<128x128xf32, #tpu.memory_space<vmem>>) dst(%dma_wait3A_137 : memref<10240x128xf32, #tpu.memory_space<vmem_shared>>)
        tpu.yield
      }) : () -> ()
      %add3A_123 = arith.constant 3 : i32
      %add3A_124 = arith.addi %add3A_83, %add3A_123 : i32
      %add3A_125 = arith.addi %add3A_11, %add3A_124 : i32
      %mul3A_126 = arith.constant 128 : i32
      %mul3A_127 = arith.muli %add3A_125, %mul3A_126 : i32
      %dma_start3A_128 = tpu.memref_slice %arg3[%mul3A_127] : memref<323712xi32, #tpu.memory_space<hbm>> -> memref<128xi32, #tpu.memory_space<hbm>>
      %dma_start3A_129 = tpu.memref_slice %arg3[%mul3A_127] : memref<323712xi32, #tpu.memory_space<hbm>> -> memref<128xi32, #tpu.memory_space<hbm>>
      tpu.enqueue_dma source(%dma_start3A_129 : memref<128xi32, #tpu.memory_space<hbm>>) target(%arg8 : memref<128xi32, #tpu.memory_space<vmem>>) target_semaphore(%arg17 : memref<!tpu.dma_semaphore, #tpu.memory_space<semaphore_mem>>)
      %dma_start3A_130 = tpu.memref_slice %arg4[%mul3A_127] : memref<323712xi32, #tpu.memory_space<hbm>> -> memref<128xi32, #tpu.memory_space<hbm>>
      %dma_start3A_131 = tpu.memref_slice %arg4[%mul3A_127] : memref<323712xi32, #tpu.memory_space<hbm>> -> memref<128xi32, #tpu.memory_space<hbm>>
      tpu.enqueue_dma source(%dma_start3A_131 : memref<128xi32, #tpu.memory_space<hbm>>) target(%arg10 : memref<128xi32, #tpu.memory_space<vmem>>) target_semaphore(%arg17 : memref<!tpu.dma_semaphore, #tpu.memory_space<semaphore_mem>>)
    }
    %dma_wait3A_57 = arith.constant 0 : i32
    %dma_wait3A_58 = arith.constant 0 : i32
    %dma_wait3A_59 = tpu.memref_slice %arg2[%dma_wait3A_57, %dma_wait3A_58] : memref<10000x128xf32, #tpu.memory_space<hbm>> -> memref<10000x128xf32, #tpu.memory_space<hbm>>
    tpu.wait_indirect_dma semaphore(%arg14 : memref<!tpu.dma_semaphore, #tpu.memory_space<semaphore_mem>>) src(%dma_wait3A_59 : memref<10000x128xf32, #tpu.memory_space<hbm>>) dst(%arg11 : memref<128x128xf32, #tpu.memory_space<vmem>>)
    %sub3A_60 = arith.constant 1 : i32
    %sub3A_61 = arith.subi %select_n3A, %sub3A_60 : i32
    %add3A_62 = arith.addi %add3A_11, %sub3A_61 : i32
    %mul3A_63 = arith.constant 128 : i32
    %mul3A_64 = arith.muli %add3A_62, %mul3A_63 : i32
    %dma_wait3A_65 = tpu.memref_slice %arg3[%mul3A_64] : memref<323712xi32, #tpu.memory_space<hbm>> -> memref<128xi32, #tpu.memory_space<hbm>>
    %dma_wait3A_66 = tpu.memref_slice %arg3[%mul3A_64] : memref<323712xi32, #tpu.memory_space<hbm>> -> memref<128xi32, #tpu.memory_space<hbm>>
    tpu.wait_dma2 semaphore(%arg17 : memref<!tpu.dma_semaphore, #tpu.memory_space<semaphore_mem>>) src(%dma_wait3A_66 : memref<128xi32, #tpu.memory_space<hbm>>) dst(%arg8 : memref<128xi32, #tpu.memory_space<vmem>>)
    %dma_wait3A_67 = tpu.memref_slice %arg4[%mul3A_64] : memref<323712xi32, #tpu.memory_space<hbm>> -> memref<128xi32, #tpu.memory_space<hbm>>
    %dma_wait3A_68 = tpu.memref_slice %arg4[%mul3A_64] : memref<323712xi32, #tpu.memory_space<hbm>> -> memref<128xi32, #tpu.memory_space<hbm>>
    tpu.wait_dma2 semaphore(%arg17 : memref<!tpu.dma_semaphore, #tpu.memory_space<semaphore_mem>>) src(%dma_wait3A_68 : memref<128xi32, #tpu.memory_space<hbm>>) dst(%arg10 : memref<128xi32, #tpu.memory_space<vmem>>)
    %dma_start3A_69 = arith.constant 0 : i32
    %dma_start3A_70 = arith.constant 0 : i32
    %dma_start3A_71 = tpu.memref_slice %arg2[%dma_start3A_69, %dma_start3A_70] : memref<10000x128xf32, #tpu.memory_space<hbm>> -> memref<10000x128xf32, #tpu.memory_space<hbm>>
    tpu.enqueue_indirect_dma source(%dma_start3A_71 : memref<10000x128xf32, #tpu.memory_space<hbm>>) target(%arg12 : memref<128x128xf32, #tpu.memory_space<vmem>>) offsets(%arg8 : memref<128xi32, #tpu.memory_space<vmem>>) semaphore(%arg15 : memref<!tpu.dma_semaphore, #tpu.memory_space<semaphore_mem>>)
    "tpu.region"() ({
      %run_scoped3A = tpu.sem_alloc : memref<!tpu.dma_semaphore, #tpu.memory_space<semaphore_mem>>
      %dma_start3A_81 = arith.constant 0 : i32
      %dma_start3A_82 = arith.constant 0 : i32
      %dma_start3A_83 = tpu.memref_slice %arg13[%dma_start3A_81, %dma_start3A_82] : memref<10240x128xf32, #tpu.memory_space<vmem_shared>> -> memref<10240x128xf32, #tpu.memory_space<vmem_shared>>
      tpu.enqueue_indirect_dma source(%arg11 : memref<128x128xf32, #tpu.memory_space<vmem>>) target(%dma_start3A_83 : memref<10240x128xf32, #tpu.memory_space<vmem_shared>>) offsets(%arg9 : memref<128xi32, #tpu.memory_space<vmem>>) semaphore(%run_scoped3A : memref<!tpu.dma_semaphore, #tpu.memory_space<semaphore_mem>>) {add = true}
      %dma_wait3A_84 = arith.constant 0 : i32
      %dma_wait3A_85 = arith.constant 0 : i32
      %dma_wait3A_86 = tpu.memref_slice %arg13[%dma_wait3A_84, %dma_wait3A_85] : memref<10240x128xf32, #tpu.memory_space<vmem_shared>> -> memref<10240x128xf32, #tpu.memory_space<vmem_shared>>
      tpu.wait_indirect_dma semaphore(%run_scoped3A : memref<!tpu.dma_semaphore, #tpu.memory_space<semaphore_mem>>) src(%arg11 : memref<128x128xf32, #tpu.memory_space<vmem>>) dst(%dma_wait3A_86 : memref<10240x128xf32, #tpu.memory_space<vmem_shared>>)
      tpu.yield
    }) : () -> ()
    %dma_wait3A_72 = arith.constant 0 : i32
    %dma_wait3A_73 = arith.constant 0 : i32
    %dma_wait3A_74 = tpu.memref_slice %arg2[%dma_wait3A_72, %dma_wait3A_73] : memref<10000x128xf32, #tpu.memory_space<hbm>> -> memref<10000x128xf32, #tpu.memory_space<hbm>>
    tpu.wait_indirect_dma semaphore(%arg15 : memref<!tpu.dma_semaphore, #tpu.memory_space<semaphore_mem>>) src(%dma_wait3A_74 : memref<10000x128xf32, #tpu.memory_space<hbm>>) dst(%arg12 : memref<128x128xf32, #tpu.memory_space<vmem>>)
    "tpu.region"() ({
      %run_scoped3A = tpu.sem_alloc : memref<!tpu.dma_semaphore, #tpu.memory_space<semaphore_mem>>
      %dma_start3A_81 = arith.constant 0 : i32
      %dma_start3A_82 = arith.constant 0 : i32
      %dma_start3A_83 = tpu.memref_slice %arg13[%dma_start3A_81, %dma_start3A_82] : memref<10240x128xf32, #tpu.memory_space<vmem_shared>> -> memref<10240x128xf32, #tpu.memory_space<vmem_shared>>
      tpu.enqueue_indirect_dma source(%arg12 : memref<128x128xf32, #tpu.memory_space<vmem>>) target(%dma_start3A_83 : memref<10240x128xf32, #tpu.memory_space<vmem_shared>>) offsets(%arg10 : memref<128xi32, #tpu.memory_space<vmem>>) semaphore(%run_scoped3A : memref<!tpu.dma_semaphore, #tpu.memory_space<semaphore_mem>>) {add = true}
      %dma_wait3A_84 = arith.constant 0 : i32
      %dma_wait3A_85 = arith.constant 0 : i32
      %dma_wait3A_86 = tpu.memref_slice %arg13[%dma_wait3A_84, %dma_wait3A_85] : memref<10240x128xf32, #tpu.memory_space<vmem_shared>> -> memref<10240x128xf32, #tpu.memory_space<vmem_shared>>
      tpu.wait_indirect_dma semaphore(%run_scoped3A : memref<!tpu.dma_semaphore, #tpu.memory_space<semaphore_mem>>) src(%arg12 : memref<128x128xf32, #tpu.memory_space<vmem>>) dst(%dma_wait3A_86 : memref<10240x128xf32, #tpu.memory_space<vmem_shared>>)
      tpu.yield
    }) : () -> ()
    %barrier3A_75 = arith.constant 0 : index
    tpu.barrier barrier_id(%barrier3A_75)
    %scan3A_76 = arith.constant 0 : i32
    %scan3A_77 = arith.constant 5 : i32
    %scan3A_78 = arith.addi %scan3A_76, %scan3A_77 : i32
    %scan3A_79 = arith.constant 1 : i32
    scf.for %scan3A_81 = %scan3A_76 to %scan3A_78 step %scan3A_79  : i32 {
      %mul3A_82 = arith.constant 1 : i32
      %mul3A_83 = arith.muli %scan3A_81, %mul3A_82 : i32
      %add3A_84 = arith.constant 0 : i32
      %add3A_85 = arith.addi %add3A_84, %mul3A_83 : i32
      %mul3A_86 = arith.constant 128 : i32
      %mul3A_87 = arith.muli %add3A_85, %mul3A_86 : i32
      %add3A_88 = arith.addi %mul3A_2, %mul3A_87 : i32
      "tpu.region"() ({
        %run_scoped3A = tpu.sem_alloc : memref<!tpu.dma_semaphore, #tpu.memory_space<semaphore_mem>>
        %dma_start3A_89 = arith.constant 0 : i32
        %dma_start3A_90 = tpu.memref_slice %arg13[%add3A_88, %dma_start3A_89] : memref<10240x128xf32, #tpu.memory_space<vmem_shared>> -> memref<128x128xf32, #tpu.memory_space<vmem_shared>>
        %dma_start3A_91 = arith.constant 0 : i32
        %dma_start3A_92 = tpu.memref_slice %arg13[%add3A_88, %dma_start3A_91] : memref<10240x128xf32, #tpu.memory_space<vmem_shared>> -> memref<128x128xf32, #tpu.memory_space<vmem_shared>>
        tpu.enqueue_dma source(%dma_start3A_92 : memref<128x128xf32, #tpu.memory_space<vmem_shared>>) target(%arg11 : memref<128x128xf32, #tpu.memory_space<vmem>>) target_semaphore(%run_scoped3A : memref<!tpu.dma_semaphore, #tpu.memory_space<semaphore_mem>>)
        %dma_wait3A_93 = arith.constant 0 : i32
        %dma_wait3A_94 = tpu.memref_slice %arg13[%add3A_88, %dma_wait3A_93] : memref<10240x128xf32, #tpu.memory_space<vmem_shared>> -> memref<128x128xf32, #tpu.memory_space<vmem_shared>>
        %dma_wait3A_95 = arith.constant 0 : i32
        %dma_wait3A_96 = tpu.memref_slice %arg13[%add3A_88, %dma_wait3A_95] : memref<10240x128xf32, #tpu.memory_space<vmem_shared>> -> memref<128x128xf32, #tpu.memory_space<vmem_shared>>
        tpu.wait_dma2 semaphore(%run_scoped3A : memref<!tpu.dma_semaphore, #tpu.memory_space<semaphore_mem>>) src(%dma_wait3A_96 : memref<128x128xf32, #tpu.memory_space<vmem_shared>>) dst(%arg11 : memref<128x128xf32, #tpu.memory_space<vmem>>)
        tpu.yield
      }) : () -> ()
      "tpu.region"() ({
        %run_scoped3A = tpu.sem_alloc : memref<!tpu.dma_semaphore, #tpu.memory_space<semaphore_mem>>
        %dma_start3A_89 = arith.constant 0 : i32
        %dma_start3A_90 = tpu.memref_slice %arg6[%arg0, %add3A_88, %dma_start3A_89] : memref<2x10240x128xf32, #tpu.memory_space<hbm>> -> memref<1x128x128xf32, #tpu.memory_space<hbm>>
        %dma_start3A_91 = tpu.memref_squeeze %dma_start3A_90 : memref<1x128x128xf32, #tpu.memory_space<hbm>> -> memref<128x128xf32, #tpu.memory_space<hbm>>
        %dma_start3A_92 = arith.constant 0 : i32
        %dma_start3A_93 = tpu.memref_slice %arg6[%arg0, %add3A_88, %dma_start3A_92] : memref<2x10240x128xf32, #tpu.memory_space<hbm>> -> memref<1x128x128xf32, #tpu.memory_space<hbm>>
        %dma_start3A_94 = tpu.memref_squeeze %dma_start3A_93 : memref<1x128x128xf32, #tpu.memory_space<hbm>> -> memref<128x128xf32, #tpu.memory_space<hbm>>
        tpu.enqueue_dma source(%arg11 : memref<128x128xf32, #tpu.memory_space<vmem>>) target(%dma_start3A_94 : memref<128x128xf32, #tpu.memory_space<hbm>>) target_semaphore(%run_scoped3A : memref<!tpu.dma_semaphore, #tpu.memory_space<semaphore_mem>>)
        %dma_wait3A_95 = arith.constant 0 : i32
        %dma_wait3A_96 = tpu.memref_slice %arg6[%arg0, %add3A_88, %dma_wait3A_95] : memref<2x10240x128xf32, #tpu.memory_space<hbm>> -> memref<1x128x128xf32, #tpu.memory_space<hbm>>
        %dma_wait3A_97 = tpu.memref_squeeze %dma_wait3A_96 : memref<1x128x128xf32, #tpu.memory_space<hbm>> -> memref<128x128xf32, #tpu.memory_space<hbm>>
        %dma_wait3A_98 = arith.constant 0 : i32
        %dma_wait3A_99 = tpu.memref_slice %arg6[%arg0, %add3A_88, %dma_wait3A_98] : memref<2x10240x128xf32, #tpu.memory_space<hbm>> -> memref<1x128x128xf32, #tpu.memory_space<hbm>>
        %dma_wait3A_100 = tpu.memref_squeeze %dma_wait3A_99 : memref<1x128x128xf32, #tpu.memory_space<hbm>> -> memref<128x128xf32, #tpu.memory_space<hbm>>
        tpu.wait_dma2 semaphore(%run_scoped3A : memref<!tpu.dma_semaphore, #tpu.memory_space<semaphore_mem>>) src(%arg11 : memref<128x128xf32, #tpu.memory_space<vmem>>) dst(%dma_wait3A_100 : memref<128x128xf32, #tpu.memory_space<hbm>>)
        tpu.yield
      }) : () -> ()
    }
    %scan3A_80 = arith.constant 5 : i32
    return
  }
}

module attributes {stable_mosaic.version = 14 : i64} {
  func.func @sage_lin_in_128_128(%arg0: i32, %arg1: memref<1000x128xf32, #tpu.memory_space<vmem>>, %arg2: memref<128x128xf32, #tpu.memory_space<vmem>>, %arg3: memref<128x128xf32, #tpu.memory_space<vmem>>, %arg4: memref<1x128xf32, #tpu.memory_space<vmem>>, %arg5: memref<1000x128xf32, #tpu.memory_space<vmem>>, %arg6: memref<1000x128xf32, #tpu.memory_space<vmem>>) attributes {dimension_semantics = [#tpu.dimension_semantics<arbitrary>], iteration_bounds = array<i64: 10>, scalar_prefetch = 0 : i64, scratch_operands = 0 : i64, tpu.core_type = #tpu.core_type<tc>, window_params = [{transform_indices = @transform_0, window_bounds = array<i64: 1000, 128>}, {pipeline_mode = #tpu.pipeline_mode<synchronous>, transform_indices = @transform_1, window_bounds = array<i64: 128, 128>}, {pipeline_mode = #tpu.pipeline_mode<synchronous>, transform_indices = @transform_2, window_bounds = array<i64: 128, 128>}, {pipeline_mode = #tpu.pipeline_mode<synchronous>, transform_indices = @transform_3, window_bounds = array<i64: 1, 128>}, {transform_indices = @transform_4, window_bounds = array<i64: 1000, 128>}, {transform_indices = @transform_5, window_bounds = array<i64: 1000, 128>}]} {
    %get3A = arith.constant 0 : index
    %get3A_0 = arith.constant 0 : index
    %get3A_1 = vector.load %arg1[%get3A, %get3A_0] : memref<1000x128xf32, #tpu.memory_space<vmem>>, vector<1000x128xf32>
    %get3A_2 = arith.constant 0 : index
    %get3A_3 = arith.constant 0 : index
    %get3A_4 = vector.load %arg2[%get3A_2, %get3A_3] : memref<128x128xf32, #tpu.memory_space<vmem>>, vector<128x128xf32>
    %dot_general3A = arith.constant dense<0.000000e+00> : vector<1000x128xf32>
    %dot_general3A_5 = tpu.matmul %get3A_1, %get3A_4, %dot_general3A {dimension_numbers = #tpu.dot_dimension_numbers<[1], [1], [0], [0], [0, 0, 1, 0], [], []>, precision = #tpu.contract_precision<fp32>, transpose_lhs_hint = false} : vector<1000x128xf32>, vector<128x128xf32>, vector<1000x128xf32> -> vector<1000x128xf32>
    %swap3A = arith.constant 0 : index
    %swap3A_6 = arith.constant 0 : index
    %swap3A_7 = vector.load %arg5[%swap3A, %swap3A_6] : memref<1000x128xf32, #tpu.memory_space<vmem>>, vector<1000x128xf32>
    tpu.vector_store %arg5[%swap3A, %swap3A_6], %dot_general3A_5 {strides = array<i32>} : memref<1000x128xf32, #tpu.memory_space<vmem>>, vector<1000x128xf32>,
    %get3A_8 = arith.constant 0 : index
    %get3A_9 = arith.constant 0 : index
    %get3A_10 = vector.load %arg3[%get3A_8, %get3A_9] : memref<128x128xf32, #tpu.memory_space<vmem>>, vector<128x128xf32>
    %dot_general3A_11 = arith.constant dense<0.000000e+00> : vector<1000x128xf32>
    %dot_general3A_12 = tpu.matmul %get3A_1, %get3A_10, %dot_general3A_11 {dimension_numbers = #tpu.dot_dimension_numbers<[1], [1], [0], [0], [0, 0, 1, 0], [], []>, precision = #tpu.contract_precision<fp32>, transpose_lhs_hint = false} : vector<1000x128xf32>, vector<128x128xf32>, vector<1000x128xf32> -> vector<1000x128xf32>
    %get3A_13 = arith.constant 0 : index
    %get3A_14 = arith.constant 0 : index
    %get3A_15 = vector.load %arg4[%get3A_13, %get3A_14] : memref<1x128xf32, #tpu.memory_space<vmem>>, vector<1x128xf32>
    %add3A = vector.broadcast %get3A_15 : vector<1x128xf32> to vector<1000x128xf32>
    %add3A_16 = arith.addf %dot_general3A_12, %add3A : vector<1000x128xf32>
    %swap3A_17 = arith.constant 0 : index
    %swap3A_18 = arith.constant 0 : index
    %swap3A_19 = vector.load %arg6[%swap3A_17, %swap3A_18] : memref<1000x128xf32, #tpu.memory_space<vmem>>, vector<1000x128xf32>
    tpu.vector_store %arg6[%swap3A_17, %swap3A_18], %add3A_16 {strides = array<i32>} : memref<1000x128xf32, #tpu.memory_space<vmem>>, vector<1000x128xf32>,
    return
  }
  func.func @transform_0(%arg0: i32) -> (i32, i32) {
    %c0_i32 = arith.constant 0 : i32
    %c0_i32_0 = arith.constant 0 : i32
    return %arg0, %c0_i32 : i32, i32
  }
  func.func @transform_1(%arg0: i32) -> (i32, i32) {
    %c0_i32 = arith.constant 0 : i32
    %c0_i32_0 = arith.constant 0 : i32
    %c0_i32_1 = arith.constant 0 : i32
    return %c0_i32, %c0_i32_0 : i32, i32
  }
  func.func @transform_2(%arg0: i32) -> (i32, i32) {
    %c0_i32 = arith.constant 0 : i32
    %c0_i32_0 = arith.constant 0 : i32
    %c0_i32_1 = arith.constant 0 : i32
    return %c0_i32, %c0_i32_0 : i32, i32
  }
  func.func @transform_3(%arg0: i32) -> (i32, i32) {
    %c0_i32 = arith.constant 0 : i32
    %c0_i32_0 = arith.constant 0 : i32
    %c0_i32_1 = arith.constant 0 : i32
    return %c0_i32, %c0_i32_0 : i32, i32
  }
  func.func @transform_4(%arg0: i32) -> (i32, i32) {
    %c0_i32 = arith.constant 0 : i32
    %c0_i32_0 = arith.constant 0 : i32
    return %arg0, %c0_i32 : i32, i32
  }
  func.func @transform_5(%arg0: i32) -> (i32, i32) {
    %c0_i32 = arith.constant 0 : i32
    %c0_i32_0 = arith.constant 0 : i32
    return %arg0, %c0_i32 : i32, i32
  }
}

module attributes {stable_mosaic.version = 14 : i64} {
  func.func @sage_combine_128_128_128(%arg0: i32, %arg1: memref<1000x128xf32, #tpu.memory_space<vmem>>, %arg2: memref<1000x128xf32, #tpu.memory_space<vmem>>, %arg3: memref<1000x128xf32, #tpu.memory_space<vmem>>, %arg4: memref<1000x128xf32, #tpu.memory_space<vmem>>, %arg5: memref<1000x128xf32, #tpu.memory_space<vmem>>, %arg6: memref<128x128xf32, #tpu.memory_space<vmem>>, %arg7: memref<128x128xf32, #tpu.memory_space<vmem>>, %arg8: memref<1x128xf32, #tpu.memory_space<vmem>>, %arg9: memref<1000x128xf32, #tpu.memory_space<vmem>>, %arg10: memref<1000x128xf32, #tpu.memory_space<vmem>>) attributes {dimension_semantics = [#tpu.dimension_semantics<arbitrary>], iteration_bounds = array<i64: 10>, scalar_prefetch = 0 : i64, scratch_operands = 0 : i64, tpu.core_type = #tpu.core_type<tc>, window_params = [{transform_indices = @transform_0, window_bounds = array<i64: 1000, 128>}, {transform_indices = @transform_1, window_bounds = array<i64: 1000, 128>}, {transform_indices = @transform_2, window_bounds = array<i64: 1000, 128>}, {transform_indices = @transform_3, window_bounds = array<i64: 1000, 128>}, {transform_indices = @transform_4, window_bounds = array<i64: 1000, 128>}, {pipeline_mode = #tpu.pipeline_mode<synchronous>, transform_indices = @transform_5, window_bounds = array<i64: 128, 128>}, {pipeline_mode = #tpu.pipeline_mode<synchronous>, transform_indices = @transform_6, window_bounds = array<i64: 128, 128>}, {pipeline_mode = #tpu.pipeline_mode<synchronous>, transform_indices = @transform_7, window_bounds = array<i64: 1, 128>}, {transform_indices = @transform_8, window_bounds = array<i64: 1000, 128>}, {transform_indices = @transform_9, window_bounds = array<i64: 1000, 128>}]} {
    %get3A = arith.constant 0 : index
    %get3A_0 = arith.constant 0 : index
    %get3A_1 = vector.load %arg3[%get3A, %get3A_0] : memref<1000x128xf32, #tpu.memory_space<vmem>>, vector<1000x1xf32>
    %get3A_2 = arith.constant 0 : index
    %get3A_3 = arith.constant 0 : index
    %get3A_4 = vector.load %arg4[%get3A_2, %get3A_3] : memref<1000x128xf32, #tpu.memory_space<vmem>>, vector<1000x1xf32>
    %add3A = arith.addf %get3A_1, %get3A_4 : vector<1000x1xf32>
    %max3A = arith.constant 1.000000e+00 : f32
    %max3A_5 = vector.broadcast %max3A : f32 to vector<1000x1xf32>
    %max3A_6 = arith.maximumf %add3A, %max3A_5 : vector<1000x1xf32>
    %div3A = arith.constant 1.000000e+00 : f32
    %div3A_7 = vector.broadcast %div3A : f32 to vector<1000x1xf32>
    %div3A_8 = arith.divf %div3A_7, %max3A_6 : vector<1000x1xf32>
    %get3A_9 = arith.constant 0 : index
    %get3A_10 = arith.constant 0 : index
    %get3A_11 = vector.load %arg1[%get3A_9, %get3A_10] : memref<1000x128xf32, #tpu.memory_space<vmem>>, vector<1000x128xf32>
    %get3A_12 = arith.constant 0 : index
    %get3A_13 = arith.constant 0 : index
    %get3A_14 = vector.load %arg2[%get3A_12, %get3A_13] : memref<1000x128xf32, #tpu.memory_space<vmem>>, vector<1000x128xf32>
    %add3A_15 = arith.addf %get3A_11, %get3A_14 : vector<1000x128xf32>
    %mul3A = vector.broadcast %div3A_8 : vector<1000x1xf32> to vector<1000x128xf32>
    %mul3A_16 = arith.mulf %add3A_15, %mul3A : vector<1000x128xf32>
    %get3A_17 = arith.constant 0 : index
    %get3A_18 = arith.constant 0 : index
    %get3A_19 = vector.load %arg5[%get3A_17, %get3A_18] : memref<1000x128xf32, #tpu.memory_space<vmem>>, vector<1000x128xf32>
    %add3A_20 = arith.addf %mul3A_16, %get3A_19 : vector<1000x128xf32>
    %max3A_21 = arith.constant 0.000000e+00 : f32
    %max3A_22 = vector.broadcast %max3A_21 : f32 to vector<1000x128xf32>
    %max3A_23 = arith.maximumf %add3A_20, %max3A_22 : vector<1000x128xf32>
    %get3A_24 = arith.constant 0 : index
    %get3A_25 = arith.constant 0 : index
    %get3A_26 = vector.load %arg6[%get3A_24, %get3A_25] : memref<128x128xf32, #tpu.memory_space<vmem>>, vector<128x128xf32>
    %dot_general3A = arith.constant dense<0.000000e+00> : vector<1000x128xf32>
    %dot_general3A_27 = tpu.matmul %max3A_23, %get3A_26, %dot_general3A {dimension_numbers = #tpu.dot_dimension_numbers<[1], [1], [0], [0], [0, 0, 1, 0], [], []>, precision = #tpu.contract_precision<fp32>, transpose_lhs_hint = false} : vector<1000x128xf32>, vector<128x128xf32>, vector<1000x128xf32> -> vector<1000x128xf32>
    %swap3A = arith.constant 0 : index
    %swap3A_28 = arith.constant 0 : index
    %swap3A_29 = vector.load %arg9[%swap3A, %swap3A_28] : memref<1000x128xf32, #tpu.memory_space<vmem>>, vector<1000x128xf32>
    tpu.vector_store %arg9[%swap3A, %swap3A_28], %dot_general3A_27 {strides = array<i32>} : memref<1000x128xf32, #tpu.memory_space<vmem>>, vector<1000x128xf32>,
    %get3A_30 = arith.constant 0 : index
    %get3A_31 = arith.constant 0 : index
    %get3A_32 = vector.load %arg7[%get3A_30, %get3A_31] : memref<128x128xf32, #tpu.memory_space<vmem>>, vector<128x128xf32>
    %dot_general3A_33 = arith.constant dense<0.000000e+00> : vector<1000x128xf32>
    %dot_general3A_34 = tpu.matmul %max3A_23, %get3A_32, %dot_general3A_33 {dimension_numbers = #tpu.dot_dimension_numbers<[1], [1], [0], [0], [0, 0, 1, 0], [], []>, precision = #tpu.contract_precision<fp32>, transpose_lhs_hint = false} : vector<1000x128xf32>, vector<128x128xf32>, vector<1000x128xf32> -> vector<1000x128xf32>
    %get3A_35 = arith.constant 0 : index
    %get3A_36 = arith.constant 0 : index
    %get3A_37 = vector.load %arg8[%get3A_35, %get3A_36] : memref<1x128xf32, #tpu.memory_space<vmem>>, vector<1x128xf32>
    %add3A_38 = vector.broadcast %get3A_37 : vector<1x128xf32> to vector<1000x128xf32>
    %add3A_39 = arith.addf %dot_general3A_34, %add3A_38 : vector<1000x128xf32>
    %swap3A_40 = arith.constant 0 : index
    %swap3A_41 = arith.constant 0 : index
    %swap3A_42 = vector.load %arg10[%swap3A_40, %swap3A_41] : memref<1000x128xf32, #tpu.memory_space<vmem>>, vector<1000x128xf32>
    tpu.vector_store %arg10[%swap3A_40, %swap3A_41], %add3A_39 {strides = array<i32>} : memref<1000x128xf32, #tpu.memory_space<vmem>>, vector<1000x128xf32>,
    return
  }
  func.func @transform_0(%arg0: i32) -> (i32, i32) {
    %c0_i32 = arith.constant 0 : i32
    %c0_i32_0 = arith.constant 0 : i32
    return %arg0, %c0_i32 : i32, i32
  }
  func.func @transform_1(%arg0: i32) -> (i32, i32) {
    %c0_i32 = arith.constant 0 : i32
    %c0_i32_0 = arith.constant 0 : i32
    return %arg0, %c0_i32 : i32, i32
  }
  func.func @transform_2(%arg0: i32) -> (i32, i32) {
    %c0_i32 = arith.constant 0 : i32
    %c0_i32_0 = arith.constant 0 : i32
    return %arg0, %c0_i32 : i32, i32
  }
  func.func @transform_3(%arg0: i32) -> (i32, i32) {
    %c0_i32 = arith.constant 0 : i32
    %c0_i32_0 = arith.constant 0 : i32
    return %arg0, %c0_i32 : i32, i32
  }
  func.func @transform_4(%arg0: i32) -> (i32, i32) {
    %c0_i32 = arith.constant 0 : i32
    %c0_i32_0 = arith.constant 0 : i32
    return %arg0, %c0_i32 : i32, i32
  }
  func.func @transform_5(%arg0: i32) -> (i32, i32) {
    %c0_i32 = arith.constant 0 : i32
    %c0_i32_0 = arith.constant 0 : i32
    %c0_i32_1 = arith.constant 0 : i32
    return %c0_i32, %c0_i32_0 : i32, i32
  }
  func.func @transform_6(%arg0: i32) -> (i32, i32) {
    %c0_i32 = arith.constant 0 : i32
    %c0_i32_0 = arith.constant 0 : i32
    %c0_i32_1 = arith.constant 0 : i32
    return %c0_i32, %c0_i32_0 : i32, i32
  }
  func.func @transform_7(%arg0: i32) -> (i32, i32) {
    %c0_i32 = arith.constant 0 : i32
    %c0_i32_0 = arith.constant 0 : i32
    %c0_i32_1 = arith.constant 0 : i32
    return %c0_i32, %c0_i32_0 : i32, i32
  }
  func.func @transform_8(%arg0: i32) -> (i32, i32) {
    %c0_i32 = arith.constant 0 : i32
    %c0_i32_0 = arith.constant 0 : i32
    return %arg0, %c0_i32 : i32, i32
  }
  func.func @transform_9(%arg0: i32) -> (i32, i32) {
    %c0_i32 = arith.constant 0 : i32
    %c0_i32_0 = arith.constant 0 : i32
    return %arg0, %c0_i32 : i32, i32
  }
}

module attributes {stable_mosaic.version = 14 : i64} {
  func.func @sage_combine_128_128_64(%arg0: i32, %arg1: memref<1000x128xf32, #tpu.memory_space<vmem>>, %arg2: memref<1000x128xf32, #tpu.memory_space<vmem>>, %arg3: memref<1000x128xf32, #tpu.memory_space<vmem>>, %arg4: memref<1000x128xf32, #tpu.memory_space<vmem>>, %arg5: memref<1000x128xf32, #tpu.memory_space<vmem>>, %arg6: memref<128x128xf32, #tpu.memory_space<vmem>>, %arg7: memref<64x128xf32, #tpu.memory_space<vmem>>, %arg8: memref<1x64xf32, #tpu.memory_space<vmem>>, %arg9: memref<1000x128xf32, #tpu.memory_space<vmem>>, %arg10: memref<1000x64xf32, #tpu.memory_space<vmem>>) attributes {dimension_semantics = [#tpu.dimension_semantics<arbitrary>], iteration_bounds = array<i64: 10>, scalar_prefetch = 0 : i64, scratch_operands = 0 : i64, tpu.core_type = #tpu.core_type<tc>, window_params = [{transform_indices = @transform_0, window_bounds = array<i64: 1000, 128>}, {transform_indices = @transform_1, window_bounds = array<i64: 1000, 128>}, {transform_indices = @transform_2, window_bounds = array<i64: 1000, 128>}, {transform_indices = @transform_3, window_bounds = array<i64: 1000, 128>}, {transform_indices = @transform_4, window_bounds = array<i64: 1000, 128>}, {pipeline_mode = #tpu.pipeline_mode<synchronous>, transform_indices = @transform_5, window_bounds = array<i64: 128, 128>}, {pipeline_mode = #tpu.pipeline_mode<synchronous>, transform_indices = @transform_6, window_bounds = array<i64: 64, 128>}, {pipeline_mode = #tpu.pipeline_mode<synchronous>, transform_indices = @transform_7, window_bounds = array<i64: 1, 64>}, {transform_indices = @transform_8, window_bounds = array<i64: 1000, 128>}, {transform_indices = @transform_9, window_bounds = array<i64: 1000, 64>}]} {
    %get3A = arith.constant 0 : index
    %get3A_0 = arith.constant 0 : index
    %get3A_1 = vector.load %arg3[%get3A, %get3A_0] : memref<1000x128xf32, #tpu.memory_space<vmem>>, vector<1000x1xf32>
    %get3A_2 = arith.constant 0 : index
    %get3A_3 = arith.constant 0 : index
    %get3A_4 = vector.load %arg4[%get3A_2, %get3A_3] : memref<1000x128xf32, #tpu.memory_space<vmem>>, vector<1000x1xf32>
    %add3A = arith.addf %get3A_1, %get3A_4 : vector<1000x1xf32>
    %max3A = arith.constant 1.000000e+00 : f32
    %max3A_5 = vector.broadcast %max3A : f32 to vector<1000x1xf32>
    %max3A_6 = arith.maximumf %add3A, %max3A_5 : vector<1000x1xf32>
    %div3A = arith.constant 1.000000e+00 : f32
    %div3A_7 = vector.broadcast %div3A : f32 to vector<1000x1xf32>
    %div3A_8 = arith.divf %div3A_7, %max3A_6 : vector<1000x1xf32>
    %get3A_9 = arith.constant 0 : index
    %get3A_10 = arith.constant 0 : index
    %get3A_11 = vector.load %arg1[%get3A_9, %get3A_10] : memref<1000x128xf32, #tpu.memory_space<vmem>>, vector<1000x128xf32>
    %get3A_12 = arith.constant 0 : index
    %get3A_13 = arith.constant 0 : index
    %get3A_14 = vector.load %arg2[%get3A_12, %get3A_13] : memref<1000x128xf32, #tpu.memory_space<vmem>>, vector<1000x128xf32>
    %add3A_15 = arith.addf %get3A_11, %get3A_14 : vector<1000x128xf32>
    %mul3A = vector.broadcast %div3A_8 : vector<1000x1xf32> to vector<1000x128xf32>
    %mul3A_16 = arith.mulf %add3A_15, %mul3A : vector<1000x128xf32>
    %get3A_17 = arith.constant 0 : index
    %get3A_18 = arith.constant 0 : index
    %get3A_19 = vector.load %arg5[%get3A_17, %get3A_18] : memref<1000x128xf32, #tpu.memory_space<vmem>>, vector<1000x128xf32>
    %add3A_20 = arith.addf %mul3A_16, %get3A_19 : vector<1000x128xf32>
    %max3A_21 = arith.constant 0.000000e+00 : f32
    %max3A_22 = vector.broadcast %max3A_21 : f32 to vector<1000x128xf32>
    %max3A_23 = arith.maximumf %add3A_20, %max3A_22 : vector<1000x128xf32>
    %get3A_24 = arith.constant 0 : index
    %get3A_25 = arith.constant 0 : index
    %get3A_26 = vector.load %arg6[%get3A_24, %get3A_25] : memref<128x128xf32, #tpu.memory_space<vmem>>, vector<128x128xf32>
    %dot_general3A = arith.constant dense<0.000000e+00> : vector<1000x128xf32>
    %dot_general3A_27 = tpu.matmul %max3A_23, %get3A_26, %dot_general3A {dimension_numbers = #tpu.dot_dimension_numbers<[1], [1], [0], [0], [0, 0, 1, 0], [], []>, precision = #tpu.contract_precision<fp32>, transpose_lhs_hint = false} : vector<1000x128xf32>, vector<128x128xf32>, vector<1000x128xf32> -> vector<1000x128xf32>
    %swap3A = arith.constant 0 : index
    %swap3A_28 = arith.constant 0 : index
    %swap3A_29 = vector.load %arg9[%swap3A, %swap3A_28] : memref<1000x128xf32, #tpu.memory_space<vmem>>, vector<1000x128xf32>
    tpu.vector_store %arg9[%swap3A, %swap3A_28], %dot_general3A_27 {strides = array<i32>} : memref<1000x128xf32, #tpu.memory_space<vmem>>, vector<1000x128xf32>,
    %get3A_30 = arith.constant 0 : index
    %get3A_31 = arith.constant 0 : index
    %get3A_32 = vector.load %arg7[%get3A_30, %get3A_31] : memref<64x128xf32, #tpu.memory_space<vmem>>, vector<64x128xf32>
    %dot_general3A_33 = arith.constant dense<0.000000e+00> : vector<1000x64xf32>
    %dot_general3A_34 = tpu.matmul %max3A_23, %get3A_32, %dot_general3A_33 {dimension_numbers = #tpu.dot_dimension_numbers<[1], [1], [0], [0], [0, 0, 1, 0], [], []>, precision = #tpu.contract_precision<fp32>, transpose_lhs_hint = false} : vector<1000x128xf32>, vector<64x128xf32>, vector<1000x64xf32> -> vector<1000x64xf32>
    %get3A_35 = arith.constant 0 : index
    %get3A_36 = arith.constant 0 : index
    %get3A_37 = vector.load %arg8[%get3A_35, %get3A_36] : memref<1x64xf32, #tpu.memory_space<vmem>>, vector<1x64xf32>
    %add3A_38 = vector.broadcast %get3A_37 : vector<1x64xf32> to vector<1000x64xf32>
    %add3A_39 = arith.addf %dot_general3A_34, %add3A_38 : vector<1000x64xf32>
    %swap3A_40 = arith.constant 0 : index
    %swap3A_41 = arith.constant 0 : index
    %swap3A_42 = vector.load %arg10[%swap3A_40, %swap3A_41] : memref<1000x64xf32, #tpu.memory_space<vmem>>, vector<1000x64xf32>
    tpu.vector_store %arg10[%swap3A_40, %swap3A_41], %add3A_39 {strides = array<i32>} : memref<1000x64xf32, #tpu.memory_space<vmem>>, vector<1000x64xf32>,
    return
  }
  func.func @transform_0(%arg0: i32) -> (i32, i32) {
    %c0_i32 = arith.constant 0 : i32
    %c0_i32_0 = arith.constant 0 : i32
    return %arg0, %c0_i32 : i32, i32
  }
  func.func @transform_1(%arg0: i32) -> (i32, i32) {
    %c0_i32 = arith.constant 0 : i32
    %c0_i32_0 = arith.constant 0 : i32
    return %arg0, %c0_i32 : i32, i32
  }
  func.func @transform_2(%arg0: i32) -> (i32, i32) {
    %c0_i32 = arith.constant 0 : i32
    %c0_i32_0 = arith.constant 0 : i32
    return %arg0, %c0_i32 : i32, i32
  }
  func.func @transform_3(%arg0: i32) -> (i32, i32) {
    %c0_i32 = arith.constant 0 : i32
    %c0_i32_0 = arith.constant 0 : i32
    return %arg0, %c0_i32 : i32, i32
  }
  func.func @transform_4(%arg0: i32) -> (i32, i32) {
    %c0_i32 = arith.constant 0 : i32
    %c0_i32_0 = arith.constant 0 : i32
    return %arg0, %c0_i32 : i32, i32
  }
  func.func @transform_5(%arg0: i32) -> (i32, i32) {
    %c0_i32 = arith.constant 0 : i32
    %c0_i32_0 = arith.constant 0 : i32
    %c0_i32_1 = arith.constant 0 : i32
    return %c0_i32, %c0_i32_0 : i32, i32
  }
  func.func @transform_6(%arg0: i32) -> (i32, i32) {
    %c0_i32 = arith.constant 0 : i32
    %c0_i32_0 = arith.constant 0 : i32
    %c0_i32_1 = arith.constant 0 : i32
    return %c0_i32, %c0_i32_0 : i32, i32
  }
  func.func @transform_7(%arg0: i32) -> (i32, i32) {
    %c0_i32 = arith.constant 0 : i32
    %c0_i32_0 = arith.constant 0 : i32
    %c0_i32_1 = arith.constant 0 : i32
    return %c0_i32, %c0_i32_0 : i32, i32
  }
  func.func @transform_8(%arg0: i32) -> (i32, i32) {
    %c0_i32 = arith.constant 0 : i32
    %c0_i32_0 = arith.constant 0 : i32
    return %arg0, %c0_i32 : i32, i32
  }
  func.func @transform_9(%arg0: i32) -> (i32, i32) {
    %c0_i32 = arith.constant 0 : i32
    %c0_i32_0 = arith.constant 0 : i32
    return %arg0, %c0_i32 : i32, i32
  }
}

module attributes {stable_mosaic.version = 14 : i64} {
  func.func @sage_final_64(%arg0: i32, %arg1: memref<1000x128xf32, #tpu.memory_space<vmem>>, %arg2: memref<1000x128xf32, #tpu.memory_space<vmem>>, %arg3: memref<1000x128xf32, #tpu.memory_space<vmem>>, %arg4: memref<1000x128xf32, #tpu.memory_space<vmem>>, %arg5: memref<1000x64xf32, #tpu.memory_space<vmem>>, %arg6: memref<1000x64xf32, #tpu.memory_space<vmem>>) attributes {dimension_semantics = [#tpu.dimension_semantics<arbitrary>], iteration_bounds = array<i64: 10>, scalar_prefetch = 0 : i64, scratch_operands = 0 : i64, tpu.core_type = #tpu.core_type<tc>, window_params = [{transform_indices = @transform_0, window_bounds = array<i64: 1000, 128>}, {transform_indices = @transform_1, window_bounds = array<i64: 1000, 128>}, {transform_indices = @transform_2, window_bounds = array<i64: 1000, 128>}, {transform_indices = @transform_3, window_bounds = array<i64: 1000, 128>}, {transform_indices = @transform_4, window_bounds = array<i64: 1000, 64>}, {transform_indices = @transform_5, window_bounds = array<i64: 1000, 64>}]} {
    %get3A = arith.constant 0 : index
    %get3A_0 = arith.constant 0 : index
    %get3A_1 = vector.load %arg3[%get3A, %get3A_0] : memref<1000x128xf32, #tpu.memory_space<vmem>>, vector<1000x1xf32>
    %get3A_2 = arith.constant 0 : index
    %get3A_3 = arith.constant 0 : index
    %get3A_4 = vector.load %arg4[%get3A_2, %get3A_3] : memref<1000x128xf32, #tpu.memory_space<vmem>>, vector<1000x1xf32>
    %add3A = arith.addf %get3A_1, %get3A_4 : vector<1000x1xf32>
    %max3A = arith.constant 1.000000e+00 : f32
    %max3A_5 = vector.broadcast %max3A : f32 to vector<1000x1xf32>
    %max3A_6 = arith.maximumf %add3A, %max3A_5 : vector<1000x1xf32>
    %div3A = arith.constant 1.000000e+00 : f32
    %div3A_7 = vector.broadcast %div3A : f32 to vector<1000x1xf32>
    %div3A_8 = arith.divf %div3A_7, %max3A_6 : vector<1000x1xf32>
    %get3A_9 = arith.constant 0 : index
    %get3A_10 = arith.constant 0 : index
    %get3A_11 = vector.load %arg1[%get3A_9, %get3A_10] : memref<1000x128xf32, #tpu.memory_space<vmem>>, vector<1000x64xf32>
    %get3A_12 = arith.constant 0 : index
    %get3A_13 = arith.constant 0 : index
    %get3A_14 = vector.load %arg2[%get3A_12, %get3A_13] : memref<1000x128xf32, #tpu.memory_space<vmem>>, vector<1000x64xf32>
    %add3A_15 = arith.addf %get3A_11, %get3A_14 : vector<1000x64xf32>
    %mul3A = vector.broadcast %div3A_8 : vector<1000x1xf32> to vector<1000x64xf32>
    %mul3A_16 = arith.mulf %add3A_15, %mul3A : vector<1000x64xf32>
    %get3A_17 = arith.constant 0 : index
    %get3A_18 = arith.constant 0 : index
    %get3A_19 = vector.load %arg5[%get3A_17, %get3A_18] : memref<1000x64xf32, #tpu.memory_space<vmem>>, vector<1000x64xf32>
    %add3A_20 = arith.addf %mul3A_16, %get3A_19 : vector<1000x64xf32>
    %reduce_max3A = arith.constant dense<0xFF800000> : vector<1000xf32>
    %reduce_max3A_21 = vector.multi_reduction <maximumf>, %add3A_20, %reduce_max3A [1] : vector<1000x64xf32> to vector<1000xf32>
    %broadcast_in_dim3A = vector.shape_cast %reduce_max3A_21 : vector<1000xf32> to vector<1000x1xf32>
    %sub3A = vector.broadcast %broadcast_in_dim3A : vector<1000x1xf32> to vector<1000x64xf32>
    %sub3A_22 = arith.subf %add3A_20, %sub3A : vector<1000x64xf32>
    %exp3A = math.exp %sub3A_22 : vector<1000x64xf32>
    %reduce_sum3A = arith.constant dense<0.000000e+00> : vector<1000xf32>
    %reduce_sum3A_23 = vector.multi_reduction <add>, %exp3A, %reduce_sum3A [1] : vector<1000x64xf32> to vector<1000xf32>
    %broadcast_in_dim3A_24 = vector.shape_cast %reduce_sum3A_23 : vector<1000xf32> to vector<1000x1xf32>
    %log3A = math.log %broadcast_in_dim3A_24 : vector<1000x1xf32>
    %sub3A_25 = vector.broadcast %log3A : vector<1000x1xf32> to vector<1000x64xf32>
    %sub3A_26 = arith.subf %sub3A_22, %sub3A_25 : vector<1000x64xf32>
    %swap3A = arith.constant 0 : index
    %swap3A_27 = arith.constant 0 : index
    %swap3A_28 = vector.load %arg6[%swap3A, %swap3A_27] : memref<1000x64xf32, #tpu.memory_space<vmem>>, vector<1000x64xf32>
    tpu.vector_store %arg6[%swap3A, %swap3A_27], %sub3A_26 {strides = array<i32>} : memref<1000x64xf32, #tpu.memory_space<vmem>>, vector<1000x64xf32>,
    return
  }
  func.func @transform_0(%arg0: i32) -> (i32, i32) {
    %c0_i32 = arith.constant 0 : i32
    %c0_i32_0 = arith.constant 0 : i32
    return %arg0, %c0_i32 : i32, i32
  }
  func.func @transform_1(%arg0: i32) -> (i32, i32) {
    %c0_i32 = arith.constant 0 : i32
    %c0_i32_0 = arith.constant 0 : i32
    return %arg0, %c0_i32 : i32, i32
  }
  func.func @transform_2(%arg0: i32) -> (i32, i32) {
    %c0_i32 = arith.constant 0 : i32
    %c0_i32_0 = arith.constant 0 : i32
    return %arg0, %c0_i32 : i32, i32
  }
  func.func @transform_3(%arg0: i32) -> (i32, i32) {
    %c0_i32 = arith.constant 0 : i32
    %c0_i32_0 = arith.constant 0 : i32
    return %arg0, %c0_i32 : i32, i32
  }
  func.func @transform_4(%arg0: i32) -> (i32, i32) {
    %c0_i32 = arith.constant 0 : i32
    %c0_i32_0 = arith.constant 0 : i32
    return %arg0, %c0_i32 : i32, i32
  }
  func.func @transform_5(%arg0: i32) -> (i32, i32) {
    %c0_i32 = arith.constant 0 : i32
    %c0_i32_0 = arith.constant 0 : i32
    return %arg0, %c0_i32 : i32, i32
  }
}

</mosaic_0001>

<sc_bundles>
// kernel: sage_sc_scatter_g0.3.cloned.1.call-start
scs
__scs_entry_jumppad:
0x0: {  	(pc) =	sbr.rel $0x88, $3  }
0x1: {  	(tag) =	ssettag $0x0;
	lr =	simm.s32 $0x1  }
0x2: {  	[smem:$0x3F96] =	sst lr;
	_ =	strace $0xD0000000  }
0x3: {  	_ = 	snop  }
0x4: {  	_ = 	snop  }
0x5: {  	_ = 	snop  }
0x6: {  	_ = 	snop  }
0x7: {  	_ = 	snop  }
__scs_overlays_trampoline_lowered:
0x8: {  	[smem:$0x3FA5] =	sst s0  }
0x9: {  	[smem:$0x3FA6] =	sst s1  }
0xa: {  	[smem:$0x3FA7] =	sst s2  }
0xb: {  	[smem:$0x3FA8] =	sst s3  }
0xc: {  	[smem:$0x3FA9] =	sst s4  }
0xd: {  	[smem:$0x3FAA] =	sst s5  }
0xe: {  	[smem:$0x3FAB] =	sst s6  }
0xf: {  	[smem:$0x3FAC] =	sst s7  }
0x10: {  	[smem:$0x3FAD] =	sst s8  }
0x11: {  	[smem:$0x3FAE] =	sst s9;
	s0 =	simm.s32 @!p0 $0x0  }
0x12: {  	s1 =	sld [smem:$0x3F94];
	s0 =	simm.s32 @p0 $0x1  }
0x13: {  	[smem:$0x3FAF] =	sst s0;
	s0 =	simm.s32 @!p1 $0x0  }
0x14: {  	s2 =	sld [smem:$0x3F93];
	s0 =	simm.s32 @p1 $0x1  }
0x15: {  	[smem:$0x3FB0] =	sst s0;
	s0 =	simm.s32 @!p2 $0x0  }
0x16: {  	s3 =	sld [smem:$0x3FDB];
	s0 =	simm.s32 @p2 $0x1  }
0x17: {  	s4 =	simm.s32 $0x1BF5;
	[smem:$0x3FB2] =	sst s0  }
0x18: {  	s0 =	sld [smem:$0x3F95];
	_ =	swait.ge [sflag:s4], $0x0  }
0x19: {  	s7 =	sld [smem:$0x3F96]  }
0x1a: {  	s8 =	sadd.s32 $0xFFFFE003, lr  }
0x1b: {  	s9 =	sadd.s32 $0xFFFFFEF7, lr;
	s5 =	simm.s32 $0xFFFFFFFF;
	p2 =	slt.u32 s8, $0xFFFFF086  }
0x1c: {  	p1 =	slt.u32 s9, $0xF7A;
	s5 =	simm.s32 @!p2 $0x0  }
0x1d: {  	s5 =	simm.s32 @p1 $0x1;
	p0 =	seq.s32 s7, s2  }
0x1e: {  	s7 =	smul.u32 @!p0 $0xF7A, s2;
	p2 =	seq.s32 @!p0 s5, $0x0  }
0x1f: {  	s9 =	smul.u32 $0xF7A, s1;
	s8 =	simm.s32 @!p0 $0x1BF5;
	p2 =	por !p2, p0  }
0x20: {  	[sflag:s8] =	ssyncset.s32 @!p0 $0xFFFFF086;
	s6 =	sadd.s32 @!p0 s3, s7;
	s7 =	simm.s32 @!p0 $0x108  }
0x21: {  	s3 =	sadd.s32 s3, s9;
	s6 =	sadd.s32 @!p0 $0x88, s6;
	s7 =	simm.s32 @p2 $0x1082  }
0x22: {  	[simem:s7], [sflag:s8] =	dma.local @!p0 [hbm:s6], $0xF7A  }
0x23: {  	s9 =	sor.u32 $0xD0000000, s2;
	s6 =	simm.s32 $0x108;
	_ =	swait.ge @!p0 [sflag:s8], $0x0  }
0x24: {  	s3 =	sadd.s32 $0x88, s3;
	s6 =	simm.s32 @!p1 $0x1082;
	[sflag:s4] =	ssyncset.s32 $0xFFFFF086  }
0x25: {  	[simem:s6], [sflag:s4] =	dma.local [hbm:s3], $0xF7A  }
0x26: {  	[smem:$0x3F96] =	sst s1;
	(tag) =	ssettag s2;
	_ =	strace s9  }
0x27: {  	s1 =	sld [smem:$0x3FA6]  }
0x28: {  	s2 =	sld [smem:$0x3FA7]  }
0x29: {  	s4 =	sld [smem:$0x3FA9]  }
0x2a: {  	p0 =	seq.s32 s5, $0x0;
	s5 =	sld [smem:$0x3FAA]  }
0x2b: {  	s6 =	sld [smem:$0x3FAB]  }
0x2c: {  	s7 =	sld [smem:$0x3FAC]  }
0x2d: {  	s3 =	simm.s32 $0x108;
	s8 =	sld [smem:$0x3FAD]  }
0x2e: {  	s3 =	simm.s32 @!p0 $0x1082;
	s9 =	sld [smem:$0x3FAE]  }
0x2f: {  	lr =	sadd.s32 s0, s3;
	s0 =	sld [smem:$0x3FA5]  }
0x30: {  	s3 =	sld [smem:$0x3FA8]  }
0x31: {  	[smem:$0x3FB1] =	sst s10  }
0x32: {  	s10 =	sld [smem:$0x3FAF];
	_ =	sdelay $0x3  }
0x33: {  	p0 =	seq.s32 s10, $0x1;
	s10 =	sld [smem:$0x3FB1];
	_ =	sdelay $0x3  }
0x34: {  	[smem:$0x3FB1] =	sst s10  }
0x35: {  	s10 =	sld [smem:$0x3FB0];
	_ =	sdelay $0x3  }
0x36: {  	p1 =	seq.s32 s10, $0x1;
	s10 =	sld [smem:$0x3FB1];
	_ =	sdelay $0x3  }
0x37: {  	[smem:$0x3FB1] =	sst s10  }
0x38: {  	s10 =	sld [smem:$0x3FB2]  }
0x39: {  	_ = 	snop;
	(pc) =	sbr.ind lr, $3  }
0x3a: {  	_ = 	snop  }
0x3b: {  	_ = 	snop  }
0x3c: {  	p2 =	seq.s32 s10, $0x1;
	s10 =	sld [smem:$0x3FB1]  }
0x3d: {  	_ =	shalt  }
0x3e: {  	_ =	shalt  }
0x3f: {  	_ =	shalt  }
0x40: {  	_ =	shalt  }
0x41: {  	_ =	shalt  }
0x42: {  	_ =	shalt  }
0x43: {  	_ =	shalt  }
0x44: {  	_ =	shalt  }
0x45: {  	_ =	shalt  }
0x46: {  	_ =	shalt  }
0x47: {  	_ =	shalt  }
0x48: {  	_ =	shalt  }
0x49: {  	_ =	shalt  }
0x4a: {  	_ =	shalt  }
0x4b: {  	_ =	shalt  }
0x4c: {  	_ =	shalt  }
0x4d: {  	_ =	shalt  }
0x4e: {  	_ =	shalt  }
0x4f: {  	_ =	shalt  }
0x50: {  	_ =	shalt  }
0x51: {  	_ =	shalt  }
0x52: {  	_ =	shalt  }
0x53: {  	_ =	shalt  }
0x54: {  	_ =	shalt  }
0x55: {  	_ =	shalt  }
0x56: {  	_ =	shalt  }
0x57: {  	_ =	shalt  }
0x58: {  	_ =	shalt  }
0x59: {  	_ =	shalt  }
0x5a: {  	_ =	shalt  }
0x5b: {  	_ =	shalt  }
0x5c: {  	_ =	shalt  }
0x5d: {  	_ =	shalt  }
0x5e: {  	_ =	shalt  }
0x5f: {  	_ =	shalt  }
0x60: {  	_ =	shalt  }
0x61: {  	_ =	shalt  }
0x62: {  	_ =	shalt  }
0x63: {  	_ =	shalt  }
0x64: {  	_ =	shalt  }
0x65: {  	_ =	shalt  }
0x66: {  	_ =	shalt  }
0x67: {  	_ =	shalt  }
0x68: {  	_ =	shalt  }
0x69: {  	_ =	shalt  }
0x6a: {  	_ =	shalt  }
0x6b: {  	_ =	shalt  }
0x6c: {  	_ =	shalt  }
0x6d: {  	_ =	shalt  }
0x6e: {  	_ =	shalt  }
0x6f: {  	_ =	shalt  }
0x70: {  	_ =	shalt  }
0x71: {  	_ =	shalt  }
0x72: {  	_ =	shalt  }
0x73: {  	_ =	shalt  }
0x74: {  	_ =	shalt  }
0x75: {  	_ =	shalt  }
0x76: {  	_ =	shalt  }
0x77: {  	_ =	shalt  }
0x78: {  	_ =	shalt  }
0x79: {  	_ =	shalt  }
0x7a: {  	_ =	shalt  }
0x7b: {  	_ =	shalt  }
0x7c: {  	_ =	shalt  }
0x7d: {  	_ =	shalt  }
0x7e: {  	_ =	shalt  }
0x7f: {  	_ =	shalt  }
0x80: {  	_ =	shalt  }
0x81: {  	_ =	shalt  }
0x82: {  	_ =	shalt  }
0x83: {  	_ =	shalt  }
0x84: {  	_ =	shalt  }
0x85: {  	_ =	shalt  }
0x86: {  	_ =	shalt  }
0x87: {  	_ =	shalt  }
.Lfunc_end0:
.L_simem_size_0:
called_computation_lowered:
.L_overlay_start_0:
0x88: {  	s2 =	sld [smem:$0x3FD9]  }
0x89: {  	s3 =	sld [smem:$0x3FFE];
	_ =	sdelay $0x1  }
0x8a: {  	s1 =	srdreg.scid  }
0x8b: {  	s0 =	sand.u32 $0x1, s1  }
0x8c: {  	s17 =	sshll.u32 s0, $0xA;
	s2 =	sadd.s32 s3, s2  }
0x8d: {  	s2 =	sadd.s32 s2, s17  }
0x8e: {  	[smem:$0x3FBD] =	sst s2  }
0x8f: {  	_ = 	snop  }
0x90: {  	(tm) =	ssettm $0x1  }
0x91: {  	s18 =	sld [smem:$0x3FFB];
	_ =	sdelay $0x3  }
0x92: {  	_ =	strace s18  }
0x93: {  	s2 =	sld [smem:$0x3FFC];
	_ =	sdelay $0x3  }
0x94: {  	_ =	strace s2  }
0x95: {  	s2 =	sld [smem:$0x3FFD];
	_ =	sdelay $0x3  }
0x96: {  	_ =	strace s2  }
0x97: {  	_ =	strace $0x8FFFFFFF  }
0x98: {  	s19 =	sld [smem:$0x3FDB];
	_ =	sdelay $0x1  }
0x99: {  	s20 =	simm.s32 $_scs_section_size  }
0x9a: {  	s4 =	simm.s32 $_size__tile_overlayer_lowered;
	s5 =	simm.s32 $_tile_overlayer_lowered  }
0x9b: {  	s6 =	simm.s32 $0x1BFF;
	s21 =	sshll.u32 s5, $0x1;
	s3 =	sadd.s32 s20, s19  }
0x9c: {  	s22 =	simm.s32 $0x0;
	s4 =	sshll.u32 s4, $0x1;
	s5 =	sadd.s32 s21, s3  }
0x9d: {  	[timem:s22], [sflag:s6] =	dma.local [hbm:s5], s4  }
0x9e: {  	_ =	swait.ge [sflag:s6], s4  }
0x9f: {  	s4 =	ssub.s32 $0x0, s4;
	[sflag:s6] =	ssyncset.done $0x0  }
0xa0: {  	[sflag:s6] =	ssyncadd.s32 s4;
	_ =	sdelay $0x1  }
0xa1: {  	s23 =	simm.s32 $0x1B8B  }
0xa2: {  	_ =	swait.ge [sflag:s23], $0x1  }
0xa3: {  	[sflag:s23] =	ssyncset.done $0x0  }
0xa4: {  	[sflag:s23] =	ssyncadd.s32 $0xFFFFFFFF  }
0xa5: {  	s4 =	sld [smem:$0x0]  }
0xa6: {  	s5 =	sand.u32 $0xFFFFFFFE, s1  }
0xa7: {  	p0 =	sne.s32 s1, s5  }
0xa8: {  	s5 =	sshll.u32 @p0 s5, $0xE  }
0xa9: {  	s5 =	sadd.s32 @p0 $0x11B8D, s5;
	s6 =	sshll.u32 @p0 s4, $0x11  }
0xaa: {  	s5 =	sor.u32 @p0 s6, s5  }
0xab: {  	[sflag:s5] =	ssyncadd.remote.s32 @p0 $0x1;
	_ =	sdelay $0x1  }
0xac: {  	s5 =	simm.s32 @p0 $0x1B8D  }
0xad: {  	_ =	swait.eq @p0 [sflag:s5], $0x1  }
0xae: {  	[sflag:s5] =	ssyncadd.s32 @p0 $0xFFFFFFFF  }
0xaf: {  	s6 =	sshll.u32 @!p0 s1, $0xE  }
0xb0: {  	s6 =	sor.u32 @!p0 $0x4000, s6;
	s5 =	simm.s32 @!p0 $0x1B8D  }
0xb1: {  	s4 =	sshll.u32 @!p0 s4, $0x11;
	s6 =	sadd.s32 @!p0 $0x11B8D, s6;
	_ =	swait.eq @!p0 [sflag:s5], $0x1  }
0xb2: {  	s4 =	sor.u32 @!p0 s4, s6;
	[sflag:s5] =	ssyncadd.s32 @!p0 $0xFFFFFFFF  }
0xb3: {  	s25 =	simm.s32 $0x1B8E;
	s24 =	sld [smem:$0x3FFE];
	[sflag:s4] =	ssyncadd.remote.s32 @!p0 $0x1  }
0xb4: {  	s26 =	simm.s32 $execute0_lowered;
	[smem:$0x3FD2] =	sst s25  }
0xb5: {  	s5 =	sshll.u32 s26, $0x1;
	_ =	strace $0x80000049;
	[dreg:$0x1] =	wrdreg $0xFFFFFFFF  }
0xb6: {  	s28 =	simm.s32 $_size_execute0_lowered;
	s3 =	sadd.s32 s3, s5;
	[dreg:$0x0] =	wrdreg $0x0  }
0xb7: {  	s5 =	sshll.u32 s28, $0x1;
	[dreg:$0x2] =	wrdreg s3  }
0xb8: {  	[dreg:$0x3] =	wrdreg s5  }
0xb9: {  	[dreg:$0x4] =	wrdreg $0xC0  }
0xba: {  	_ =	task [dreg:s22], $0x5FFFF  }
0xbb: {  	[dreg:$0x1] =	wrdreg $0xFFFFFFFF  }
0xbc: {  	[dreg:$0x0] =	wrdreg $0x60  }
0xbd: {  	[dreg:$0x2] =	wrdreg s24  }
0xbe: {  	[dreg:$0x3] =	wrdreg $0x41000  }
0xbf: {  	[dreg:$0x4] =	wrdreg $0x9  }
0xc0: {  	_ =	task.clear_ibuf [dreg:s22], $0x5FFFF;
	_ =	strace $0x90000049  }
0xc1: {  	s29 =	simm.s32 $0x9;
	_ =	strace $0x8000004B  }
0xc2: {  	_ =	swait.ge [sflag:s29], $0x1  }
0xc3: {  	[sflag:s29] =	ssyncadd.s32 $0xFFFFFFFF  }
0xc4: {  	_ =	strace $0x9000004B  }
0xc5: {  	_ =	sfence  }
0xc6: {  	s30 =	sld [smem:$0x0];
	_ =	sdelay $0x2  }
0xc7: {  	s31 =	sshll.u32 s1, $0xD;
	s1 =	sshrl.u32 s1, $0x2  }
0xc8: {  	s4 =	sand.u32 $0x4000, s31;
	s1 =	sadd.s32 s1, s30  }
0xc9: {  	s0 =	sor.u32 s4, s0;
	s1 =	sshll.u32 s1, $0x11  }
0xca: {  	s0 =	sor.u32 s1, s0  }
0xcb: {  	s0 =	sadd.s32 $0x8F2B, s0  }
0xcc: {  	[sflag:s0] =	ssyncadd.remote.s32 $0x1  }
0xcd: {  	_ =	sfence.sel $0xFFFF  }
0xce: {  	[dreg:$0x0] =	wrdreg $0xFFFFFFFF;
	(pc) =	sbr.abs _section_cstart, $3  }
0xcf: {  	[dreg:$0x1] =	wrdreg $0xFFFFFFFF  }
0xd0: {  	_ =	task.clear_ibuf [dreg:s22], $0x2FFFF;
	_ =	strace $0x9FFFFFFF  }
0xd1: {  	(tm) =	ssettm $0x7FFFFFFF  }
tec
execute0_lowered:
.L_overlay_start_1:
0x0: {  	(tag) =	ssettag $0x1  }
0x1: {  	s0 =	rddreg [dreg:$0x0]  }
0x2: {  	s1 =	rddreg [dreg:$0x1];
	s2 =	simm.s32 $0x0;
	s5 =	srdreg.scid  }
0x3: {  	s24 =	stileid.u32;
	s28 =	simm.s32 $0x1;
	s29 =	simm.s32 $0x2  }
0x4: {  	s30 =	simm.s32 $0x0;
	[smem:$0x7FF] =	sst s2;
	s3 =	sadd.s32 $0x84800, s0  }
0x5: {  	s21 =	sadd.s32 $0x2E00, s0;
	s17 =	sand.u32 $0x1, s5;
	s7 =	smul.u32 $0x50000, s24  }
0x6: {  	s6 =	sshll.u32 s24, $0x1;
	s4 =	sadd.s32 $0x34000, s0;
	s19 =	smul.u32 $0x14000, s24  }
0x7: {  	s22 =	smul.u32 $0x9E, s24;
	_ =	strace $0x8000004A;
	[dreg:$0x3] =	wrdreg s3  }
0x8: {  	s0 =	sadd.s32 $0x85000, s0;
	[dreg:$0x4] =	wrdreg s4;
	s20 =	smul.u32 $0x140000, s17  }
0x9: {  	s6 =	sor.u32 s17, s6;
	s8 =	ssub.s32 $0x2, s17;
	s24 =	smul.u32 $0x4F, s17  }
0xa: {  	s9 =	smul.u32 $0x4F0, s6;
	s25 =	sshrl.u32 s8, $0x1;
	s7 =	sshrl.u32 s7, $0x2  }
0xb: {  	s14 =	sadd.s32 $0x4000, s19;
	s18 =	sadd.s32 $0x8000, s19;
	s23 =	sadd.s32 $0xC000, s19  }
0xc: {  	s8 =	ssub.s32 s8, s25;
	s6 =	sadd.s32 s7, s1;
	s12 =	sadd.s32 s20, s19  }
0xd: {  	s15 =	sadd.s32 s20, s14;
	s14 =	sadd.s32 s14, s1;
	s16 =	sadd.s32 s18, s1  }
0xe: {  	s18 =	sadd.s32 s20, s18;
	s25 =	sadd.s32 $0x10000, s19;
	s22 =	sadd.s32 s24, s22  }
0xf: {  	s24 =	simm.s32 $0x100;
	s7 =	sadd.s32 s21, s9;
	s8 =	smax.u32 s8, $0x1  }
0x10: {  	s9 =	sadd.s32 $0x4000, s6;
	s10 =	sadd.s32 $0x8000, s6;
	s11 =	sadd.s32 $0xC000, s6  }
0x11: {  	s13 =	sshrl.u32 s12, $0x3;
	s12 =	sadd.s32 $0x10000, s6;
	s15 =	sshrl.u32 s15, $0x3  }
0x12: {  	s18 =	sshrl.u32 s18, $0x3;
	s26 =	sadd.s32 s20, s25;
	s22 =	sshll.u32 s22, $0x4  }
0x13: {  	s13 =	sadd.s32 s0, s13;
	s15 =	sadd.s32 s0, s15;
	s17 =	sadd.s32 s0, s18  }
0x14: {  	s18 =	sadd.s32 s23, s1;
	s23 =	sadd.s32 s20, s23;
	s20 =	sadd.s32 s25, s1  }
0x15: {  	s31 =	sadd.s32 s22, s21;
	s25 =	simm.s32 $0x3;
	s23 =	sshrl.u32 s23, $0x3  }
0x16: {  	s22 =	sadd.s32 $0x20, s31;
	s19 =	sadd.s32 s0, s23;
	s23 =	sshrl.u32 s26, $0x3  }
0x17: {  	s26 =	simm.s32 $0x80;
	s21 =	sadd.s32 s0, s23;
	s23 =	sadd.s32 $0x10, s31  }
.LBB2_1:
0x18: {  	s0 =	rddreg [dreg:$0x4]  }
0x19: {  	[tilespmem:s24], [sflag:$0x3] =	stream.linear.gather [hbm4b:s0+s2], $0x4000, $0x38;
	[tilespmem:$0x18100] =	vst v63  }
0x1a: {  	_ =	swait.ge [sflag:s25], $0x4000  }
0x1b: {  	[sflag:s25] =	ssyncset.done $0x0  }
0x1c: {  	[sflag:s25] =	ssyncadd.s32 $0xFFFFC000  }
0x1d: {  	[spmem:s6] =	stream.linear.scatter [tilespmem:s24], [sflag:$0x3], $0x4000, $0x38;
	[tilespmem:$0x18100] =	vst v63  }
0x1e: {  	_ =	swait.ge [sflag:s25], $0x4000  }
0x1f: {  	[sflag:s25] =	ssyncset.done $0x0  }
0x20: {  	[sflag:s25] =	ssyncadd.s32 $0xFFFFC000  }
0x21: {  	[spmem:s9] =	stream.linear.scatter [tilespmem:s24], [sflag:$0x3], $0x4000, $0x38;
	[tilespmem:$0x18100] =	vst v63  }
0x22: {  	_ =	swait.ge [sflag:s25], $0x4000  }
0x23: {  	[sflag:s25] =	ssyncset.done $0x0  }
0x24: {  	[sflag:s25] =	ssyncadd.s32 $0xFFFFC000  }
0x25: {  	[spmem:s10] =	stream.linear.scatter [tilespmem:s24], [sflag:$0x3], $0x4000, $0x38;
	[tilespmem:$0x18100] =	vst v63  }
0x26: {  	_ =	swait.ge [sflag:s25], $0x4000  }
0x27: {  	[sflag:s25] =	ssyncset.done $0x0  }
0x28: {  	[sflag:s25] =	ssyncadd.s32 $0xFFFFC000  }
0x29: {  	[spmem:s11] =	stream.linear.scatter [tilespmem:s24], [sflag:$0x3], $0x4000, $0x38;
	[tilespmem:$0x18100] =	vst v63  }
0x2a: {  	_ =	swait.ge [sflag:s25], $0x4000  }
0x2b: {  	[sflag:s25] =	ssyncset.done $0x0  }
0x2c: {  	[sflag:s25] =	ssyncadd.s32 $0xFFFFC000  }
0x2d: {  	[spmem:s12] =	stream.linear.scatter [tilespmem:s24], [sflag:$0x3], $0x4000, $0x38;
	[tilespmem:$0x18100] =	vst v63  }
0x2e: {  	_ =	swait.ge [sflag:s25], $0x4000  }
0x2f: {  	[sflag:s25] =	ssyncset.done $0x0  }
0x30: {  	s3 =	rddreg [dreg:$0x3];
	[sflag:s25] =	ssyncadd.s32 $0xFFFFC000  }
0x31: {  	[tilespmem:s24], [sflag:$0x3] =	stream.linear.gather [hbm4b:s3+s2], $0x4000, $0x38;
	[tilespmem:$0x18100] =	vst v63  }
0x32: {  	_ =	swait.ge [sflag:s25], $0x4000  }
0x33: {  	[sflag:s25] =	ssyncset.done $0x0  }
0x34: {  	[sflag:s25] =	ssyncadd.s32 $0xFFFFC000  }
0x35: {  	[bflag:$0x0] =	sbarrier.arrive $0xFFFF  }
0x36: {  	[tilespmem:s2], [sflag:$0x1] =	stream.linear.gather [hbm4b:s7+s2], $0x80, $0x38;
	[tilespmem:$0x18100] =	vst v63  }
0x37: {  	s4 =	sadd.s32 $0x0, s23  }
0x38: {  	[tilespmem:s26], [sflag:$0x2] =	stream.linear.gather [hbm4b:s4+s2], $0x80, $0x38;
	[tilespmem:$0x18100] =	vst v63  }
0x39: {  	_ =	swait.ge [sflag:s28], $0x80  }
0x3a: {  	[sflag:s28] =	ssyncset.done $0x0  }
0x3b: {  	[sflag:s28] =	ssyncadd.s32 $0xFFFFFF80  }
0x3c: {  	[spmem:s1] =	stream.indirect.scatter.add.f32 [tilespmem:s24], [sflag:$0x3], $0x80, s2, s26, $0xb8;
	[tilespmem:$0x18100] =	vst v63  }
0x3d: {  	_ =	swait.ge [sflag:s25], $0x4000  }
0x3e: {  	[sflag:s25] =	ssyncset.done $0x0  }
0x3f: {  	s5 =	sadd.s32 $0x0, s22;
	[sflag:s25] =	ssyncadd.s32 $0xFFFFC000  }
0x40: {  	[tilespmem:s2], [sflag:$0x1] =	stream.linear.gather [hbm4b:s5+s2], $0x80, $0x38;
	[tilespmem:$0x18100] =	vst v63  }
0x41: {  	_ =	swait.ge [sflag:s29], $0x80  }
0x42: {  	[sflag:s29] =	ssyncset.done $0x0  }
0x43: {  	[sflag:s29] =	ssyncadd.s32 $0xFFFFFF80  }
0x44: {  	[spmem:s1] =	stream.indirect.scatter.add.f32 [tilespmem:s24], [sflag:$0x3], $0x80, s26, s26, $0xb8;
	[tilespmem:$0x18100] =	vst v63  }
0x45: {  	_ =	swait.ge [sflag:s25], $0x4000  }
0x46: {  	s31 =	simm.s32 $0x20;
	s0 =	simm.s32 $0x40;
	[sflag:s25] =	ssyncset.done $0x0  }
.LBB2_2:
0x47: {  	s3 =	sadd.s32 s31, s23  }
0x48: {  	[sflag:s25] =	ssyncadd.s32 $0xFFFFC000;
	s4 =	smov.u32 s0;
	s5 =	sadd.s32 $0x20, s0  }
0x49: {  	[tilespmem:s26], [sflag:$0x2] =	stream.linear.gather [hbm4b:s3+s2], $0x80, $0x38;
	[tilespmem:$0x18100] =	vst v63  }
0x4a: {  	p0 =	sne.s32 s0, $0x4C0;
	_ =	swait.ge [sflag:s28], $0x80  }
0x4b: {  	[sflag:s28] =	ssyncset.done $0x0  }
0x4c: {  	[sflag:s28] =	ssyncadd.s32 $0xFFFFFF80  }
0x4d: {  	[spmem:s1] =	stream.indirect.scatter.add.f32 [tilespmem:s24], [sflag:$0x3], $0x80, s2, s26, $0xb8;
	[tilespmem:$0x18100] =	vst v63  }
0x4e: {  	_ =	swait.ge [sflag:s25], $0x4000  }
0x4f: {  	[sflag:s25] =	ssyncset.done $0x0  }
0x50: {  	s0 =	sadd.s32 s31, s22;
	s31 =	smov.u32 s4;
	[sflag:s25] =	ssyncadd.s32 $0xFFFFC000  }
0x51: {  	[tilespmem:s2], [sflag:$0x1] =	stream.linear.gather [hbm4b:s0+s2], $0x80, $0x38;
	[tilespmem:$0x18100] =	vst v63  }
0x52: {  	_ =	swait.ge [sflag:s29], $0x80  }
.Ltmp0:
0x53: {  	[sflag:s29] =	ssyncset.done $0x0;
	(pc) =	sbr.rel @p0 .LBB2_2-.Ltmp0, $4  }
0x54: {  	[sflag:s29] =	ssyncadd.s32 $0xFFFFFF80  }
0x55: {  	[spmem:s1] =	stream.indirect.scatter.add.f32 [tilespmem:s24], [sflag:$0x3], $0x80, s26, s26, $0xb8;
	[tilespmem:$0x18100] =	vst v63  }
0x56: {  	_ =	swait.ge [sflag:s25], $0x4000  }
0x57: {  	s0 =	smov.u32 s5;
	[sflag:s25] =	ssyncset.done $0x0  }
0x58: {  	s0 =	sadd.s32 s31, s23;
	[sflag:s25] =	ssyncadd.s32 $0xFFFFC000  }
0x59: {  	[tilespmem:s26], [sflag:$0x2] =	stream.linear.gather [hbm4b:s0+s2], $0x80, $0x38;
	[tilespmem:$0x18100] =	vst v63  }
0x5a: {  	_ =	swait.ge [sflag:s28], $0x80  }
0x5b: {  	[sflag:s28] =	ssyncset.done $0x0  }
0x5c: {  	[sflag:s28] =	ssyncadd.s32 $0xFFFFFF80  }
0x5d: {  	[spmem:s1] =	stream.indirect.scatter.add.f32 [tilespmem:s24], [sflag:$0x3], $0x80, s2, s26, $0xb8;
	[tilespmem:$0x18100] =	vst v63  }
0x5e: {  	_ =	swait.ge [sflag:s25], $0x4000  }
0x5f: {  	[sflag:s25] =	ssyncset.done $0x0  }
0x60: {  	s31 =	sadd.s32 s31, s22;
	[sflag:s25] =	ssyncadd.s32 $0xFFFFC000  }
0x61: {  	[tilespmem:s2], [sflag:$0x1] =	stream.linear.gather [hbm4b:s31+s2], $0x80, $0x38;
	[tilespmem:$0x18100] =	vst v63  }
0x62: {  	_ =	swait.ge [sflag:s29], $0x80  }
0x63: {  	[sflag:s29] =	ssyncset.done $0x0  }
0x64: {  	[sflag:s29] =	ssyncadd.s32 $0xFFFFFF80  }
0x65: {  	[spmem:s1] =	stream.indirect.scatter.add.f32 [tilespmem:s24], [sflag:$0x3], $0x80, s26, s26, $0xb8;
	[tilespmem:$0x18100] =	vst v63  }
0x66: {  	_ =	swait.ge [sflag:s25], $0x4000  }
0x67: {  	[sflag:s25] =	ssyncset.done $0x0  }
0x68: {  	[sflag:s25] =	ssyncadd.s32 $0xFFFFC000  }
0x69: {  	_ =	swait.ge [sflag:s28], $0x80  }
0x6a: {  	[sflag:s28] =	ssyncset.done $0x0  }
0x6b: {  	[sflag:s28] =	ssyncadd.s32 $0xFFFFFF80  }
0x6c: {  	[spmem:s1] =	stream.indirect.scatter.add.f32 [tilespmem:s24], [sflag:$0x3], $0x80, s2, s26, $0xb8;
	[tilespmem:$0x18100] =	vst v63  }
0x6d: {  	_ =	swait.ge [sflag:s25], $0x4000  }
0x6e: {  	[sflag:s25] =	ssyncset.done $0x0  }
0x6f: {  	[sflag:s25] =	ssyncadd.s32 $0xFFFFC000  }
0x70: {  	[bflag:$0x0] =	sbarrier.arrive $0xFFFF  }
0x71: {  	[tilespmem:s24], [sflag:$0x3] =	stream.linear.gather [spmem:s6], $0x4000, $0x38;
	[tilespmem:$0x18100] =	vst v63  }
0x72: {  	_ =	swait.ge [sflag:s25], $0x4000  }
0x73: {  	[sflag:s25] =	ssyncset.done $0x0  }
0x74: {  	[sflag:s25] =	ssyncadd.s32 $0xFFFFC000  }
0x75: {  	[hbm4b:s13+s2] =	stream.linear.scatter [tilespmem:s24], [sflag:$0x3], $0x4000, $0x38;
	[tilespmem:$0x18100] =	vst v63  }
0x76: {  	_ =	swait.ge [sflag:s25], $0x4000  }
0x77: {  	[sflag:s25] =	ssyncset.done $0x0  }
0x78: {  	[sflag:s25] =	ssyncadd.s32 $0xFFFFC000  }
0x79: {  	[tilespmem:s24], [sflag:$0x3] =	stream.linear.gather [spmem:s14], $0x4000, $0x38;
	[tilespmem:$0x18100] =	vst v63  }
0x7a: {  	_ =	swait.ge [sflag:s25], $0x4000  }
0x7b: {  	[sflag:s25] =	ssyncset.done $0x0  }
0x7c: {  	[sflag:s25] =	ssyncadd.s32 $0xFFFFC000  }
0x7d: {  	[hbm4b:s15+s2] =	stream.linear.scatter [tilespmem:s24], [sflag:$0x3], $0x4000, $0x38;
	[tilespmem:$0x18100] =	vst v63  }
0x7e: {  	_ =	swait.ge [sflag:s25], $0x4000  }
0x7f: {  	[sflag:s25] =	ssyncset.done $0x0  }
0x80: {  	[sflag:s25] =	ssyncadd.s32 $0xFFFFC000  }
0x81: {  	[tilespmem:s24], [sflag:$0x3] =	stream.linear.gather [spmem:s16], $0x4000, $0x38;
	[tilespmem:$0x18100] =	vst v63  }
0x82: {  	_ =	swait.ge [sflag:s25], $0x4000  }
0x83: {  	[sflag:s25] =	ssyncset.done $0x0  }
0x84: {  	[sflag:s25] =	ssyncadd.s32 $0xFFFFC000  }
0x85: {  	[hbm4b:s17+s2] =	stream.linear.scatter [tilespmem:s24], [sflag:$0x3], $0x4000, $0x38;
	[tilespmem:$0x18100] =	vst v63  }
0x86: {  	_ =	swait.ge [sflag:s25], $0x4000  }
0x87: {  	[sflag:s25] =	ssyncset.done $0x0  }
0x88: {  	[sflag:s25] =	ssyncadd.s32 $0xFFFFC000  }
0x89: {  	[tilespmem:s24], [sflag:$0x3] =	stream.linear.gather [spmem:s18], $0x4000, $0x38;
	[tilespmem:$0x18100] =	vst v63  }
0x8a: {  	_ =	swait.ge [sflag:s25], $0x4000  }
0x8b: {  	[sflag:s25] =	ssyncset.done $0x0  }
0x8c: {  	[sflag:s25] =	ssyncadd.s32 $0xFFFFC000  }
0x8d: {  	[hbm4b:s19+s2] =	stream.linear.scatter [tilespmem:s24], [sflag:$0x3], $0x4000, $0x38;
	[tilespmem:$0x18100] =	vst v63  }
0x8e: {  	_ =	swait.ge [sflag:s25], $0x4000  }
0x8f: {  	[sflag:s25] =	ssyncset.done $0x0  }
0x90: {  	[sflag:s25] =	ssyncadd.s32 $0xFFFFC000  }
0x91: {  	[tilespmem:s24], [sflag:$0x3] =	stream.linear.gather [spmem:s20], $0x4000, $0x38;
	[tilespmem:$0x18100] =	vst v63  }
0x92: {  	s30 =	sadd.s32 $0x1, s30;
	_ =	swait.ge [sflag:s25], $0x4000  }
0x93: {  	p0 =	sne.s32 s30, s8;
	[sflag:s25] =	ssyncset.done $0x0  }
.Ltmp1:
0x94: {  	[sflag:s25] =	ssyncadd.s32 $0xFFFFC000;
	(pc) =	sbr.rel @p0 .LBB2_1-.Ltmp1, $4  }
0x95: {  	[hbm4b:s21+s2] =	stream.linear.scatter [tilespmem:s24], [sflag:$0x3], $0x4000, $0x38;
	[tilespmem:$0x18100] =	vst v63  }
0x96: {  	_ =	swait.ge [sflag:s25], $0x4000  }
0x97: {  	[sflag:s25] =	ssyncset.done $0x0  }
0x98: {  	[sflag:s25] =	ssyncadd.s32 $0xFFFFC000  }
0x99: {  	_ =	sfence.sel $0x180000  }
0x9a: {  	[bflag:$0x0] =	sbarrier.arrive $0xFFFF  }
0x9b: {  	_ =	strace $0x9000004A  }
0x9c: {  	s0 =	stileid.u32;
	[bflag:$0x2] =	sbarrier.arrive $0xFFFF  }
0x9d: {  	p0 =	sne.s32 s0, $0x0;
	s0 =	rddreg [dreg:$0x2]  }
0x9e: {  	s0 =	sadd.s32 @!p0 $0x100000, s0  }
0x9f: {  	[sflag:s0] =	ssyncadd.tile.s32 @!p0 $0x1;
	_ =	shalt  }
.Lfunc_end2:
_tile_overlayer_lowered:
.L_overlay_start_2:
0xa0: {  	(tag) =	ssettag $0x2  }
0xa1: {  	s0 =	rddreg [dreg:$0x0];
	s2 =	stileid.u32  }
0xa2: {  	s1 =	rddreg [dreg:$0x1];
	p0 =	sne.s32 s2, $0x0  }
0xa3: {  	s3 =	rddreg [dreg:$0x2];
	[bflag:$0x3] =	sbarrier.arrive $0xFFFF;
	s2 =	simm.s32 @!p0 $0x1C03  }
0xa4: {  	[timem:s3], [sflag:s2] =	dma.local @!p0 [hbm:s0], s1  }
0xa5: {  	s0 =	simm.s32 @!p0 $0x3  }
0xa6: {  	_ =	swait.ge @!p0 [sflag:s0], s1  }
0xa7: {  	s1 =	ssub.s32 @!p0 $0x0, s1;
	[sflag:s0] =	ssyncset.done @!p0 $0x0  }
0xa8: {  	[sflag:s0] =	ssyncadd.s32 @!p0 s1  }
0xa9: {  	[bflag:$0x3] =	sbarrier.arrive $0xFFFF  }
0xaa: {  	_ =	shalt  }

// kernel: sage_sc_scatter_g1.11.cloned.1.call-start
scs
__scs_entry_jumppad:
0x0: {  	(pc) =	sbr.rel $0x88, $3  }
0x1: {  	(tag) =	ssettag $0x0;
	lr =	simm.s32 $0x1  }
0x2: {  	[smem:$0x3F96] =	sst lr;
	_ =	strace $0xD0000000  }
0x3: {  	_ = 	snop  }
0x4: {  	_ = 	snop  }
0x5: {  	_ = 	snop  }
0x6: {  	_ = 	snop  }
0x7: {  	_ = 	snop  }
__scs_overlays_trampoline_lowered:
0x8: {  	[smem:$0x3FA5] =	sst s0  }
0x9: {  	[smem:$0x3FA6] =	sst s1  }
0xa: {  	[smem:$0x3FA7] =	sst s2  }
0xb: {  	[smem:$0x3FA8] =	sst s3  }
0xc: {  	[smem:$0x3FA9] =	sst s4  }
0xd: {  	[smem:$0x3FAA] =	sst s5  }
0xe: {  	[smem:$0x3FAB] =	sst s6  }
0xf: {  	[smem:$0x3FAC] =	sst s7  }
0x10: {  	[smem:$0x3FAD] =	sst s8  }
0x11: {  	[smem:$0x3FAE] =	sst s9;
	s0 =	simm.s32 @!p0 $0x0  }
0x12: {  	s1 =	sld [smem:$0x3F94];
	s0 =	simm.s32 @p0 $0x1  }
0x13: {  	[smem:$0x3FAF] =	sst s0;
	s0 =	simm.s32 @!p1 $0x0  }
0x14: {  	s2 =	sld [smem:$0x3F93];
	s0 =	simm.s32 @p1 $0x1  }
0x15: {  	[smem:$0x3FB0] =	sst s0;
	s0 =	simm.s32 @!p2 $0x0  }
0x16: {  	s3 =	sld [smem:$0x3FDB];
	s0 =	simm.s32 @p2 $0x1  }
0x17: {  	s4 =	simm.s32 $0x1BF5;
	[smem:$0x3FB2] =	sst s0  }
0x18: {  	s0 =	sld [smem:$0x3F95];
	_ =	swait.ge [sflag:s4], $0x0  }
0x19: {  	s7 =	sld [smem:$0x3F96]  }
0x1a: {  	s8 =	sadd.s32 $0xFFFFE003, lr  }
0x1b: {  	s9 =	sadd.s32 $0xFFFFFEF7, lr;
	s5 =	simm.s32 $0xFFFFFFFF;
	p2 =	slt.u32 s8, $0xFFFFF086  }
0x1c: {  	p1 =	slt.u32 s9, $0xF7A;
	s5 =	simm.s32 @!p2 $0x0  }
0x1d: {  	s5 =	simm.s32 @p1 $0x1;
	p0 =	seq.s32 s7, s2  }
0x1e: {  	s7 =	smul.u32 @!p0 $0xF7A, s2;
	p2 =	seq.s32 @!p0 s5, $0x0  }
0x1f: {  	s9 =	smul.u32 $0xF7A, s1;
	s8 =	simm.s32 @!p0 $0x1BF5;
	p2 =	por !p2, p0  }
0x20: {  	[sflag:s8] =	ssyncset.s32 @!p0 $0xFFFFF086;
	s6 =	sadd.s32 @!p0 s3, s7;
	s7 =	simm.s32 @!p0 $0x108  }
0x21: {  	s3 =	sadd.s32 s3, s9;
	s6 =	sadd.s32 @!p0 $0x88, s6;
	s7 =	simm.s32 @p2 $0x1082  }
0x22: {  	[simem:s7], [sflag:s8] =	dma.local @!p0 [hbm:s6], $0xF7A  }
0x23: {  	s9 =	sor.u32 $0xD0000000, s2;
	s6 =	simm.s32 $0x108;
	_ =	swait.ge @!p0 [sflag:s8], $0x0  }
0x24: {  	s3 =	sadd.s32 $0x88, s3;
	s6 =	simm.s32 @!p1 $0x1082;
	[sflag:s4] =	ssyncset.s32 $0xFFFFF086  }
0x25: {  	[simem:s6], [sflag:s4] =	dma.local [hbm:s3], $0xF7A  }
0x26: {  	[smem:$0x3F96] =	sst s1;
	(tag) =	ssettag s2;
	_ =	strace s9  }
0x27: {  	s1 =	sld [smem:$0x3FA6]  }
0x28: {  	s2 =	sld [smem:$0x3FA7]  }
0x29: {  	s4 =	sld [smem:$0x3FA9]  }
0x2a: {  	p0 =	seq.s32 s5, $0x0;
	s5 =	sld [smem:$0x3FAA]  }
0x2b: {  	s6 =	sld [smem:$0x3FAB]  }
0x2c: {  	s7 =	sld [smem:$0x3FAC]  }
0x2d: {  	s3 =	simm.s32 $0x108;
	s8 =	sld [smem:$0x3FAD]  }
0x2e: {  	s3 =	simm.s32 @!p0 $0x1082;
	s9 =	sld [smem:$0x3FAE]  }
0x2f: {  	lr =	sadd.s32 s0, s3;
	s0 =	sld [smem:$0x3FA5]  }
0x30: {  	s3 =	sld [smem:$0x3FA8]  }
0x31: {  	[smem:$0x3FB1] =	sst s10  }
0x32: {  	s10 =	sld [smem:$0x3FAF];
	_ =	sdelay $0x3  }
0x33: {  	p0 =	seq.s32 s10, $0x1;
	s10 =	sld [smem:$0x3FB1];
	_ =	sdelay $0x3  }
0x34: {  	[smem:$0x3FB1] =	sst s10  }
0x35: {  	s10 =	sld [smem:$0x3FB0];
	_ =	sdelay $0x3  }
0x36: {  	p1 =	seq.s32 s10, $0x1;
	s10 =	sld [smem:$0x3FB1];
	_ =	sdelay $0x3  }
0x37: {  	[smem:$0x3FB1] =	sst s10  }
0x38: {  	s10 =	sld [smem:$0x3FB2]  }
0x39: {  	_ = 	snop;
	(pc) =	sbr.ind lr, $3  }
0x3a: {  	_ = 	snop  }
0x3b: {  	_ = 	snop  }
0x3c: {  	p2 =	seq.s32 s10, $0x1;
	s10 =	sld [smem:$0x3FB1]  }
0x3d: {  	_ =	shalt  }
0x3e: {  	_ =	shalt  }
0x3f: {  	_ =	shalt  }
0x40: {  	_ =	shalt  }
0x41: {  	_ =	shalt  }
0x42: {  	_ =	shalt  }
0x43: {  	_ =	shalt  }
0x44: {  	_ =	shalt  }
0x45: {  	_ =	shalt  }
0x46: {  	_ =	shalt  }
0x47: {  	_ =	shalt  }
0x48: {  	_ =	shalt  }
0x49: {  	_ =	shalt  }
0x4a: {  	_ =	shalt  }
0x4b: {  	_ =	shalt  }
0x4c: {  	_ =	shalt  }
0x4d: {  	_ =	shalt  }
0x4e: {  	_ =	shalt  }
0x4f: {  	_ =	shalt  }
0x50: {  	_ =	shalt  }
0x51: {  	_ =	shalt  }
0x52: {  	_ =	shalt  }
0x53: {  	_ =	shalt  }
0x54: {  	_ =	shalt  }
0x55: {  	_ =	shalt  }
0x56: {  	_ =	shalt  }
0x57: {  	_ =	shalt  }
0x58: {  	_ =	shalt  }
0x59: {  	_ =	shalt  }
0x5a: {  	_ =	shalt  }
0x5b: {  	_ =	shalt  }
0x5c: {  	_ =	shalt  }
0x5d: {  	_ =	shalt  }
0x5e: {  	_ =	shalt  }
0x5f: {  	_ =	shalt  }
0x60: {  	_ =	shalt  }
0x61: {  	_ =	shalt  }
0x62: {  	_ =	shalt  }
0x63: {  	_ =	shalt  }
0x64: {  	_ =	shalt  }
0x65: {  	_ =	shalt  }
0x66: {  	_ =	shalt  }
0x67: {  	_ =	shalt  }
0x68: {  	_ =	shalt  }
0x69: {  	_ =	shalt  }
0x6a: {  	_ =	shalt  }
0x6b: {  	_ =	shalt  }
0x6c: {  	_ =	shalt  }
0x6d: {  	_ =	shalt  }
0x6e: {  	_ =	shalt  }
0x6f: {  	_ =	shalt  }
0x70: {  	_ =	shalt  }
0x71: {  	_ =	shalt  }
0x72: {  	_ =	shalt  }
0x73: {  	_ =	shalt  }
0x74: {  	_ =	shalt  }
0x75: {  	_ =	shalt  }
0x76: {  	_ =	shalt  }
0x77: {  	_ =	shalt  }
0x78: {  	_ =	shalt  }
0x79: {  	_ =	shalt  }
0x7a: {  	_ =	shalt  }
0x7b: {  	_ =	shalt  }
0x7c: {  	_ =	shalt  }
0x7d: {  	_ =	shalt  }
0x7e: {  	_ =	shalt  }
0x7f: {  	_ =	shalt  }
0x80: {  	_ =	shalt  }
0x81: {  	_ =	shalt  }
0x82: {  	_ =	shalt  }
0x83: {  	_ =	shalt  }
0x84: {  	_ =	shalt  }
0x85: {  	_ =	shalt  }
0x86: {  	_ =	shalt  }
0x87: {  	_ =	shalt  }
.Lfunc_end0:
.L_simem_size_0:
called_computation.3_lowered:
.L_overlay_start_0:
0x88: {  	s2 =	sld [smem:$0x3FD9]  }
0x89: {  	s3 =	sld [smem:$0x3FFE];
	_ =	sdelay $0x1  }
0x8a: {  	s1 =	srdreg.scid  }
0x8b: {  	s0 =	sand.u32 $0x1, s1  }
0x8c: {  	s17 =	sshll.u32 s0, $0xA;
	s2 =	sadd.s32 s3, s2  }
0x8d: {  	s2 =	sadd.s32 s2, s17  }
0x8e: {  	[smem:$0x3FBD] =	sst s2  }
0x8f: {  	_ = 	snop  }
0x90: {  	s2 =	sld [smem:$0x3FD0];
	(tm) =	ssettm $0x1  }
0x91: {  	s18 =	sld [smem:$0x3FFB];
	_ =	sdelay $0x3  }
0x92: {  	_ =	strace s18  }
0x93: {  	s3 =	sld [smem:$0x3FFC];
	_ =	sdelay $0x3  }
0x94: {  	_ =	strace s3  }
0x95: {  	s3 =	sld [smem:$0x3FFD];
	_ =	sdelay $0x3  }
0x96: {  	_ =	strace s3  }
0x97: {  	_ =	strace $0x8FFFFFFF  }
0x98: {  	s19 =	sld [smem:$0x3FDB];
	_ =	sdelay $0x1  }
0x99: {  	s4 =	simm.s32 $_scs_section_size  }
0x9a: {  	s5 =	simm.s32 $_size__tile_overlayer_lowered;
	s6 =	simm.s32 $_tile_overlayer_lowered  }
0x9b: {  	s22 =	simm.s32 $0x1BFF;
	s21 =	sshll.u32 s6, $0x1;
	s3 =	sadd.s32 s4, s19  }
0x9c: {  	s7 =	simm.s32 $0x0;
	s20 =	sshll.u32 s5, $0x1;
	s5 =	sadd.s32 s21, s3  }
0x9d: {  	[timem:s7], [sflag:s22] =	dma.local [hbm:s5], s20  }
0x9e: {  	_ =	swait.ge [sflag:s22], s20  }
0x9f: {  	s4 =	ssub.s32 $0x0, s20;
	[sflag:s22] =	ssyncset.done $0x0  }
0xa0: {  	[sflag:s22] =	ssyncadd.s32 s4;
	_ =	sdelay $0x1  }
0xa1: {  	s23 =	simm.s32 $0x1B8B  }
0xa2: {  	_ =	swait.ge [sflag:s23], $0x1  }
0xa3: {  	[sflag:s23] =	ssyncset.done $0x0  }
0xa4: {  	s25 =	simm.s32 $0x1B8E;
	s24 =	sld [smem:$0x3FFE];
	[sflag:s23] =	ssyncadd.s32 $0xFFFFFFFF  }
0xa5: {  	s26 =	simm.s32 $execute0_lowered;
	[smem:$0x3FD2] =	sst s25  }
0xa6: {  	s5 =	sshll.u32 s26, $0x1;
	_ =	strace $0x8000004F;
	[dreg:$0x1] =	wrdreg $0xFFFFFFFF  }
0xa7: {  	s28 =	simm.s32 $_size_execute0_lowered;
	s3 =	sadd.s32 s3, s5;
	[dreg:$0x0] =	wrdreg $0x0  }
0xa8: {  	s5 =	sshll.u32 s28, $0x1;
	[dreg:$0x2] =	wrdreg s3  }
0xa9: {  	[dreg:$0x3] =	wrdreg s5  }
0xaa: {  	[dreg:$0x4] =	wrdreg $0xC0  }
0xab: {  	_ =	task [dreg:s7], $0x5FFFF  }
0xac: {  	[dreg:$0x1] =	wrdreg $0xFFFFFFFF  }
0xad: {  	[dreg:$0x0] =	wrdreg $0x60  }
0xae: {  	[dreg:$0x2] =	wrdreg s24  }
0xaf: {  	[dreg:$0x3] =	wrdreg s2  }
0xb0: {  	[dreg:$0x4] =	wrdreg $0x82000  }
0xb1: {  	[dreg:$0x5] =	wrdreg $0x9  }
0xb2: {  	_ =	task.clear_ibuf [dreg:s7], $0x6FFFF;
	_ =	strace $0x9000004F  }
0xb3: {  	s29 =	simm.s32 $0x9;
	_ =	strace $0x80000051  }
0xb4: {  	_ =	swait.ge [sflag:s29], $0x1  }
0xb5: {  	[sflag:s29] =	ssyncadd.s32 $0xFFFFFFFF  }
0xb6: {  	_ =	strace $0x90000051  }
0xb7: {  	_ =	sfence  }
0xb8: {  	s30 =	sld [smem:$0x0];
	_ =	sdelay $0x2  }
0xb9: {  	s31 =	sshll.u32 s1, $0xD;
	s1 =	sshrl.u32 s1, $0x2  }
0xba: {  	s3 =	sand.u32 $0x4000, s31;
	s1 =	sadd.s32 s1, s30  }
0xbb: {  	s0 =	sor.u32 s3, s0;
	s1 =	sshll.u32 s1, $0x11  }
0xbc: {  	s0 =	sor.u32 s1, s0  }
0xbd: {  	s0 =	sadd.s32 $0x8F2B, s0  }
0xbe: {  	[sflag:s0] =	ssyncadd.remote.s32 $0x1  }
0xbf: {  	_ =	sfence.sel $0xFFFF  }
0xc0: {  	[dreg:$0x0] =	wrdreg $0xFFFFFFFF;
	(pc) =	sbr.abs _section_cstart, $3  }
0xc1: {  	[dreg:$0x1] =	wrdreg $0xFFFFFFFF  }
0xc2: {  	_ =	task.clear_ibuf [dreg:s7], $0x2FFFF;
	_ =	strace $0x9FFFFFFF  }
0xc3: {  	(tm) =	ssettm $0x7FFFFFFF  }
tec
execute0_lowered:
.L_overlay_start_1:
0x0: {  	(tag) =	ssettag $0x1  }
0x1: {  	s0 =	rddreg [dreg:$0x0]  }
0x2: {  	s1 =	rddreg [dreg:$0x1]  }
0x3: {  	s3 =	rddreg [dreg:$0x2]  }
0x4: {  	s4 =	simm.s32 $0x0;
	s17 =	stileid.u32;
	s2 =	srdreg.scid  }
0x5: {  	s30 =	simm.s32 $0x200;
	s31 =	simm.s32 $0x5;
	s7 =	smul.u32 $0x50000, s17  }
0x6: {  	[smem:$0x7FF] =	sst s4;
	s5 =	sadd.s32 $0xCE00, s0;
	s8 =	smul.u32 $0x9E, s17  }
0x7: {  	s2 =	sand.u32 $0x1, s2;
	s6 =	sadd.s32 $0x2E00, s0;
	s26 =	smul.u32 $0x14000, s17  }
0x8: {  	s11 =	sadd.s32 $0x34000, s0;
	s0 =	sadd.s32 $0x34800, s0;
	s17 =	smul.u32 $0x9E0, s17  }
0x9: {  	_ =	strace $0x80000050;
	s9 =	ssub.s32 $0x2, s2;
	s10 =	smul.u32 $0x84, s2  }
0xa: {  	[dreg:$0x4] =	wrdreg s11;
	p0 =	seq.s32 s2, $0x0;
	s12 =	smul.u32 $0x140000, s2  }
0xb: {  	s11 =	simm.s32 $0x41;
	s22 =	smul.u32 $0x840, s2;
	s2 =	simm.s32 $0x3  }
0xc: {  	s24 =	sshrl.u32 s9, $0x1;
	s7 =	sshrl.u32 s7, $0x2;
	s16 =	sadd.s32 $0x8000, s26  }
0xd: {  	s19 =	sadd.s32 $0xC000, s26;
	s11 =	simm.s32 @!p0 $0xC;
	s9 =	ssub.s32 s9, s24  }
0xe: {  	s10 =	sadd.s32 s10, s8;
	s8 =	sadd.s32 s7, s3;
	s18 =	sadd.s32 s12, s16  }
0xf: {  	s21 =	sadd.s32 s12, s19;
	s20 =	sadd.s32 s22, s17;
	s25 =	sshll.u32 s10, $0x4  }
0x10: {  	s10 =	sadd.s32 $0x10000, s26;
	s28 =	sadd.s32 $0xC000, s8;
	s29 =	sadd.s32 $0x10000, s8  }
0x11: {  	s13 =	sadd.s32 s1, s25;
	s14 =	sadd.s32 s6, s25;
	s7 =	sor.u32 $0x10, s25  }
0x12: {  	s25 =	smax.u32 s9, $0x1;
	s9 =	simm.s32 $0x180;
	[dreg:$0x5] =	wrdreg s13  }
0x13: {  	[dreg:$0x6] =	wrdreg s14;
	s13 =	sadd.s32 $0x4000, s26;
	s14 =	sadd.s32 s12, s26  }
0x14: {  	s23 =	sadd.s32 s1, s7;
	s24 =	sadd.s32 s6, s7;
	[dreg:$0xe] =	wrdreg s25  }
0x15: {  	s26 =	sadd.s32 $0x4000, s8;
	s25 =	sadd.s32 s10, s3;
	[dreg:$0xc] =	wrdreg s23  }
0x16: {  	s7 =	simm.s32 $0x80;
	s15 =	sadd.s32 s12, s13;
	[dreg:$0xd] =	wrdreg s24  }
0x17: {  	s14 =	sshrl.u32 s14, $0x3;
	s12 =	sadd.s32 s12, s10;
	[dreg:$0xf] =	wrdreg s26  }
0x18: {  	s22 =	sadd.s32 s13, s3;
	s23 =	sadd.s32 s16, s3;
	s24 =	sadd.s32 s19, s3  }
0x19: {  	s26 =	sadd.s32 $0x8000, s8;
	s10 =	simm.s32 $0x1;
	s14 =	sadd.s32 s0, s14  }
0x1a: {  	s13 =	simm.s32 $0x4200;
	[dreg:$0x7] =	wrdreg s14;
	s14 =	sshrl.u32 s18, $0x3  }
0x1b: {  	s15 =	sshrl.u32 s15, $0x3;
	s12 =	sshrl.u32 s12, $0x3;
	s14 =	sadd.s32 s0, s14  }
0x1c: {  	s15 =	sadd.s32 s0, s15;
	[dreg:$0x9] =	wrdreg s14;
	s14 =	sshrl.u32 s21, $0x3  }
0x1d: {  	[dreg:$0x8] =	wrdreg s15;
	s15 =	simm.s32 $0x0;
	s14 =	sadd.s32 s0, s14  }
0x1e: {  	s0 =	sadd.s32 s0, s12;
	s12 =	simm.s32 $0x4;
	[dreg:$0xa] =	wrdreg s14  }
0x1f: {  	[dreg:$0xb] =	wrdreg s0;
	s0 =	simm.s32 $0x100;
	s14 =	simm.s32 $0x2  }
.LBB2_1:
0x20: {  	s16 =	rddreg [dreg:$0x4]  }
0x21: {  	[tilespmem:s30], [sflag:$0x5] =	stream.linear.gather [hbm4b:s16+s4], $0x4000, $0x38;
	[tilespmem:$0x1C200] =	vst v63  }
0x22: {  	_ =	swait.ge [sflag:s31], $0x4000  }
0x23: {  	[sflag:s31] =	ssyncset.done $0x0  }
0x24: {  	[sflag:s31] =	ssyncadd.s32 $0xFFFFC000  }
0x25: {  	[spmem:s8] =	stream.linear.scatter [tilespmem:s30], [sflag:$0x5], $0x4000, $0x38;
	[tilespmem:$0x1C200] =	vst v63  }
0x26: {  	_ =	swait.ge [sflag:s31], $0x4000  }
0x27: {  	[sflag:s31] =	ssyncset.done $0x0  }
0x28: {  	s18 =	rddreg [dreg:$0xf];
	[sflag:s31] =	ssyncadd.s32 $0xFFFFC000  }
0x29: {  	[spmem:s18] =	stream.linear.scatter [tilespmem:s30], [sflag:$0x5], $0x4000, $0x38;
	[tilespmem:$0x1C200] =	vst v63  }
0x2a: {  	_ =	swait.ge [sflag:s31], $0x4000  }
0x2b: {  	[sflag:s31] =	ssyncset.done $0x0  }
0x2c: {  	[sflag:s31] =	ssyncadd.s32 $0xFFFFC000  }
0x2d: {  	[spmem:s26] =	stream.linear.scatter [tilespmem:s30], [sflag:$0x5], $0x4000, $0x38;
	[tilespmem:$0x1C200] =	vst v63  }
0x2e: {  	_ =	swait.ge [sflag:s31], $0x4000  }
0x2f: {  	[sflag:s31] =	ssyncset.done $0x0  }
0x30: {  	[sflag:s31] =	ssyncadd.s32 $0xFFFFC000  }
0x31: {  	[spmem:s28] =	stream.linear.scatter [tilespmem:s30], [sflag:$0x5], $0x4000, $0x38;
	[tilespmem:$0x1C200] =	vst v63  }
0x32: {  	_ =	swait.ge [sflag:s31], $0x4000  }
0x33: {  	[sflag:s31] =	ssyncset.done $0x0  }
0x34: {  	[sflag:s31] =	ssyncadd.s32 $0xFFFFC000  }
0x35: {  	[spmem:s29] =	stream.linear.scatter [tilespmem:s30], [sflag:$0x5], $0x4000, $0x38;
	[tilespmem:$0x1C200] =	vst v63  }
0x36: {  	_ =	swait.ge [sflag:s31], $0x4000  }
0x37: {  	[sflag:s31] =	ssyncset.done $0x0  }
0x38: {  	[sflag:s31] =	ssyncadd.s32 $0xFFFFC000  }
0x39: {  	[bflag:$0x0] =	sbarrier.arrive $0xFFFF  }
0x3a: {  	s19 =	rddreg [dreg:$0x5]  }
0x3b: {  	[tilespmem:s4], [sflag:$0x3] =	stream.linear.gather [hbm4b:s19+s4], $0x80, $0x38;
	[tilespmem:$0x1C200] =	vst v63  }
0x3c: {  	s21 =	rddreg [dreg:$0x6]  }
0x3d: {  	[tilespmem:s0], [sflag:$0x3] =	stream.linear.gather [hbm4b:s21+s4], $0x80, $0x38;
	[tilespmem:$0x1C200] =	vst v63  }
0x3e: {  	_ =	swait.ge [sflag:s2], $0x80  }
0x3f: {  	[sflag:s2] =	ssyncset.done $0x0  }
0x40: {  	[sflag:s2] =	ssyncadd.s32 $0xFFFFFF80  }
0x41: {  	_ =	swait.ge [sflag:s2], $0x80  }
0x42: {  	[sflag:s2] =	ssyncset.done $0x0  }
0x43: {  	s17 =	rddreg [dreg:$0xc];
	[sflag:s2] =	ssyncadd.s32 $0xFFFFFF80  }
0x44: {  	[tilespmem:s7], [sflag:$0x4] =	stream.linear.gather [hbm4b:s17+s4], $0x80, $0x38;
	[tilespmem:$0x1C200] =	vst v63  }
0x45: {  	s18 =	rddreg [dreg:$0xd]  }
0x46: {  	[tilespmem:s9], [sflag:$0x4] =	stream.linear.gather [hbm4b:s18+s4], $0x80, $0x38;
	[tilespmem:$0x1C200] =	vst v63  }
0x47: {  	_ = 	snop  }
0x48: {  	[tilespmem:s30], [sflag:$0x1] =	stream.indirect.gather [hbm4b:s5+s7], $0x80, s4, s7, $0xb8;
	[tilespmem:$0x1C200] =	vst v63  }
0x49: {  	_ =	swait.ge [sflag:s10], $0x4000  }
0x4a: {  	[sflag:s10] =	ssyncset.done $0x0  }
0x4b: {  	[sflag:s10] =	ssyncadd.s32 $0xFFFFC000  }
0x4c: {  	_ =	swait.ge [sflag:s12], $0x80  }
0x4d: {  	[sflag:s12] =	ssyncset.done $0x0  }
0x4e: {  	[sflag:s12] =	ssyncadd.s32 $0xFFFFFF80  }
0x4f: {  	_ =	swait.ge [sflag:s12], $0x80  }
0x50: {  	[sflag:s12] =	ssyncset.done $0x0  }
0x51: {  	[sflag:s12] =	ssyncadd.s32 $0xFFFFFF80  }
0x52: {  	[tilespmem:s13], [sflag:$0x2] =	stream.indirect.gather [hbm4b:s5+s7], $0x80, s7, s7, $0xb8;
	[tilespmem:$0x1C200] =	vst v63  }
0x53: {  	_ = 	snop  }
0x54: {  	[spmem:s3] =	stream.indirect.scatter.add.f32 [tilespmem:s30], [sflag:$0x5], $0x80, s0, s7, $0xb8;
	[tilespmem:$0x1C200] =	vst v63  }
0x55: {  	s16 =	sadd.s32 $0x20, s20;
	_ =	swait.ge [sflag:s31], $0x4000  }
0x56: {  	s17 =	sand.u32 $0x1FFFFFE0, s16;
	[sflag:s31] =	ssyncset.done $0x0  }
0x57: {  	s18 =	sadd.s32 s1, s17;
	[sflag:s31] =	ssyncadd.s32 $0xFFFFC000  }
0x58: {  	[tilespmem:s4], [sflag:$0x3] =	stream.linear.gather [hbm4b:s18+s4], $0x80, $0x38;
	[tilespmem:$0x1C200] =	vst v63  }
0x59: {  	s17 =	sadd.s32 s6, s17  }
0x5a: {  	[tilespmem:s0], [sflag:$0x3] =	stream.linear.gather [hbm4b:s17+s4], $0x80, $0x38;
	[tilespmem:$0x1C200] =	vst v63  }
0x5b: {  	_ =	swait.ge [sflag:s14], $0x4000  }
0x5c: {  	[sflag:s14] =	ssyncset.done $0x0  }
0x5d: {  	[sflag:s14] =	ssyncadd.s32 $0xFFFFC000  }
0x5e: {  	_ =	swait.ge [sflag:s2], $0x80  }
0x5f: {  	[sflag:s2] =	ssyncset.done $0x0  }
0x60: {  	[sflag:s2] =	ssyncadd.s32 $0xFFFFFF80  }
0x61: {  	_ =	swait.ge [sflag:s2], $0x80  }
0x62: {  	[sflag:s2] =	ssyncset.done $0x0  }
0x63: {  	[sflag:s2] =	ssyncadd.s32 $0xFFFFFF80  }
0x64: {  	[tilespmem:s30], [sflag:$0x1] =	stream.indirect.gather [hbm4b:s5+s7], $0x80, s4, s7, $0xb8;
	[tilespmem:$0x1C200] =	vst v63  }
0x65: {  	p0 =	sne.s32 s11, $0x1  }
0x66: {  	[spmem:s3] =	stream.indirect.scatter.add.f32 [tilespmem:s13], [sflag:$0x5], $0x80, s9, s7, $0xb8;
	[tilespmem:$0x1C200] =	vst v63  }
.Ltmp0:
0x67: {  	s19 =	sadd.s32 $0x30, s20;
	_ =	swait.ge [sflag:s31], $0x4000;
	(pc) =	sbr.rel @!p0 .LBB2_3-.Ltmp0, $4  }
0x68: {  	s21 =	sand.u32 $0x1FFFFFF0, s19;
	[sflag:s31] =	ssyncset.done $0x0  }
0x69: {  	s17 =	sadd.s32 s1, s21;
	[sflag:s31] =	ssyncadd.s32 $0xFFFFC000  }
0x6a: {  	[tilespmem:s7], [sflag:$0x4] =	stream.linear.gather [hbm4b:s17+s4], $0x80, $0x38;
	[tilespmem:$0x1C200] =	vst v63  }
0x6b: {  	s18 =	sadd.s32 s6, s21;
	s17 =	sadd.s32 $0xFFFFFFFF, s11  }
.LBB2_2:
0x6c: {  	[tilespmem:s9], [sflag:$0x4] =	stream.linear.gather [hbm4b:s18+s4], $0x80, $0x38;
	[tilespmem:$0x1C200] =	vst v63  }
0x6d: {  	p0 =	sne.s32 s17, $0x1;
	s17 =	sadd.s32 $0xFFFFFFFF, s17;
	_ =	swait.ge [sflag:s10], $0x4000  }
0x6e: {  	s18 =	smov.u32 s16;
	[sflag:s10] =	ssyncset.done $0x0  }
0x6f: {  	[sflag:s10] =	ssyncadd.s32 $0xFFFFC000  }
0x70: {  	_ =	swait.ge [sflag:s12], $0x80  }
0x71: {  	[sflag:s12] =	ssyncset.done $0x0  }
0x72: {  	[sflag:s12] =	ssyncadd.s32 $0xFFFFFF80  }
0x73: {  	_ =	swait.ge [sflag:s12], $0x80  }
0x74: {  	[sflag:s12] =	ssyncset.done $0x0  }
0x75: {  	[sflag:s12] =	ssyncadd.s32 $0xFFFFFF80  }
0x76: {  	[tilespmem:s13], [sflag:$0x2] =	stream.indirect.gather [hbm4b:s5+s7], $0x80, s7, s7, $0xb8;
	[tilespmem:$0x1C200] =	vst v63  }
0x77: {  	_ = 	snop  }
0x78: {  	[spmem:s3] =	stream.indirect.scatter.add.f32 [tilespmem:s30], [sflag:$0x5], $0x80, s0, s7, $0xb8;
	[tilespmem:$0x1C200] =	vst v63  }
0x79: {  	s16 =	sadd.s32 $0x20, s16;
	_ =	swait.ge [sflag:s31], $0x4000  }
0x7a: {  	s19 =	sand.u32 $0x1FFFFFE0, s16;
	[sflag:s31] =	ssyncset.done $0x0  }
0x7b: {  	s21 =	sadd.s32 s1, s19;
	[sflag:s31] =	ssyncadd.s32 $0xFFFFC000  }
0x7c: {  	[tilespmem:s4], [sflag:$0x3] =	stream.linear.gather [hbm4b:s21+s4], $0x80, $0x38;
	[tilespmem:$0x1C200] =	vst v63  }
0x7d: {  	s19 =	sadd.s32 s6, s19  }
0x7e: {  	[tilespmem:s0], [sflag:$0x3] =	stream.linear.gather [hbm4b:s19+s4], $0x80, $0x38;
	[tilespmem:$0x1C200] =	vst v63  }
0x7f: {  	_ =	swait.ge [sflag:s14], $0x4000  }
0x80: {  	[sflag:s14] =	ssyncset.done $0x0  }
0x81: {  	[sflag:s14] =	ssyncadd.s32 $0xFFFFC000  }
0x82: {  	_ =	swait.ge [sflag:s2], $0x80  }
0x83: {  	[sflag:s2] =	ssyncset.done $0x0  }
0x84: {  	[sflag:s2] =	ssyncadd.s32 $0xFFFFFF80  }
0x85: {  	_ =	swait.ge [sflag:s2], $0x80  }
0x86: {  	[sflag:s2] =	ssyncset.done $0x0  }
0x87: {  	[sflag:s2] =	ssyncadd.s32 $0xFFFFFF80  }
0x88: {  	[tilespmem:s30], [sflag:$0x1] =	stream.indirect.gather [hbm4b:s5+s7], $0x80, s4, s7, $0xb8;
	[tilespmem:$0x1C200] =	vst v63  }
0x89: {  	_ = 	snop  }
0x8a: {  	[spmem:s3] =	stream.indirect.scatter.add.f32 [tilespmem:s13], [sflag:$0x5], $0x80, s9, s7, $0xb8;
	[tilespmem:$0x1C200] =	vst v63  }
.Ltmp1:
0x8b: {  	s18 =	sadd.s32 $0x30, s18;
	_ =	swait.ge [sflag:s31], $0x4000;
	(pc) =	sbr.rel @p0 .LBB2_2-.Ltmp1, $4  }
0x8c: {  	s18 =	sand.u32 $0x1FFFFFF0, s18;
	[sflag:s31] =	ssyncset.done $0x0  }
0x8d: {  	s19 =	sadd.s32 s1, s18;
	[sflag:s31] =	ssyncadd.s32 $0xFFFFC000  }
0x8e: {  	[tilespmem:s7], [sflag:$0x4] =	stream.linear.gather [hbm4b:s19+s4], $0x80, $0x38;
	[tilespmem:$0x1C200] =	vst v63  }
0x8f: {  	s18 =	sadd.s32 s6, s18  }
.LBB2_3:
0x90: {  	[tilespmem:s9], [sflag:$0x4] =	stream.linear.gather [hbm4b:s18+s4], $0x80, $0x38;
	[tilespmem:$0x1C200] =	vst v63  }
0x91: {  	_ =	swait.ge [sflag:s10], $0x4000  }
0x92: {  	[sflag:s10] =	ssyncset.done $0x0  }
0x93: {  	[sflag:s10] =	ssyncadd.s32 $0xFFFFC000  }
0x94: {  	_ =	swait.ge [sflag:s12], $0x80  }
0x95: {  	[sflag:s12] =	ssyncset.done $0x0  }
0x96: {  	[sflag:s12] =	ssyncadd.s32 $0xFFFFFF80  }
0x97: {  	_ =	swait.ge [sflag:s12], $0x80  }
0x98: {  	[sflag:s12] =	ssyncset.done $0x0  }
0x99: {  	[sflag:s12] =	ssyncadd.s32 $0xFFFFFF80  }
0x9a: {  	[tilespmem:s13], [sflag:$0x2] =	stream.indirect.gather [hbm4b:s5+s7], $0x80, s7, s7, $0xb8;
	[tilespmem:$0x1C200] =	vst v63  }
0x9b: {  	_ = 	snop  }
0x9c: {  	[spmem:s3] =	stream.indirect.scatter.add.f32 [tilespmem:s30], [sflag:$0x5], $0x80, s0, s7, $0xb8;
	[tilespmem:$0x1C200] =	vst v63  }
0x9d: {  	_ =	swait.ge [sflag:s31], $0x4000  }
0x9e: {  	[sflag:s31] =	ssyncset.done $0x0  }
0x9f: {  	[sflag:s31] =	ssyncadd.s32 $0xFFFFC000  }
0xa0: {  	_ =	swait.ge [sflag:s14], $0x4000  }
0xa1: {  	[sflag:s14] =	ssyncset.done $0x0  }
0xa2: {  	[sflag:s14] =	ssyncadd.s32 $0xFFFFC000  }
0xa3: {  	[spmem:s3] =	stream.indirect.scatter.add.f32 [tilespmem:s13], [sflag:$0x5], $0x80, s9, s7, $0xb8;
	[tilespmem:$0x1C200] =	vst v63  }
0xa4: {  	_ =	swait.ge [sflag:s31], $0x4000  }
0xa5: {  	[sflag:s31] =	ssyncset.done $0x0  }
0xa6: {  	[sflag:s31] =	ssyncadd.s32 $0xFFFFC000  }
0xa7: {  	[bflag:$0x0] =	sbarrier.arrive $0xFFFF  }
0xa8: {  	[tilespmem:s30], [sflag:$0x5] =	stream.linear.gather [spmem:s8], $0x4000, $0x38;
	[tilespmem:$0x1C200] =	vst v63  }
0xa9: {  	_ =	swait.ge [sflag:s31], $0x4000  }
0xaa: {  	[sflag:s31] =	ssyncset.done $0x0  }
0xab: {  	s16 =	rddreg [dreg:$0x7];
	[sflag:s31] =	ssyncadd.s32 $0xFFFFC000  }
0xac: {  	[hbm4b:s16+s4] =	stream.linear.scatter [tilespmem:s30], [sflag:$0x5], $0x4000, $0x38;
	[tilespmem:$0x1C200] =	vst v63  }
0xad: {  	_ =	swait.ge [sflag:s31], $0x4000  }
0xae: {  	[sflag:s31] =	ssyncset.done $0x0  }
0xaf: {  	[sflag:s31] =	ssyncadd.s32 $0xFFFFC000  }
0xb0: {  	[tilespmem:s30], [sflag:$0x5] =	stream.linear.gather [spmem:s22], $0x4000, $0x38;
	[tilespmem:$0x1C200] =	vst v63  }
0xb1: {  	_ =	swait.ge [sflag:s31], $0x4000  }
0xb2: {  	[sflag:s31] =	ssyncset.done $0x0  }
0xb3: {  	s21 =	rddreg [dreg:$0x8];
	[sflag:s31] =	ssyncadd.s32 $0xFFFFC000  }
0xb4: {  	[hbm4b:s21+s4] =	stream.linear.scatter [tilespmem:s30], [sflag:$0x5], $0x4000, $0x38;
	[tilespmem:$0x1C200] =	vst v63  }
0xb5: {  	_ =	swait.ge [sflag:s31], $0x4000  }
0xb6: {  	[sflag:s31] =	ssyncset.done $0x0  }
0xb7: {  	[sflag:s31] =	ssyncadd.s32 $0xFFFFC000  }
0xb8: {  	[tilespmem:s30], [sflag:$0x5] =	stream.linear.gather [spmem:s23], $0x4000, $0x38;
	[tilespmem:$0x1C200] =	vst v63  }
0xb9: {  	_ =	swait.ge [sflag:s31], $0x4000  }
0xba: {  	[sflag:s31] =	ssyncset.done $0x0  }
0xbb: {  	s17 =	rddreg [dreg:$0x9];
	[sflag:s31] =	ssyncadd.s32 $0xFFFFC000  }
0xbc: {  	[hbm4b:s17+s4] =	stream.linear.scatter [tilespmem:s30], [sflag:$0x5], $0x4000, $0x38;
	[tilespmem:$0x1C200] =	vst v63  }
0xbd: {  	_ =	swait.ge [sflag:s31], $0x4000  }
0xbe: {  	[sflag:s31] =	ssyncset.done $0x0  }
0xbf: {  	[sflag:s31] =	ssyncadd.s32 $0xFFFFC000  }
0xc0: {  	[tilespmem:s30], [sflag:$0x5] =	stream.linear.gather [spmem:s24], $0x4000, $0x38;
	[tilespmem:$0x1C200] =	vst v63  }
0xc1: {  	_ =	swait.ge [sflag:s31], $0x4000  }
0xc2: {  	[sflag:s31] =	ssyncset.done $0x0  }
0xc3: {  	s18 =	rddreg [dreg:$0xa];
	[sflag:s31] =	ssyncadd.s32 $0xFFFFC000  }
0xc4: {  	[hbm4b:s18+s4] =	stream.linear.scatter [tilespmem:s30], [sflag:$0x5], $0x4000, $0x38;
	[tilespmem:$0x1C200] =	vst v63  }
0xc5: {  	_ =	swait.ge [sflag:s31], $0x4000  }
0xc6: {  	[sflag:s31] =	ssyncset.done $0x0  }
0xc7: {  	[sflag:s31] =	ssyncadd.s32 $0xFFFFC000  }
0xc8: {  	[tilespmem:s30], [sflag:$0x5] =	stream.linear.gather [spmem:s25], $0x4000, $0x38;
	[tilespmem:$0x1C200] =	vst v63  }
0xc9: {  	_ =	swait.ge [sflag:s31], $0x4000  }
0xca: {  	[sflag:s31] =	ssyncset.done $0x0  }
0xcb: {  	s19 =	rddreg [dreg:$0xb];
	[sflag:s31] =	ssyncadd.s32 $0xFFFFC000  }
0xcc: {  	[hbm4b:s19+s4] =	stream.linear.scatter [tilespmem:s30], [sflag:$0x5], $0x4000, $0x38;
	[tilespmem:$0x1C200] =	vst v63  }
0xcd: {  	_ =	swait.ge [sflag:s31], $0x4000  }
0xce: {  	s15 =	sadd.s32 $0x1, s15;
	s21 =	rddreg [dreg:$0xe]  }
0xcf: {  	p0 =	sne.s32 s15, s21  }
.Ltmp2:
0xd0: {  	_ = 	snop;
	(pc) =	sbr.rel @p0 .LBB2_1-.Ltmp2, $3  }
0xd1: {  	_ =	sdelay $0x1  }
0xd2: {  	[sflag:s31] =	ssyncset.done $0x0  }
0xd3: {  	[sflag:s31] =	ssyncadd.s32 $0xFFFFC000  }
0xd4: {  	_ =	sfence.sel $0x180000  }
0xd5: {  	[bflag:$0x0] =	sbarrier.arrive $0xFFFF  }
0xd6: {  	_ =	strace $0x90000050  }
0xd7: {  	s0 =	stileid.u32;
	[bflag:$0x2] =	sbarrier.arrive $0xFFFF  }
0xd8: {  	p0 =	sne.s32 s0, $0x0;
	s0 =	rddreg [dreg:$0x3]  }
0xd9: {  	s0 =	sadd.s32 @!p0 $0x100000, s0  }
0xda: {  	[sflag:s0] =	ssyncadd.tile.s32 @!p0 $0x1;
	_ =	shalt  }
.Lfunc_end2:
_tile_overlayer_lowered:
.L_overlay_start_2:
0xdb: {  	(tag) =	ssettag $0x2  }
0xdc: {  	s0 =	rddreg [dreg:$0x0];
	s2 =	stileid.u32  }
0xdd: {  	s1 =	rddreg [dreg:$0x1];
	p0 =	sne.s32 s2, $0x0  }
0xde: {  	s3 =	rddreg [dreg:$0x2];
	[bflag:$0x3] =	sbarrier.arrive $0xFFFF;
	s2 =	simm.s32 @!p0 $0x1C05  }
0xdf: {  	[timem:s3], [sflag:s2] =	dma.local @!p0 [hbm:s0], s1  }
0xe0: {  	s0 =	simm.s32 @!p0 $0x5  }
0xe1: {  	_ =	swait.ge @!p0 [sflag:s0], s1  }
0xe2: {  	s1 =	ssub.s32 @!p0 $0x0, s1;
	[sflag:s0] =	ssyncset.done @!p0 $0x0  }
0xe3: {  	[sflag:s0] =	ssyncadd.s32 @!p0 s1  }
0xe4: {  	[bflag:$0x3] =	sbarrier.arrive $0xFFFF  }
0xe5: {  	_ =	shalt  }

// kernel: sage_sc_scatter_g1.5.cloned.1.call-start
scs
__scs_entry_jumppad:
0x0: {  	(pc) =	sbr.rel $0x88, $3  }
0x1: {  	(tag) =	ssettag $0x0;
	lr =	simm.s32 $0x1  }
0x2: {  	[smem:$0x3F96] =	sst lr;
	_ =	strace $0xD0000000  }
0x3: {  	_ = 	snop  }
0x4: {  	_ = 	snop  }
0x5: {  	_ = 	snop  }
0x6: {  	_ = 	snop  }
0x7: {  	_ = 	snop  }
__scs_overlays_trampoline_lowered:
0x8: {  	[smem:$0x3FA5] =	sst s0  }
0x9: {  	[smem:$0x3FA6] =	sst s1  }
0xa: {  	[smem:$0x3FA7] =	sst s2  }
0xb: {  	[smem:$0x3FA8] =	sst s3  }
0xc: {  	[smem:$0x3FA9] =	sst s4  }
0xd: {  	[smem:$0x3FAA] =	sst s5  }
0xe: {  	[smem:$0x3FAB] =	sst s6  }
0xf: {  	[smem:$0x3FAC] =	sst s7  }
0x10: {  	[smem:$0x3FAD] =	sst s8  }
0x11: {  	[smem:$0x3FAE] =	sst s9;
	s0 =	simm.s32 @!p0 $0x0  }
0x12: {  	s1 =	sld [smem:$0x3F94];
	s0 =	simm.s32 @p0 $0x1  }
0x13: {  	[smem:$0x3FAF] =	sst s0;
	s0 =	simm.s32 @!p1 $0x0  }
0x14: {  	s2 =	sld [smem:$0x3F93];
	s0 =	simm.s32 @p1 $0x1  }
0x15: {  	[smem:$0x3FB0] =	sst s0;
	s0 =	simm.s32 @!p2 $0x0  }
0x16: {  	s3 =	sld [smem:$0x3FDB];
	s0 =	simm.s32 @p2 $0x1  }
0x17: {  	s4 =	simm.s32 $0x1BF5;
	[smem:$0x3FB2] =	sst s0  }
0x18: {  	s0 =	sld [smem:$0x3F95];
	_ =	swait.ge [sflag:s4], $0x0  }
0x19: {  	s7 =	sld [smem:$0x3F96]  }
0x1a: {  	s8 =	sadd.s32 $0xFFFFE003, lr  }
0x1b: {  	s9 =	sadd.s32 $0xFFFFFEF7, lr;
	s5 =	simm.s32 $0xFFFFFFFF;
	p2 =	slt.u32 s8, $0xFFFFF086  }
0x1c: {  	p1 =	slt.u32 s9, $0xF7A;
	s5 =	simm.s32 @!p2 $0x0  }
0x1d: {  	s5 =	simm.s32 @p1 $0x1;
	p0 =	seq.s32 s7, s2  }
0x1e: {  	s7 =	smul.u32 @!p0 $0xF7A, s2;
	p2 =	seq.s32 @!p0 s5, $0x0  }
0x1f: {  	s9 =	smul.u32 $0xF7A, s1;
	s8 =	simm.s32 @!p0 $0x1BF5;
	p2 =	por !p2, p0  }
0x20: {  	[sflag:s8] =	ssyncset.s32 @!p0 $0xFFFFF086;
	s6 =	sadd.s32 @!p0 s3, s7;
	s7 =	simm.s32 @!p0 $0x108  }
0x21: {  	s3 =	sadd.s32 s3, s9;
	s6 =	sadd.s32 @!p0 $0x88, s6;
	s7 =	simm.s32 @p2 $0x1082  }
0x22: {  	[simem:s7], [sflag:s8] =	dma.local @!p0 [hbm:s6], $0xF7A  }
0x23: {  	s9 =	sor.u32 $0xD0000000, s2;
	s6 =	simm.s32 $0x108;
	_ =	swait.ge @!p0 [sflag:s8], $0x0  }
0x24: {  	s3 =	sadd.s32 $0x88, s3;
	s6 =	simm.s32 @!p1 $0x1082;
	[sflag:s4] =	ssyncset.s32 $0xFFFFF086  }
0x25: {  	[simem:s6], [sflag:s4] =	dma.local [hbm:s3], $0xF7A  }
0x26: {  	[smem:$0x3F96] =	sst s1;
	(tag) =	ssettag s2;
	_ =	strace s9  }
0x27: {  	s1 =	sld [smem:$0x3FA6]  }
0x28: {  	s2 =	sld [smem:$0x3FA7]  }
0x29: {  	s4 =	sld [smem:$0x3FA9]  }
0x2a: {  	p0 =	seq.s32 s5, $0x0;
	s5 =	sld [smem:$0x3FAA]  }
0x2b: {  	s6 =	sld [smem:$0x3FAB]  }
0x2c: {  	s7 =	sld [smem:$0x3FAC]  }
0x2d: {  	s3 =	simm.s32 $0x108;
	s8 =	sld [smem:$0x3FAD]  }
0x2e: {  	s3 =	simm.s32 @!p0 $0x1082;
	s9 =	sld [smem:$0x3FAE]  }
0x2f: {  	lr =	sadd.s32 s0, s3;
	s0 =	sld [smem:$0x3FA5]  }
0x30: {  	s3 =	sld [smem:$0x3FA8]  }
0x31: {  	[smem:$0x3FB1] =	sst s10  }
0x32: {  	s10 =	sld [smem:$0x3FAF];
	_ =	sdelay $0x3  }
0x33: {  	p0 =	seq.s32 s10, $0x1;
	s10 =	sld [smem:$0x3FB1];
	_ =	sdelay $0x3  }
0x34: {  	[smem:$0x3FB1] =	sst s10  }
0x35: {  	s10 =	sld [smem:$0x3FB0];
	_ =	sdelay $0x3  }
0x36: {  	p1 =	seq.s32 s10, $0x1;
	s10 =	sld [smem:$0x3FB1];
	_ =	sdelay $0x3  }
0x37: {  	[smem:$0x3FB1] =	sst s10  }
0x38: {  	s10 =	sld [smem:$0x3FB2]  }
0x39: {  	_ = 	snop;
	(pc) =	sbr.ind lr, $3  }
0x3a: {  	_ = 	snop  }
0x3b: {  	_ = 	snop  }
0x3c: {  	p2 =	seq.s32 s10, $0x1;
	s10 =	sld [smem:$0x3FB1]  }
0x3d: {  	_ =	shalt  }
0x3e: {  	_ =	shalt  }
0x3f: {  	_ =	shalt  }
0x40: {  	_ =	shalt  }
0x41: {  	_ =	shalt  }
0x42: {  	_ =	shalt  }
0x43: {  	_ =	shalt  }
0x44: {  	_ =	shalt  }
0x45: {  	_ =	shalt  }
0x46: {  	_ =	shalt  }
0x47: {  	_ =	shalt  }
0x48: {  	_ =	shalt  }
0x49: {  	_ =	shalt  }
0x4a: {  	_ =	shalt  }
0x4b: {  	_ =	shalt  }
0x4c: {  	_ =	shalt  }
0x4d: {  	_ =	shalt  }
0x4e: {  	_ =	shalt  }
0x4f: {  	_ =	shalt  }
0x50: {  	_ =	shalt  }
0x51: {  	_ =	shalt  }
0x52: {  	_ =	shalt  }
0x53: {  	_ =	shalt  }
0x54: {  	_ =	shalt  }
0x55: {  	_ =	shalt  }
0x56: {  	_ =	shalt  }
0x57: {  	_ =	shalt  }
0x58: {  	_ =	shalt  }
0x59: {  	_ =	shalt  }
0x5a: {  	_ =	shalt  }
0x5b: {  	_ =	shalt  }
0x5c: {  	_ =	shalt  }
0x5d: {  	_ =	shalt  }
0x5e: {  	_ =	shalt  }
0x5f: {  	_ =	shalt  }
0x60: {  	_ =	shalt  }
0x61: {  	_ =	shalt  }
0x62: {  	_ =	shalt  }
0x63: {  	_ =	shalt  }
0x64: {  	_ =	shalt  }
0x65: {  	_ =	shalt  }
0x66: {  	_ =	shalt  }
0x67: {  	_ =	shalt  }
0x68: {  	_ =	shalt  }
0x69: {  	_ =	shalt  }
0x6a: {  	_ =	shalt  }
0x6b: {  	_ =	shalt  }
0x6c: {  	_ =	shalt  }
0x6d: {  	_ =	shalt  }
0x6e: {  	_ =	shalt  }
0x6f: {  	_ =	shalt  }
0x70: {  	_ =	shalt  }
0x71: {  	_ =	shalt  }
0x72: {  	_ =	shalt  }
0x73: {  	_ =	shalt  }
0x74: {  	_ =	shalt  }
0x75: {  	_ =	shalt  }
0x76: {  	_ =	shalt  }
0x77: {  	_ =	shalt  }
0x78: {  	_ =	shalt  }
0x79: {  	_ =	shalt  }
0x7a: {  	_ =	shalt  }
0x7b: {  	_ =	shalt  }
0x7c: {  	_ =	shalt  }
0x7d: {  	_ =	shalt  }
0x7e: {  	_ =	shalt  }
0x7f: {  	_ =	shalt  }
0x80: {  	_ =	shalt  }
0x81: {  	_ =	shalt  }
0x82: {  	_ =	shalt  }
0x83: {  	_ =	shalt  }
0x84: {  	_ =	shalt  }
0x85: {  	_ =	shalt  }
0x86: {  	_ =	shalt  }
0x87: {  	_ =	shalt  }
.Lfunc_end0:
.L_simem_size_0:
called_computation.1_lowered:
.L_overlay_start_0:
0x88: {  	s2 =	sld [smem:$0x3FD9]  }
0x89: {  	s3 =	sld [smem:$0x3FFE];
	_ =	sdelay $0x1  }
0x8a: {  	s1 =	srdreg.scid  }
0x8b: {  	s0 =	sand.u32 $0x1, s1  }
0x8c: {  	s17 =	sshll.u32 s0, $0xA;
	s2 =	sadd.s32 s3, s2  }
0x8d: {  	s2 =	sadd.s32 s2, s17  }
0x8e: {  	[smem:$0x3FBD] =	sst s2  }
0x8f: {  	_ = 	snop  }
0x90: {  	s2 =	sld [smem:$0x3FD0];
	(tm) =	ssettm $0x1  }
0x91: {  	s18 =	sld [smem:$0x3FFB];
	_ =	sdelay $0x3  }
0x92: {  	_ =	strace s18  }
0x93: {  	s3 =	sld [smem:$0x3FFC];
	_ =	sdelay $0x3  }
0x94: {  	_ =	strace s3  }
0x95: {  	s3 =	sld [smem:$0x3FFD];
	_ =	sdelay $0x3  }
0x96: {  	_ =	strace s3  }
0x97: {  	_ =	strace $0x8FFFFFFF  }
0x98: {  	s19 =	sld [smem:$0x3FDB];
	_ =	sdelay $0x1  }
0x99: {  	s4 =	simm.s32 $_scs_section_size  }
0x9a: {  	s5 =	simm.s32 $_size__tile_overlayer_lowered;
	s6 =	simm.s32 $_tile_overlayer_lowered  }
0x9b: {  	s22 =	simm.s32 $0x1BFF;
	s21 =	sshll.u32 s6, $0x1;
	s3 =	sadd.s32 s4, s19  }
0x9c: {  	s7 =	simm.s32 $0x0;
	s20 =	sshll.u32 s5, $0x1;
	s5 =	sadd.s32 s21, s3  }
0x9d: {  	[timem:s7], [sflag:s22] =	dma.local [hbm:s5], s20  }
0x9e: {  	_ =	swait.ge [sflag:s22], s20  }
0x9f: {  	s4 =	ssub.s32 $0x0, s20;
	[sflag:s22] =	ssyncset.done $0x0  }
0xa0: {  	[sflag:s22] =	ssyncadd.s32 s4;
	_ =	sdelay $0x1  }
0xa1: {  	s23 =	simm.s32 $0x1B8B  }
0xa2: {  	_ =	swait.ge [sflag:s23], $0x1  }
0xa3: {  	[sflag:s23] =	ssyncset.done $0x0  }
0xa4: {  	s25 =	simm.s32 $0x1B8E;
	s24 =	sld [smem:$0x3FFE];
	[sflag:s23] =	ssyncadd.s32 $0xFFFFFFFF  }
0xa5: {  	s26 =	simm.s32 $execute0_lowered;
	[smem:$0x3FD2] =	sst s25  }
0xa6: {  	s5 =	sshll.u32 s26, $0x1;
	_ =	strace $0x80000046;
	[dreg:$0x1] =	wrdreg $0xFFFFFFFF  }
0xa7: {  	s28 =	simm.s32 $_size_execute0_lowered;
	s3 =	sadd.s32 s3, s5;
	[dreg:$0x0] =	wrdreg $0x0  }
0xa8: {  	s5 =	sshll.u32 s28, $0x1;
	[dreg:$0x2] =	wrdreg s3  }
0xa9: {  	[dreg:$0x3] =	wrdreg s5  }
0xaa: {  	[dreg:$0x4] =	wrdreg $0xC0  }
0xab: {  	_ =	task [dreg:s7], $0x5FFFF  }
0xac: {  	[dreg:$0x1] =	wrdreg $0xFFFFFFFF  }
0xad: {  	[dreg:$0x0] =	wrdreg $0x60  }
0xae: {  	[dreg:$0x2] =	wrdreg s24  }
0xaf: {  	[dreg:$0x3] =	wrdreg s2  }
0xb0: {  	[dreg:$0x4] =	wrdreg $0x82000  }
0xb1: {  	[dreg:$0x5] =	wrdreg $0xA  }
0xb2: {  	_ =	task.clear_ibuf [dreg:s7], $0x6FFFF;
	_ =	strace $0x90000046  }
0xb3: {  	s29 =	simm.s32 $0xA;
	_ =	strace $0x80000048  }
0xb4: {  	_ =	swait.ge [sflag:s29], $0x1  }
0xb5: {  	[sflag:s29] =	ssyncadd.s32 $0xFFFFFFFF  }
0xb6: {  	_ =	strace $0x90000048  }
0xb7: {  	_ =	sfence  }
0xb8: {  	s30 =	sld [smem:$0x0];
	_ =	sdelay $0x2  }
0xb9: {  	s31 =	sshll.u32 s1, $0xD;
	s1 =	sshrl.u32 s1, $0x2  }
0xba: {  	s3 =	sand.u32 $0x4000, s31;
	s1 =	sadd.s32 s1, s30  }
0xbb: {  	s0 =	sor.u32 s3, s0;
	s1 =	sshll.u32 s1, $0x11  }
0xbc: {  	s0 =	sor.u32 s1, s0  }
0xbd: {  	s0 =	sadd.s32 $0x8F2B, s0  }
0xbe: {  	[sflag:s0] =	ssyncadd.remote.s32 $0x1  }
0xbf: {  	_ =	sfence.sel $0xFFFF  }
0xc0: {  	[dreg:$0x0] =	wrdreg $0xFFFFFFFF;
	(pc) =	sbr.abs _section_cstart, $3  }
0xc1: {  	[dreg:$0x1] =	wrdreg $0xFFFFFFFF  }
0xc2: {  	_ =	task.clear_ibuf [dreg:s7], $0x2FFFF;
	_ =	strace $0x9FFFFFFF  }
0xc3: {  	(tm) =	ssettm $0x7FFFFFFF  }
tec
execute0_lowered:
.L_overlay_start_1:
0x0: {  	(tag) =	ssettag $0x1  }
0x1: {  	s0 =	rddreg [dreg:$0x0]  }
0x2: {  	s1 =	rddreg [dreg:$0x1]  }
0x3: {  	s3 =	rddreg [dreg:$0x2]  }
0x4: {  	s4 =	simm.s32 $0x0;
	s17 =	stileid.u32;
	s2 =	srdreg.scid  }
0x5: {  	s30 =	simm.s32 $0x200;
	s31 =	simm.s32 $0x5;
	s7 =	smul.u32 $0x50000, s17  }
0x6: {  	[smem:$0x7FF] =	sst s4;
	s5 =	sadd.s32 $0xCE00, s0;
	s8 =	smul.u32 $0x9E, s17  }
0x7: {  	s2 =	sand.u32 $0x1, s2;
	s6 =	sadd.s32 $0x2E00, s0;
	s26 =	smul.u32 $0x14000, s17  }
0x8: {  	s11 =	sadd.s32 $0x34000, s0;
	s0 =	sadd.s32 $0x34800, s0;
	s17 =	smul.u32 $0x9E0, s17  }
0x9: {  	_ =	strace $0x80000047;
	s9 =	ssub.s32 $0x2, s2;
	s10 =	smul.u32 $0x84, s2  }
0xa: {  	[dreg:$0x4] =	wrdreg s11;
	p0 =	seq.s32 s2, $0x0;
	s12 =	smul.u32 $0x140000, s2  }
0xb: {  	s11 =	simm.s32 $0x41;
	s22 =	smul.u32 $0x840, s2;
	s2 =	simm.s32 $0x3  }
0xc: {  	s24 =	sshrl.u32 s9, $0x1;
	s7 =	sshrl.u32 s7, $0x2;
	s16 =	sadd.s32 $0x8000, s26  }
0xd: {  	s19 =	sadd.s32 $0xC000, s26;
	s11 =	simm.s32 @!p0 $0xC;
	s9 =	ssub.s32 s9, s24  }
0xe: {  	s10 =	sadd.s32 s10, s8;
	s8 =	sadd.s32 s7, s3;
	s18 =	sadd.s32 s12, s16  }
0xf: {  	s21 =	sadd.s32 s12, s19;
	s20 =	sadd.s32 s22, s17;
	s25 =	sshll.u32 s10, $0x4  }
0x10: {  	s10 =	sadd.s32 $0x10000, s26;
	s28 =	sadd.s32 $0xC000, s8;
	s29 =	sadd.s32 $0x10000, s8  }
0x11: {  	s13 =	sadd.s32 s1, s25;
	s14 =	sadd.s32 s6, s25;
	s7 =	sor.u32 $0x10, s25  }
0x12: {  	s25 =	smax.u32 s9, $0x1;
	s9 =	simm.s32 $0x180;
	[dreg:$0x5] =	wrdreg s13  }
0x13: {  	[dreg:$0x6] =	wrdreg s14;
	s13 =	sadd.s32 $0x4000, s26;
	s14 =	sadd.s32 s12, s26  }
0x14: {  	s23 =	sadd.s32 s1, s7;
	s24 =	sadd.s32 s6, s7;
	[dreg:$0xe] =	wrdreg s25  }
0x15: {  	s26 =	sadd.s32 $0x4000, s8;
	s25 =	sadd.s32 s10, s3;
	[dreg:$0xc] =	wrdreg s23  }
0x16: {  	s7 =	simm.s32 $0x80;
	s15 =	sadd.s32 s12, s13;
	[dreg:$0xd] =	wrdreg s24  }
0x17: {  	s14 =	sshrl.u32 s14, $0x3;
	s12 =	sadd.s32 s12, s10;
	[dreg:$0xf] =	wrdreg s26  }
0x18: {  	s22 =	sadd.s32 s13, s3;
	s23 =	sadd.s32 s16, s3;
	s24 =	sadd.s32 s19, s3  }
0x19: {  	s26 =	sadd.s32 $0x8000, s8;
	s10 =	simm.s32 $0x1;
	s14 =	sadd.s32 s0, s14  }
0x1a: {  	s13 =	simm.s32 $0x4200;
	[dreg:$0x7] =	wrdreg s14;
	s14 =	sshrl.u32 s18, $0x3  }
0x1b: {  	s15 =	sshrl.u32 s15, $0x3;
	s12 =	sshrl.u32 s12, $0x3;
	s14 =	sadd.s32 s0, s14  }
0x1c: {  	s15 =	sadd.s32 s0, s15;
	[dreg:$0x9] =	wrdreg s14;
	s14 =	sshrl.u32 s21, $0x3  }
0x1d: {  	[dreg:$0x8] =	wrdreg s15;
	s15 =	simm.s32 $0x0;
	s14 =	sadd.s32 s0, s14  }
0x1e: {  	s0 =	sadd.s32 s0, s12;
	s12 =	simm.s32 $0x4;
	[dreg:$0xa] =	wrdreg s14  }
0x1f: {  	[dreg:$0xb] =	wrdreg s0;
	s0 =	simm.s32 $0x100;
	s14 =	simm.s32 $0x2  }
.LBB2_1:
0x20: {  	s16 =	rddreg [dreg:$0x4]  }
0x21: {  	[tilespmem:s30], [sflag:$0x5] =	stream.linear.gather [hbm4b:s16+s4], $0x4000, $0x38;
	[tilespmem:$0x1C200] =	vst v63  }
0x22: {  	_ =	swait.ge [sflag:s31], $0x4000  }
0x23: {  	[sflag:s31] =	ssyncset.done $0x0  }
0x24: {  	[sflag:s31] =	ssyncadd.s32 $0xFFFFC000  }
0x25: {  	[spmem:s8] =	stream.linear.scatter [tilespmem:s30], [sflag:$0x5], $0x4000, $0x38;
	[tilespmem:$0x1C200] =	vst v63  }
0x26: {  	_ =	swait.ge [sflag:s31], $0x4000  }
0x27: {  	[sflag:s31] =	ssyncset.done $0x0  }
0x28: {  	s18 =	rddreg [dreg:$0xf];
	[sflag:s31] =	ssyncadd.s32 $0xFFFFC000  }
0x29: {  	[spmem:s18] =	stream.linear.scatter [tilespmem:s30], [sflag:$0x5], $0x4000, $0x38;
	[tilespmem:$0x1C200] =	vst v63  }
0x2a: {  	_ =	swait.ge [sflag:s31], $0x4000  }
0x2b: {  	[sflag:s31] =	ssyncset.done $0x0  }
0x2c: {  	[sflag:s31] =	ssyncadd.s32 $0xFFFFC000  }
0x2d: {  	[spmem:s26] =	stream.linear.scatter [tilespmem:s30], [sflag:$0x5], $0x4000, $0x38;
	[tilespmem:$0x1C200] =	vst v63  }
0x2e: {  	_ =	swait.ge [sflag:s31], $0x4000  }
0x2f: {  	[sflag:s31] =	ssyncset.done $0x0  }
0x30: {  	[sflag:s31] =	ssyncadd.s32 $0xFFFFC000  }
0x31: {  	[spmem:s28] =	stream.linear.scatter [tilespmem:s30], [sflag:$0x5], $0x4000, $0x38;
	[tilespmem:$0x1C200] =	vst v63  }
0x32: {  	_ =	swait.ge [sflag:s31], $0x4000  }
0x33: {  	[sflag:s31] =	ssyncset.done $0x0  }
0x34: {  	[sflag:s31] =	ssyncadd.s32 $0xFFFFC000  }
0x35: {  	[spmem:s29] =	stream.linear.scatter [tilespmem:s30], [sflag:$0x5], $0x4000, $0x38;
	[tilespmem:$0x1C200] =	vst v63  }
0x36: {  	_ =	swait.ge [sflag:s31], $0x4000  }
0x37: {  	[sflag:s31] =	ssyncset.done $0x0  }
0x38: {  	[sflag:s31] =	ssyncadd.s32 $0xFFFFC000  }
0x39: {  	[bflag:$0x0] =	sbarrier.arrive $0xFFFF  }
0x3a: {  	s19 =	rddreg [dreg:$0x5]  }
0x3b: {  	[tilespmem:s4], [sflag:$0x3] =	stream.linear.gather [hbm4b:s19+s4], $0x80, $0x38;
	[tilespmem:$0x1C200] =	vst v63  }
0x3c: {  	s21 =	rddreg [dreg:$0x6]  }
0x3d: {  	[tilespmem:s0], [sflag:$0x3] =	stream.linear.gather [hbm4b:s21+s4], $0x80, $0x38;
	[tilespmem:$0x1C200] =	vst v63  }
0x3e: {  	_ =	swait.ge [sflag:s2], $0x80  }
0x3f: {  	[sflag:s2] =	ssyncset.done $0x0  }
0x40: {  	[sflag:s2] =	ssyncadd.s32 $0xFFFFFF80  }
0x41: {  	_ =	swait.ge [sflag:s2], $0x80  }
0x42: {  	[sflag:s2] =	ssyncset.done $0x0  }
0x43: {  	s17 =	rddreg [dreg:$0xc];
	[sflag:s2] =	ssyncadd.s32 $0xFFFFFF80  }
0x44: {  	[tilespmem:s7], [sflag:$0x4] =	stream.linear.gather [hbm4b:s17+s4], $0x80, $0x38;
	[tilespmem:$0x1C200] =	vst v63  }
0x45: {  	s18 =	rddreg [dreg:$0xd]  }
0x46: {  	[tilespmem:s9], [sflag:$0x4] =	stream.linear.gather [hbm4b:s18+s4], $0x80, $0x38;
	[tilespmem:$0x1C200] =	vst v63  }
0x47: {  	_ = 	snop  }
0x48: {  	[tilespmem:s30], [sflag:$0x1] =	stream.indirect.gather [hbm4b:s5+s7], $0x80, s4, s7, $0xb8;
	[tilespmem:$0x1C200] =	vst v63  }
0x49: {  	_ =	swait.ge [sflag:s10], $0x4000  }
0x4a: {  	[sflag:s10] =	ssyncset.done $0x0  }
0x4b: {  	[sflag:s10] =	ssyncadd.s32 $0xFFFFC000  }
0x4c: {  	_ =	swait.ge [sflag:s12], $0x80  }
0x4d: {  	[sflag:s12] =	ssyncset.done $0x0  }
0x4e: {  	[sflag:s12] =	ssyncadd.s32 $0xFFFFFF80  }
0x4f: {  	_ =	swait.ge [sflag:s12], $0x80  }
0x50: {  	[sflag:s12] =	ssyncset.done $0x0  }
0x51: {  	[sflag:s12] =	ssyncadd.s32 $0xFFFFFF80  }
0x52: {  	[tilespmem:s13], [sflag:$0x2] =	stream.indirect.gather [hbm4b:s5+s7], $0x80, s7, s7, $0xb8;
	[tilespmem:$0x1C200] =	vst v63  }
0x53: {  	_ = 	snop  }
0x54: {  	[spmem:s3] =	stream.indirect.scatter.add.f32 [tilespmem:s30], [sflag:$0x5], $0x80, s0, s7, $0xb8;
	[tilespmem:$0x1C200] =	vst v63  }
0x55: {  	s16 =	sadd.s32 $0x20, s20;
	_ =	swait.ge [sflag:s31], $0x4000  }
0x56: {  	s17 =	sand.u32 $0x1FFFFFE0, s16;
	[sflag:s31] =	ssyncset.done $0x0  }
0x57: {  	s18 =	sadd.s32 s1, s17;
	[sflag:s31] =	ssyncadd.s32 $0xFFFFC000  }
0x58: {  	[tilespmem:s4], [sflag:$0x3] =	stream.linear.gather [hbm4b:s18+s4], $0x80, $0x38;
	[tilespmem:$0x1C200] =	vst v63  }
0x59: {  	s17 =	sadd.s32 s6, s17  }
0x5a: {  	[tilespmem:s0], [sflag:$0x3] =	stream.linear.gather [hbm4b:s17+s4], $0x80, $0x38;
	[tilespmem:$0x1C200] =	vst v63  }
0x5b: {  	_ =	swait.ge [sflag:s14], $0x4000  }
0x5c: {  	[sflag:s14] =	ssyncset.done $0x0  }
0x5d: {  	[sflag:s14] =	ssyncadd.s32 $0xFFFFC000  }
0x5e: {  	_ =	swait.ge [sflag:s2], $0x80  }
0x5f: {  	[sflag:s2] =	ssyncset.done $0x0  }
0x60: {  	[sflag:s2] =	ssyncadd.s32 $0xFFFFFF80  }
0x61: {  	_ =	swait.ge [sflag:s2], $0x80  }
0x62: {  	[sflag:s2] =	ssyncset.done $0x0  }
0x63: {  	[sflag:s2] =	ssyncadd.s32 $0xFFFFFF80  }
0x64: {  	[tilespmem:s30], [sflag:$0x1] =	stream.indirect.gather [hbm4b:s5+s7], $0x80, s4, s7, $0xb8;
	[tilespmem:$0x1C200] =	vst v63  }
0x65: {  	p0 =	sne.s32 s11, $0x1  }
0x66: {  	[spmem:s3] =	stream.indirect.scatter.add.f32 [tilespmem:s13], [sflag:$0x5], $0x80, s9, s7, $0xb8;
	[tilespmem:$0x1C200] =	vst v63  }
.Ltmp0:
0x67: {  	s19 =	sadd.s32 $0x30, s20;
	_ =	swait.ge [sflag:s31], $0x4000;
	(pc) =	sbr.rel @!p0 .LBB2_3-.Ltmp0, $4  }
0x68: {  	s21 =	sand.u32 $0x1FFFFFF0, s19;
	[sflag:s31] =	ssyncset.done $0x0  }
0x69: {  	s17 =	sadd.s32 s1, s21;
	[sflag:s31] =	ssyncadd.s32 $0xFFFFC000  }
0x6a: {  	[tilespmem:s7], [sflag:$0x4] =	stream.linear.gather [hbm4b:s17+s4], $0x80, $0x38;
	[tilespmem:$0x1C200] =	vst v63  }
0x6b: {  	s18 =	sadd.s32 s6, s21;
	s17 =	sadd.s32 $0xFFFFFFFF, s11  }
.LBB2_2:
0x6c: {  	[tilespmem:s9], [sflag:$0x4] =	stream.linear.gather [hbm4b:s18+s4], $0x80, $0x38;
	[tilespmem:$0x1C200] =	vst v63  }
0x6d: {  	p0 =	sne.s32 s17, $0x1;
	s17 =	sadd.s32 $0xFFFFFFFF, s17;
	_ =	swait.ge [sflag:s10], $0x4000  }
0x6e: {  	s18 =	smov.u32 s16;
	[sflag:s10] =	ssyncset.done $0x0  }
0x6f: {  	[sflag:s10] =	ssyncadd.s32 $0xFFFFC000  }
0x70: {  	_ =	swait.ge [sflag:s12], $0x80  }
0x71: {  	[sflag:s12] =	ssyncset.done $0x0  }
0x72: {  	[sflag:s12] =	ssyncadd.s32 $0xFFFFFF80  }
0x73: {  	_ =	swait.ge [sflag:s12], $0x80  }
0x74: {  	[sflag:s12] =	ssyncset.done $0x0  }
0x75: {  	[sflag:s12] =	ssyncadd.s32 $0xFFFFFF80  }
0x76: {  	[tilespmem:s13], [sflag:$0x2] =	stream.indirect.gather [hbm4b:s5+s7], $0x80, s7, s7, $0xb8;
	[tilespmem:$0x1C200] =	vst v63  }
0x77: {  	_ = 	snop  }
0x78: {  	[spmem:s3] =	stream.indirect.scatter.add.f32 [tilespmem:s30], [sflag:$0x5], $0x80, s0, s7, $0xb8;
	[tilespmem:$0x1C200] =	vst v63  }
0x79: {  	s16 =	sadd.s32 $0x20, s16;
	_ =	swait.ge [sflag:s31], $0x4000  }
0x7a: {  	s19 =	sand.u32 $0x1FFFFFE0, s16;
	[sflag:s31] =	ssyncset.done $0x0  }
0x7b: {  	s21 =	sadd.s32 s1, s19;
	[sflag:s31] =	ssyncadd.s32 $0xFFFFC000  }
0x7c: {  	[tilespmem:s4], [sflag:$0x3] =	stream.linear.gather [hbm4b:s21+s4], $0x80, $0x38;
	[tilespmem:$0x1C200] =	vst v63  }
0x7d: {  	s19 =	sadd.s32 s6, s19  }
0x7e: {  	[tilespmem:s0], [sflag:$0x3] =	stream.linear.gather [hbm4b:s19+s4], $0x80, $0x38;
	[tilespmem:$0x1C200] =	vst v63  }
0x7f: {  	_ =	swait.ge [sflag:s14], $0x4000  }
0x80: {  	[sflag:s14] =	ssyncset.done $0x0  }
0x81: {  	[sflag:s14] =	ssyncadd.s32 $0xFFFFC000  }
0x82: {  	_ =	swait.ge [sflag:s2], $0x80  }
0x83: {  	[sflag:s2] =	ssyncset.done $0x0  }
0x84: {  	[sflag:s2] =	ssyncadd.s32 $0xFFFFFF80  }
0x85: {  	_ =	swait.ge [sflag:s2], $0x80  }
0x86: {  	[sflag:s2] =	ssyncset.done $0x0  }
0x87: {  	[sflag:s2] =	ssyncadd.s32 $0xFFFFFF80  }
0x88: {  	[tilespmem:s30], [sflag:$0x1] =	stream.indirect.gather [hbm4b:s5+s7], $0x80, s4, s7, $0xb8;
	[tilespmem:$0x1C200] =	vst v63  }
0x89: {  	_ = 	snop  }
0x8a: {  	[spmem:s3] =	stream.indirect.scatter.add.f32 [tilespmem:s13], [sflag:$0x5], $0x80, s9, s7, $0xb8;
	[tilespmem:$0x1C200] =	vst v63  }
.Ltmp1:
0x8b: {  	s18 =	sadd.s32 $0x30, s18;
	_ =	swait.ge [sflag:s31], $0x4000;
	(pc) =	sbr.rel @p0 .LBB2_2-.Ltmp1, $4  }
0x8c: {  	s18 =	sand.u32 $0x1FFFFFF0, s18;
	[sflag:s31] =	ssyncset.done $0x0  }
0x8d: {  	s19 =	sadd.s32 s1, s18;
	[sflag:s31] =	ssyncadd.s32 $0xFFFFC000  }
0x8e: {  	[tilespmem:s7], [sflag:$0x4] =	stream.linear.gather [hbm4b:s19+s4], $0x80, $0x38;
	[tilespmem:$0x1C200] =	vst v63  }
0x8f: {  	s18 =	sadd.s32 s6, s18  }
.LBB2_3:
0x90: {  	[tilespmem:s9], [sflag:$0x4] =	stream.linear.gather [hbm4b:s18+s4], $0x80, $0x38;
	[tilespmem:$0x1C200] =	vst v63  }
0x91: {  	_ =	swait.ge [sflag:s10], $0x4000  }
0x92: {  	[sflag:s10] =	ssyncset.done $0x0  }
0x93: {  	[sflag:s10] =	ssyncadd.s32 $0xFFFFC000  }
0x94: {  	_ =	swait.ge [sflag:s12], $0x80  }
0x95: {  	[sflag:s12] =	ssyncset.done $0x0  }
0x96: {  	[sflag:s12] =	ssyncadd.s32 $0xFFFFFF80  }
0x97: {  	_ =	swait.ge [sflag:s12], $0x80  }
0x98: {  	[sflag:s12] =	ssyncset.done $0x0  }
0x99: {  	[sflag:s12] =	ssyncadd.s32 $0xFFFFFF80  }
0x9a: {  	[tilespmem:s13], [sflag:$0x2] =	stream.indirect.gather [hbm4b:s5+s7], $0x80, s7, s7, $0xb8;
	[tilespmem:$0x1C200] =	vst v63  }
0x9b: {  	_ = 	snop  }
0x9c: {  	[spmem:s3] =	stream.indirect.scatter.add.f32 [tilespmem:s30], [sflag:$0x5], $0x80, s0, s7, $0xb8;
	[tilespmem:$0x1C200] =	vst v63  }
0x9d: {  	_ =	swait.ge [sflag:s31], $0x4000  }
0x9e: {  	[sflag:s31] =	ssyncset.done $0x0  }
0x9f: {  	[sflag:s31] =	ssyncadd.s32 $0xFFFFC000  }
0xa0: {  	_ =	swait.ge [sflag:s14], $0x4000  }
0xa1: {  	[sflag:s14] =	ssyncset.done $0x0  }
0xa2: {  	[sflag:s14] =	ssyncadd.s32 $0xFFFFC000  }
0xa3: {  	[spmem:s3] =	stream.indirect.scatter.add.f32 [tilespmem:s13], [sflag:$0x5], $0x80, s9, s7, $0xb8;
	[tilespmem:$0x1C200] =	vst v63  }
0xa4: {  	_ =	swait.ge [sflag:s31], $0x4000  }
0xa5: {  	[sflag:s31] =	ssyncset.done $0x0  }
0xa6: {  	[sflag:s31] =	ssyncadd.s32 $0xFFFFC000  }
0xa7: {  	[bflag:$0x0] =	sbarrier.arrive $0xFFFF  }
0xa8: {  	[tilespmem:s30], [sflag:$0x5] =	stream.linear.gather [spmem:s8], $0x4000, $0x38;
	[tilespmem:$0x1C200] =	vst v63  }
0xa9: {  	_ =	swait.ge [sflag:s31], $0x4000  }
0xaa: {  	[sflag:s31] =	ssyncset.done $0x0  }
0xab: {  	s16 =	rddreg [dreg:$0x7];
	[sflag:s31] =	ssyncadd.s32 $0xFFFFC000  }
0xac: {  	[hbm4b:s16+s4] =	stream.linear.scatter [tilespmem:s30], [sflag:$0x5], $0x4000, $0x38;
	[tilespmem:$0x1C200] =	vst v63  }
0xad: {  	_ =	swait.ge [sflag:s31], $0x4000  }
0xae: {  	[sflag:s31] =	ssyncset.done $0x0  }
0xaf: {  	[sflag:s31] =	ssyncadd.s32 $0xFFFFC000  }
0xb0: {  	[tilespmem:s30], [sflag:$0x5] =	stream.linear.gather [spmem:s22], $0x4000, $0x38;
	[tilespmem:$0x1C200] =	vst v63  }
0xb1: {  	_ =	swait.ge [sflag:s31], $0x4000  }
0xb2: {  	[sflag:s31] =	ssyncset.done $0x0  }
0xb3: {  	s21 =	rddreg [dreg:$0x8];
	[sflag:s31] =	ssyncadd.s32 $0xFFFFC000  }
0xb4: {  	[hbm4b:s21+s4] =	stream.linear.scatter [tilespmem:s30], [sflag:$0x5], $0x4000, $0x38;
	[tilespmem:$0x1C200] =	vst v63  }
0xb5: {  	_ =	swait.ge [sflag:s31], $0x4000  }
0xb6: {  	[sflag:s31] =	ssyncset.done $0x0  }
0xb7: {  	[sflag:s31] =	ssyncadd.s32 $0xFFFFC000  }
0xb8: {  	[tilespmem:s30], [sflag:$0x5] =	stream.linear.gather [spmem:s23], $0x4000, $0x38;
	[tilespmem:$0x1C200] =	vst v63  }
0xb9: {  	_ =	swait.ge [sflag:s31], $0x4000  }
0xba: {  	[sflag:s31] =	ssyncset.done $0x0  }
0xbb: {  	s17 =	rddreg [dreg:$0x9];
	[sflag:s31] =	ssyncadd.s32 $0xFFFFC000  }
0xbc: {  	[hbm4b:s17+s4] =	stream.linear.scatter [tilespmem:s30], [sflag:$0x5], $0x4000, $0x38;
	[tilespmem:$0x1C200] =	vst v63  }
0xbd: {  	_ =	swait.ge [sflag:s31], $0x4000  }
0xbe: {  	[sflag:s31] =	ssyncset.done $0x0  }
0xbf: {  	[sflag:s31] =	ssyncadd.s32 $0xFFFFC000  }
0xc0: {  	[tilespmem:s30], [sflag:$0x5] =	stream.linear.gather [spmem:s24], $0x4000, $0x38;
	[tilespmem:$0x1C200] =	vst v63  }
0xc1: {  	_ =	swait.ge [sflag:s31], $0x4000  }
0xc2: {  	[sflag:s31] =	ssyncset.done $0x0  }
0xc3: {  	s18 =	rddreg [dreg:$0xa];
	[sflag:s31] =	ssyncadd.s32 $0xFFFFC000  }
0xc4: {  	[hbm4b:s18+s4] =	stream.linear.scatter [tilespmem:s30], [sflag:$0x5], $0x4000, $0x38;
	[tilespmem:$0x1C200] =	vst v63  }
0xc5: {  	_ =	swait.ge [sflag:s31], $0x4000  }
0xc6: {  	[sflag:s31] =	ssyncset.done $0x0  }
0xc7: {  	[sflag:s31] =	ssyncadd.s32 $0xFFFFC000  }
0xc8: {  	[tilespmem:s30], [sflag:$0x5] =	stream.linear.gather [spmem:s25], $0x4000, $0x38;
	[tilespmem:$0x1C200] =	vst v63  }
0xc9: {  	_ =	swait.ge [sflag:s31], $0x4000  }
0xca: {  	[sflag:s31] =	ssyncset.done $0x0  }
0xcb: {  	s19 =	rddreg [dreg:$0xb];
	[sflag:s31] =	ssyncadd.s32 $0xFFFFC000  }
0xcc: {  	[hbm4b:s19+s4] =	stream.linear.scatter [tilespmem:s30], [sflag:$0x5], $0x4000, $0x38;
	[tilespmem:$0x1C200] =	vst v63  }
0xcd: {  	_ =	swait.ge [sflag:s31], $0x4000  }
0xce: {  	s15 =	sadd.s32 $0x1, s15;
	s21 =	rddreg [dreg:$0xe]  }
0xcf: {  	p0 =	sne.s32 s15, s21  }
.Ltmp2:
0xd0: {  	_ = 	snop;
	(pc) =	sbr.rel @p0 .LBB2_1-.Ltmp2, $3  }
0xd1: {  	_ =	sdelay $0x1  }
0xd2: {  	[sflag:s31] =	ssyncset.done $0x0  }
0xd3: {  	[sflag:s31] =	ssyncadd.s32 $0xFFFFC000  }
0xd4: {  	_ =	sfence.sel $0x180000  }
0xd5: {  	[bflag:$0x0] =	sbarrier.arrive $0xFFFF  }
0xd6: {  	_ =	strace $0x90000047  }
0xd7: {  	s0 =	stileid.u32;
	[bflag:$0x2] =	sbarrier.arrive $0xFFFF  }
0xd8: {  	p0 =	sne.s32 s0, $0x0;
	s0 =	rddreg [dreg:$0x3]  }
0xd9: {  	s0 =	sadd.s32 @!p0 $0x100000, s0  }
0xda: {  	[sflag:s0] =	ssyncadd.tile.s32 @!p0 $0x1;
	_ =	shalt  }
.Lfunc_end2:
_tile_overlayer_lowered:
.L_overlay_start_2:
0xdb: {  	(tag) =	ssettag $0x2  }
0xdc: {  	s0 =	rddreg [dreg:$0x0];
	s2 =	stileid.u32  }
0xdd: {  	s1 =	rddreg [dreg:$0x1];
	p0 =	sne.s32 s2, $0x0  }
0xde: {  	s3 =	rddreg [dreg:$0x2];
	[bflag:$0x3] =	sbarrier.arrive $0xFFFF;
	s2 =	simm.s32 @!p0 $0x1C05  }
0xdf: {  	[timem:s3], [sflag:s2] =	dma.local @!p0 [hbm:s0], s1  }
0xe0: {  	s0 =	simm.s32 @!p0 $0x5  }
0xe1: {  	_ =	swait.ge @!p0 [sflag:s0], s1  }
0xe2: {  	s1 =	ssub.s32 @!p0 $0x0, s1;
	[sflag:s0] =	ssyncset.done @!p0 $0x0  }
0xe3: {  	[sflag:s0] =	ssyncadd.s32 @!p0 s1  }
0xe4: {  	[bflag:$0x3] =	sbarrier.arrive $0xFFFF  }
0xe5: {  	_ =	shalt  }

// kernel: sage_sc_scatter_g1.8.cloned.1.call-start
scs
__scs_entry_jumppad:
0x0: {  	(pc) =	sbr.rel $0x88, $3  }
0x1: {  	(tag) =	ssettag $0x0;
	lr =	simm.s32 $0x1  }
0x2: {  	[smem:$0x3F96] =	sst lr;
	_ =	strace $0xD0000000  }
0x3: {  	_ = 	snop  }
0x4: {  	_ = 	snop  }
0x5: {  	_ = 	snop  }
0x6: {  	_ = 	snop  }
0x7: {  	_ = 	snop  }
__scs_overlays_trampoline_lowered:
0x8: {  	[smem:$0x3FA5] =	sst s0  }
0x9: {  	[smem:$0x3FA6] =	sst s1  }
0xa: {  	[smem:$0x3FA7] =	sst s2  }
0xb: {  	[smem:$0x3FA8] =	sst s3  }
0xc: {  	[smem:$0x3FA9] =	sst s4  }
0xd: {  	[smem:$0x3FAA] =	sst s5  }
0xe: {  	[smem:$0x3FAB] =	sst s6  }
0xf: {  	[smem:$0x3FAC] =	sst s7  }
0x10: {  	[smem:$0x3FAD] =	sst s8  }
0x11: {  	[smem:$0x3FAE] =	sst s9;
	s0 =	simm.s32 @!p0 $0x0  }
0x12: {  	s1 =	sld [smem:$0x3F94];
	s0 =	simm.s32 @p0 $0x1  }
0x13: {  	[smem:$0x3FAF] =	sst s0;
	s0 =	simm.s32 @!p1 $0x0  }
0x14: {  	s2 =	sld [smem:$0x3F93];
	s0 =	simm.s32 @p1 $0x1  }
0x15: {  	[smem:$0x3FB0] =	sst s0;
	s0 =	simm.s32 @!p2 $0x0  }
0x16: {  	s3 =	sld [smem:$0x3FDB];
	s0 =	simm.s32 @p2 $0x1  }
0x17: {  	s4 =	simm.s32 $0x1BF5;
	[smem:$0x3FB2] =	sst s0  }
0x18: {  	s0 =	sld [smem:$0x3F95];
	_ =	swait.ge [sflag:s4], $0x0  }
0x19: {  	s7 =	sld [smem:$0x3F96]  }
0x1a: {  	s8 =	sadd.s32 $0xFFFFE003, lr  }
0x1b: {  	s9 =	sadd.s32 $0xFFFFFEF7, lr;
	s5 =	simm.s32 $0xFFFFFFFF;
	p2 =	slt.u32 s8, $0xFFFFF086  }
0x1c: {  	p1 =	slt.u32 s9, $0xF7A;
	s5 =	simm.s32 @!p2 $0x0  }
0x1d: {  	s5 =	simm.s32 @p1 $0x1;
	p0 =	seq.s32 s7, s2  }
0x1e: {  	s7 =	smul.u32 @!p0 $0xF7A, s2;
	p2 =	seq.s32 @!p0 s5, $0x0  }
0x1f: {  	s9 =	smul.u32 $0xF7A, s1;
	s8 =	simm.s32 @!p0 $0x1BF5;
	p2 =	por !p2, p0  }
0x20: {  	[sflag:s8] =	ssyncset.s32 @!p0 $0xFFFFF086;
	s6 =	sadd.s32 @!p0 s3, s7;
	s7 =	simm.s32 @!p0 $0x108  }
0x21: {  	s3 =	sadd.s32 s3, s9;
	s6 =	sadd.s32 @!p0 $0x88, s6;
	s7 =	simm.s32 @p2 $0x1082  }
0x22: {  	[simem:s7], [sflag:s8] =	dma.local @!p0 [hbm:s6], $0xF7A  }
0x23: {  	s9 =	sor.u32 $0xD0000000, s2;
	s6 =	simm.s32 $0x108;
	_ =	swait.ge @!p0 [sflag:s8], $0x0  }
0x24: {  	s3 =	sadd.s32 $0x88, s3;
	s6 =	simm.s32 @!p1 $0x1082;
	[sflag:s4] =	ssyncset.s32 $0xFFFFF086  }
0x25: {  	[simem:s6], [sflag:s4] =	dma.local [hbm:s3], $0xF7A  }
0x26: {  	[smem:$0x3F96] =	sst s1;
	(tag) =	ssettag s2;
	_ =	strace s9  }
0x27: {  	s1 =	sld [smem:$0x3FA6]  }
0x28: {  	s2 =	sld [smem:$0x3FA7]  }
0x29: {  	s4 =	sld [smem:$0x3FA9]  }
0x2a: {  	p0 =	seq.s32 s5, $0x0;
	s5 =	sld [smem:$0x3FAA]  }
0x2b: {  	s6 =	sld [smem:$0x3FAB]  }
0x2c: {  	s7 =	sld [smem:$0x3FAC]  }
0x2d: {  	s3 =	simm.s32 $0x108;
	s8 =	sld [smem:$0x3FAD]  }
0x2e: {  	s3 =	simm.s32 @!p0 $0x1082;
	s9 =	sld [smem:$0x3FAE]  }
0x2f: {  	lr =	sadd.s32 s0, s3;
	s0 =	sld [smem:$0x3FA5]  }
0x30: {  	s3 =	sld [smem:$0x3FA8]  }
0x31: {  	[smem:$0x3FB1] =	sst s10  }
0x32: {  	s10 =	sld [smem:$0x3FAF];
	_ =	sdelay $0x3  }
0x33: {  	p0 =	seq.s32 s10, $0x1;
	s10 =	sld [smem:$0x3FB1];
	_ =	sdelay $0x3  }
0x34: {  	[smem:$0x3FB1] =	sst s10  }
0x35: {  	s10 =	sld [smem:$0x3FB0];
	_ =	sdelay $0x3  }
0x36: {  	p1 =	seq.s32 s10, $0x1;
	s10 =	sld [smem:$0x3FB1];
	_ =	sdelay $0x3  }
0x37: {  	[smem:$0x3FB1] =	sst s10  }
0x38: {  	s10 =	sld [smem:$0x3FB2]  }
0x39: {  	_ = 	snop;
	(pc) =	sbr.ind lr, $3  }
0x3a: {  	_ = 	snop  }
0x3b: {  	_ = 	snop  }
0x3c: {  	p2 =	seq.s32 s10, $0x1;
	s10 =	sld [smem:$0x3FB1]  }
0x3d: {  	_ =	shalt  }
0x3e: {  	_ =	shalt  }
0x3f: {  	_ =	shalt  }
0x40: {  	_ =	shalt  }
0x41: {  	_ =	shalt  }
0x42: {  	_ =	shalt  }
0x43: {  	_ =	shalt  }
0x44: {  	_ =	shalt  }
0x45: {  	_ =	shalt  }
0x46: {  	_ =	shalt  }
0x47: {  	_ =	shalt  }
0x48: {  	_ =	shalt  }
0x49: {  	_ =	shalt  }
0x4a: {  	_ =	shalt  }
0x4b: {  	_ =	shalt  }
0x4c: {  	_ =	shalt  }
0x4d: {  	_ =	shalt  }
0x4e: {  	_ =	shalt  }
0x4f: {  	_ =	shalt  }
0x50: {  	_ =	shalt  }
0x51: {  	_ =	shalt  }
0x52: {  	_ =	shalt  }
0x53: {  	_ =	shalt  }
0x54: {  	_ =	shalt  }
0x55: {  	_ =	shalt  }
0x56: {  	_ =	shalt  }
0x57: {  	_ =	shalt  }
0x58: {  	_ =	shalt  }
0x59: {  	_ =	shalt  }
0x5a: {  	_ =	shalt  }
0x5b: {  	_ =	shalt  }
0x5c: {  	_ =	shalt  }
0x5d: {  	_ =	shalt  }
0x5e: {  	_ =	shalt  }
0x5f: {  	_ =	shalt  }
0x60: {  	_ =	shalt  }
0x61: {  	_ =	shalt  }
0x62: {  	_ =	shalt  }
0x63: {  	_ =	shalt  }
0x64: {  	_ =	shalt  }
0x65: {  	_ =	shalt  }
0x66: {  	_ =	shalt  }
0x67: {  	_ =	shalt  }
0x68: {  	_ =	shalt  }
0x69: {  	_ =	shalt  }
0x6a: {  	_ =	shalt  }
0x6b: {  	_ =	shalt  }
0x6c: {  	_ =	shalt  }
0x6d: {  	_ =	shalt  }
0x6e: {  	_ =	shalt  }
0x6f: {  	_ =	shalt  }
0x70: {  	_ =	shalt  }
0x71: {  	_ =	shalt  }
0x72: {  	_ =	shalt  }
0x73: {  	_ =	shalt  }
0x74: {  	_ =	shalt  }
0x75: {  	_ =	shalt  }
0x76: {  	_ =	shalt  }
0x77: {  	_ =	shalt  }
0x78: {  	_ =	shalt  }
0x79: {  	_ =	shalt  }
0x7a: {  	_ =	shalt  }
0x7b: {  	_ =	shalt  }
0x7c: {  	_ =	shalt  }
0x7d: {  	_ =	shalt  }
0x7e: {  	_ =	shalt  }
0x7f: {  	_ =	shalt  }
0x80: {  	_ =	shalt  }
0x81: {  	_ =	shalt  }
0x82: {  	_ =	shalt  }
0x83: {  	_ =	shalt  }
0x84: {  	_ =	shalt  }
0x85: {  	_ =	shalt  }
0x86: {  	_ =	shalt  }
0x87: {  	_ =	shalt  }
.Lfunc_end0:
.L_simem_size_0:
called_computation.2_lowered:
.L_overlay_start_0:
0x88: {  	s2 =	sld [smem:$0x3FD9]  }
0x89: {  	s3 =	sld [smem:$0x3FFE];
	_ =	sdelay $0x1  }
0x8a: {  	s1 =	srdreg.scid  }
0x8b: {  	s0 =	sand.u32 $0x1, s1  }
0x8c: {  	s17 =	sshll.u32 s0, $0xA;
	s2 =	sadd.s32 s3, s2  }
0x8d: {  	s2 =	sadd.s32 s2, s17  }
0x8e: {  	[smem:$0x3FBD] =	sst s2  }
0x8f: {  	_ = 	snop  }
0x90: {  	s2 =	sld [smem:$0x3FD0];
	(tm) =	ssettm $0x1  }
0x91: {  	s18 =	sld [smem:$0x3FFB];
	_ =	sdelay $0x3  }
0x92: {  	_ =	strace s18  }
0x93: {  	s3 =	sld [smem:$0x3FFC];
	_ =	sdelay $0x3  }
0x94: {  	_ =	strace s3  }
0x95: {  	s3 =	sld [smem:$0x3FFD];
	_ =	sdelay $0x3  }
0x96: {  	_ =	strace s3  }
0x97: {  	_ =	strace $0x8FFFFFFF  }
0x98: {  	s19 =	sld [smem:$0x3FDB];
	_ =	sdelay $0x1  }
0x99: {  	s4 =	simm.s32 $_scs_section_size  }
0x9a: {  	s5 =	simm.s32 $_size__tile_overlayer_lowered;
	s6 =	simm.s32 $_tile_overlayer_lowered  }
0x9b: {  	s22 =	simm.s32 $0x1BFF;
	s21 =	sshll.u32 s6, $0x1;
	s3 =	sadd.s32 s4, s19  }
0x9c: {  	s7 =	simm.s32 $0x0;
	s20 =	sshll.u32 s5, $0x1;
	s5 =	sadd.s32 s21, s3  }
0x9d: {  	[timem:s7], [sflag:s22] =	dma.local [hbm:s5], s20  }
0x9e: {  	_ =	swait.ge [sflag:s22], s20  }
0x9f: {  	s4 =	ssub.s32 $0x0, s20;
	[sflag:s22] =	ssyncset.done $0x0  }
0xa0: {  	[sflag:s22] =	ssyncadd.s32 s4;
	_ =	sdelay $0x1  }
0xa1: {  	s23 =	simm.s32 $0x1B8B  }
0xa2: {  	_ =	swait.ge [sflag:s23], $0x1  }
0xa3: {  	[sflag:s23] =	ssyncset.done $0x0  }
0xa4: {  	s25 =	simm.s32 $0x1B8E;
	s24 =	sld [smem:$0x3FFE];
	[sflag:s23] =	ssyncadd.s32 $0xFFFFFFFF  }
0xa5: {  	s26 =	simm.s32 $execute0_lowered;
	[smem:$0x3FD2] =	sst s25  }
0xa6: {  	s5 =	sshll.u32 s26, $0x1;
	_ =	strace $0x8000004C;
	[dreg:$0x1] =	wrdreg $0xFFFFFFFF  }
0xa7: {  	s28 =	simm.s32 $_size_execute0_lowered;
	s3 =	sadd.s32 s3, s5;
	[dreg:$0x0] =	wrdreg $0x0  }
0xa8: {  	s5 =	sshll.u32 s28, $0x1;
	[dreg:$0x2] =	wrdreg s3  }
0xa9: {  	[dreg:$0x3] =	wrdreg s5  }
0xaa: {  	[dreg:$0x4] =	wrdreg $0xC0  }
0xab: {  	_ =	task [dreg:s7], $0x5FFFF  }
0xac: {  	[dreg:$0x1] =	wrdreg $0xFFFFFFFF  }
0xad: {  	[dreg:$0x0] =	wrdreg $0x60  }
0xae: {  	[dreg:$0x2] =	wrdreg s24  }
0xaf: {  	[dreg:$0x3] =	wrdreg s2  }
0xb0: {  	[dreg:$0x4] =	wrdreg $0x82000  }
0xb1: {  	[dreg:$0x5] =	wrdreg $0x9  }
0xb2: {  	_ =	task.clear_ibuf [dreg:s7], $0x6FFFF;
	_ =	strace $0x9000004C  }
0xb3: {  	s29 =	simm.s32 $0x9;
	_ =	strace $0x8000004E  }
0xb4: {  	_ =	swait.ge [sflag:s29], $0x1  }
0xb5: {  	[sflag:s29] =	ssyncadd.s32 $0xFFFFFFFF  }
0xb6: {  	_ =	strace $0x9000004E  }
0xb7: {  	_ =	sfence  }
0xb8: {  	s30 =	sld [smem:$0x0];
	_ =	sdelay $0x2  }
0xb9: {  	s31 =	sshll.u32 s1, $0xD;
	s1 =	sshrl.u32 s1, $0x2  }
0xba: {  	s3 =	sand.u32 $0x4000, s31;
	s1 =	sadd.s32 s1, s30  }
0xbb: {  	s0 =	sor.u32 s3, s0;
	s1 =	sshll.u32 s1, $0x11  }
0xbc: {  	s0 =	sor.u32 s1, s0  }
0xbd: {  	s0 =	sadd.s32 $0x8F2B, s0  }
0xbe: {  	[sflag:s0] =	ssyncadd.remote.s32 $0x1  }
0xbf: {  	_ =	sfence.sel $0xFFFF  }
0xc0: {  	[dreg:$0x0] =	wrdreg $0xFFFFFFFF;
	(pc) =	sbr.abs _section_cstart, $3  }
0xc1: {  	[dreg:$0x1] =	wrdreg $0xFFFFFFFF  }
0xc2: {  	_ =	task.clear_ibuf [dreg:s7], $0x2FFFF;
	_ =	strace $0x9FFFFFFF  }
0xc3: {  	(tm) =	ssettm $0x7FFFFFFF  }
tec
execute0_lowered:
.L_overlay_start_1:
0x0: {  	(tag) =	ssettag $0x1  }
0x1: {  	s0 =	rddreg [dreg:$0x0]  }
0x2: {  	s1 =	rddreg [dreg:$0x1]  }
0x3: {  	s3 =	rddreg [dreg:$0x2]  }
0x4: {  	s4 =	simm.s32 $0x0;
	s17 =	stileid.u32;
	s2 =	srdreg.scid  }
0x5: {  	s30 =	simm.s32 $0x200;
	s31 =	simm.s32 $0x5;
	s7 =	smul.u32 $0x50000, s17  }
0x6: {  	[smem:$0x7FF] =	sst s4;
	s5 =	sadd.s32 $0xCE00, s0;
	s8 =	smul.u32 $0x9E, s17  }
0x7: {  	s2 =	sand.u32 $0x1, s2;
	s6 =	sadd.s32 $0x2E00, s0;
	s26 =	smul.u32 $0x14000, s17  }
0x8: {  	s11 =	sadd.s32 $0x34000, s0;
	s0 =	sadd.s32 $0x34800, s0;
	s17 =	smul.u32 $0x9E0, s17  }
0x9: {  	_ =	strace $0x8000004D;
	s9 =	ssub.s32 $0x2, s2;
	s10 =	smul.u32 $0x84, s2  }
0xa: {  	[dreg:$0x4] =	wrdreg s11;
	p0 =	seq.s32 s2, $0x0;
	s12 =	smul.u32 $0x140000, s2  }
0xb: {  	s11 =	simm.s32 $0x41;
	s22 =	smul.u32 $0x840, s2;
	s2 =	simm.s32 $0x3  }
0xc: {  	s24 =	sshrl.u32 s9, $0x1;
	s7 =	sshrl.u32 s7, $0x2;
	s16 =	sadd.s32 $0x8000, s26  }
0xd: {  	s19 =	sadd.s32 $0xC000, s26;
	s11 =	simm.s32 @!p0 $0xC;
	s9 =	ssub.s32 s9, s24  }
0xe: {  	s10 =	sadd.s32 s10, s8;
	s8 =	sadd.s32 s7, s3;
	s18 =	sadd.s32 s12, s16  }
0xf: {  	s21 =	sadd.s32 s12, s19;
	s20 =	sadd.s32 s22, s17;
	s25 =	sshll.u32 s10, $0x4  }
0x10: {  	s10 =	sadd.s32 $0x10000, s26;
	s28 =	sadd.s32 $0xC000, s8;
	s29 =	sadd.s32 $0x10000, s8  }
0x11: {  	s13 =	sadd.s32 s1, s25;
	s14 =	sadd.s32 s6, s25;
	s7 =	sor.u32 $0x10, s25  }
0x12: {  	s25 =	smax.u32 s9, $0x1;
	s9 =	simm.s32 $0x180;
	[dreg:$0x5] =	wrdreg s13  }
0x13: {  	[dreg:$0x6] =	wrdreg s14;
	s13 =	sadd.s32 $0x4000, s26;
	s14 =	sadd.s32 s12, s26  }
0x14: {  	s23 =	sadd.s32 s1, s7;
	s24 =	sadd.s32 s6, s7;
	[dreg:$0xe] =	wrdreg s25  }
0x15: {  	s26 =	sadd.s32 $0x4000, s8;
	s25 =	sadd.s32 s10, s3;
	[dreg:$0xc] =	wrdreg s23  }
0x16: {  	s7 =	simm.s32 $0x80;
	s15 =	sadd.s32 s12, s13;
	[dreg:$0xd] =	wrdreg s24  }
0x17: {  	s14 =	sshrl.u32 s14, $0x3;
	s12 =	sadd.s32 s12, s10;
	[dreg:$0xf] =	wrdreg s26  }
0x18: {  	s22 =	sadd.s32 s13, s3;
	s23 =	sadd.s32 s16, s3;
	s24 =	sadd.s32 s19, s3  }
0x19: {  	s26 =	sadd.s32 $0x8000, s8;
	s10 =	simm.s32 $0x1;
	s14 =	sadd.s32 s0, s14  }
0x1a: {  	s13 =	simm.s32 $0x4200;
	[dreg:$0x7] =	wrdreg s14;
	s14 =	sshrl.u32 s18, $0x3  }
0x1b: {  	s15 =	sshrl.u32 s15, $0x3;
	s12 =	sshrl.u32 s12, $0x3;
	s14 =	sadd.s32 s0, s14  }
0x1c: {  	s15 =	sadd.s32 s0, s15;
	[dreg:$0x9] =	wrdreg s14;
	s14 =	sshrl.u32 s21, $0x3  }
0x1d: {  	[dreg:$0x8] =	wrdreg s15;
	s15 =	simm.s32 $0x0;
	s14 =	sadd.s32 s0, s14  }
0x1e: {  	s0 =	sadd.s32 s0, s12;
	s12 =	simm.s32 $0x4;
	[dreg:$0xa] =	wrdreg s14  }
0x1f: {  	[dreg:$0xb] =	wrdreg s0;
	s0 =	simm.s32 $0x100;
	s14 =	simm.s32 $0x2  }
.LBB2_1:
0x20: {  	s16 =	rddreg [dreg:$0x4]  }
0x21: {  	[tilespmem:s30], [sflag:$0x5] =	stream.linear.gather [hbm4b:s16+s4], $0x4000, $0x38;
	[tilespmem:$0x1C200] =	vst v63  }
0x22: {  	_ =	swait.ge [sflag:s31], $0x4000  }
0x23: {  	[sflag:s31] =	ssyncset.done $0x0  }
0x24: {  	[sflag:s31] =	ssyncadd.s32 $0xFFFFC000  }
0x25: {  	[spmem:s8] =	stream.linear.scatter [tilespmem:s30], [sflag:$0x5], $0x4000, $0x38;
	[tilespmem:$0x1C200] =	vst v63  }
0x26: {  	_ =	swait.ge [sflag:s31], $0x4000  }
0x27: {  	[sflag:s31] =	ssyncset.done $0x0  }
0x28: {  	s18 =	rddreg [dreg:$0xf];
	[sflag:s31] =	ssyncadd.s32 $0xFFFFC000  }
0x29: {  	[spmem:s18] =	stream.linear.scatter [tilespmem:s30], [sflag:$0x5], $0x4000, $0x38;
	[tilespmem:$0x1C200] =	vst v63  }
0x2a: {  	_ =	swait.ge [sflag:s31], $0x4000  }
0x2b: {  	[sflag:s31] =	ssyncset.done $0x0  }
0x2c: {  	[sflag:s31] =	ssyncadd.s32 $0xFFFFC000  }
0x2d: {  	[spmem:s26] =	stream.linear.scatter [tilespmem:s30], [sflag:$0x5], $0x4000, $0x38;
	[tilespmem:$0x1C200] =	vst v63  }
0x2e: {  	_ =	swait.ge [sflag:s31], $0x4000  }
0x2f: {  	[sflag:s31] =	ssyncset.done $0x0  }
0x30: {  	[sflag:s31] =	ssyncadd.s32 $0xFFFFC000  }
0x31: {  	[spmem:s28] =	stream.linear.scatter [tilespmem:s30], [sflag:$0x5], $0x4000, $0x38;
	[tilespmem:$0x1C200] =	vst v63  }
0x32: {  	_ =	swait.ge [sflag:s31], $0x4000  }
0x33: {  	[sflag:s31] =	ssyncset.done $0x0  }
0x34: {  	[sflag:s31] =	ssyncadd.s32 $0xFFFFC000  }
0x35: {  	[spmem:s29] =	stream.linear.scatter [tilespmem:s30], [sflag:$0x5], $0x4000, $0x38;
	[tilespmem:$0x1C200] =	vst v63  }
0x36: {  	_ =	swait.ge [sflag:s31], $0x4000  }
0x37: {  	[sflag:s31] =	ssyncset.done $0x0  }
0x38: {  	[sflag:s31] =	ssyncadd.s32 $0xFFFFC000  }
0x39: {  	[bflag:$0x0] =	sbarrier.arrive $0xFFFF  }
0x3a: {  	s19 =	rddreg [dreg:$0x5]  }
0x3b: {  	[tilespmem:s4], [sflag:$0x3] =	stream.linear.gather [hbm4b:s19+s4], $0x80, $0x38;
	[tilespmem:$0x1C200] =	vst v63  }
0x3c: {  	s21 =	rddreg [dreg:$0x6]  }
0x3d: {  	[tilespmem:s0], [sflag:$0x3] =	stream.linear.gather [hbm4b:s21+s4], $0x80, $0x38;
	[tilespmem:$0x1C200] =	vst v63  }
0x3e: {  	_ =	swait.ge [sflag:s2], $0x80  }
0x3f: {  	[sflag:s2] =	ssyncset.done $0x0  }
0x40: {  	[sflag:s2] =	ssyncadd.s32 $0xFFFFFF80  }
0x41: {  	_ =	swait.ge [sflag:s2], $0x80  }
0x42: {  	[sflag:s2] =	ssyncset.done $0x0  }
0x43: {  	s17 =	rddreg [dreg:$0xc];
	[sflag:s2] =	ssyncadd.s32 $0xFFFFFF80  }
0x44: {  	[tilespmem:s7], [sflag:$0x4] =	stream.linear.gather [hbm4b:s17+s4], $0x80, $0x38;
	[tilespmem:$0x1C200] =	vst v63  }
0x45: {  	s18 =	rddreg [dreg:$0xd]  }
0x46: {  	[tilespmem:s9], [sflag:$0x4] =	stream.linear.gather [hbm4b:s18+s4], $0x80, $0x38;
	[tilespmem:$0x1C200] =	vst v63  }
0x47: {  	_ = 	snop  }
0x48: {  	[tilespmem:s30], [sflag:$0x1] =	stream.indirect.gather [hbm4b:s5+s7], $0x80, s4, s7, $0xb8;
	[tilespmem:$0x1C200] =	vst v63  }
0x49: {  	_ =	swait.ge [sflag:s10], $0x4000  }
0x4a: {  	[sflag:s10] =	ssyncset.done $0x0  }
0x4b: {  	[sflag:s10] =	ssyncadd.s32 $0xFFFFC000  }
0x4c: {  	_ =	swait.ge [sflag:s12], $0x80  }
0x4d: {  	[sflag:s12] =	ssyncset.done $0x0  }
0x4e: {  	[sflag:s12] =	ssyncadd.s32 $0xFFFFFF80  }
0x4f: {  	_ =	swait.ge [sflag:s12], $0x80  }
0x50: {  	[sflag:s12] =	ssyncset.done $0x0  }
0x51: {  	[sflag:s12] =	ssyncadd.s32 $0xFFFFFF80  }
0x52: {  	[tilespmem:s13], [sflag:$0x2] =	stream.indirect.gather [hbm4b:s5+s7], $0x80, s7, s7, $0xb8;
	[tilespmem:$0x1C200] =	vst v63  }
0x53: {  	_ = 	snop  }
0x54: {  	[spmem:s3] =	stream.indirect.scatter.add.f32 [tilespmem:s30], [sflag:$0x5], $0x80, s0, s7, $0xb8;
	[tilespmem:$0x1C200] =	vst v63  }
0x55: {  	s16 =	sadd.s32 $0x20, s20;
	_ =	swait.ge [sflag:s31], $0x4000  }
0x56: {  	s17 =	sand.u32 $0x1FFFFFE0, s16;
	[sflag:s31] =	ssyncset.done $0x0  }
0x57: {  	s18 =	sadd.s32 s1, s17;
	[sflag:s31] =	ssyncadd.s32 $0xFFFFC000  }
0x58: {  	[tilespmem:s4], [sflag:$0x3] =	stream.linear.gather [hbm4b:s18+s4], $0x80, $0x38;
	[tilespmem:$0x1C200] =	vst v63  }
0x59: {  	s17 =	sadd.s32 s6, s17  }
0x5a: {  	[tilespmem:s0], [sflag:$0x3] =	stream.linear.gather [hbm4b:s17+s4], $0x80, $0x38;
	[tilespmem:$0x1C200] =	vst v63  }
0x5b: {  	_ =	swait.ge [sflag:s14], $0x4000  }
0x5c: {  	[sflag:s14] =	ssyncset.done $0x0  }
0x5d: {  	[sflag:s14] =	ssyncadd.s32 $0xFFFFC000  }
0x5e: {  	_ =	swait.ge [sflag:s2], $0x80  }
0x5f: {  	[sflag:s2] =	ssyncset.done $0x0  }
0x60: {  	[sflag:s2] =	ssyncadd.s32 $0xFFFFFF80  }
0x61: {  	_ =	swait.ge [sflag:s2], $0x80  }
0x62: {  	[sflag:s2] =	ssyncset.done $0x0  }
0x63: {  	[sflag:s2] =	ssyncadd.s32 $0xFFFFFF80  }
0x64: {  	[tilespmem:s30], [sflag:$0x1] =	stream.indirect.gather [hbm4b:s5+s7], $0x80, s4, s7, $0xb8;
	[tilespmem:$0x1C200] =	vst v63  }
0x65: {  	p0 =	sne.s32 s11, $0x1  }
0x66: {  	[spmem:s3] =	stream.indirect.scatter.add.f32 [tilespmem:s13], [sflag:$0x5], $0x80, s9, s7, $0xb8;
	[tilespmem:$0x1C200] =	vst v63  }
.Ltmp0:
0x67: {  	s19 =	sadd.s32 $0x30, s20;
	_ =	swait.ge [sflag:s31], $0x4000;
	(pc) =	sbr.rel @!p0 .LBB2_3-.Ltmp0, $4  }
0x68: {  	s21 =	sand.u32 $0x1FFFFFF0, s19;
	[sflag:s31] =	ssyncset.done $0x0  }
0x69: {  	s17 =	sadd.s32 s1, s21;
	[sflag:s31] =	ssyncadd.s32 $0xFFFFC000  }
0x6a: {  	[tilespmem:s7], [sflag:$0x4] =	stream.linear.gather [hbm4b:s17+s4], $0x80, $0x38;
	[tilespmem:$0x1C200] =	vst v63  }
0x6b: {  	s18 =	sadd.s32 s6, s21;
	s17 =	sadd.s32 $0xFFFFFFFF, s11  }
.LBB2_2:
0x6c: {  	[tilespmem:s9], [sflag:$0x4] =	stream.linear.gather [hbm4b:s18+s4], $0x80, $0x38;
	[tilespmem:$0x1C200] =	vst v63  }
0x6d: {  	p0 =	sne.s32 s17, $0x1;
	s17 =	sadd.s32 $0xFFFFFFFF, s17;
	_ =	swait.ge [sflag:s10], $0x4000  }
0x6e: {  	s18 =	smov.u32 s16;
	[sflag:s10] =	ssyncset.done $0x0  }
0x6f: {  	[sflag:s10] =	ssyncadd.s32 $0xFFFFC000  }
0x70: {  	_ =	swait.ge [sflag:s12], $0x80  }
0x71: {  	[sflag:s12] =	ssyncset.done $0x0  }
0x72: {  	[sflag:s12] =	ssyncadd.s32 $0xFFFFFF80  }
0x73: {  	_ =	swait.ge [sflag:s12], $0x80  }
0x74: {  	[sflag:s12] =	ssyncset.done $0x0  }
0x75: {  	[sflag:s12] =	ssyncadd.s32 $0xFFFFFF80  }
0x76: {  	[tilespmem:s13], [sflag:$0x2] =	stream.indirect.gather [hbm4b:s5+s7], $0x80, s7, s7, $0xb8;
	[tilespmem:$0x1C200] =	vst v63  }
0x77: {  	_ = 	snop  }
0x78: {  	[spmem:s3] =	stream.indirect.scatter.add.f32 [tilespmem:s30], [sflag:$0x5], $0x80, s0, s7, $0xb8;
	[tilespmem:$0x1C200] =	vst v63  }
0x79: {  	s16 =	sadd.s32 $0x20, s16;
	_ =	swait.ge [sflag:s31], $0x4000  }
0x7a: {  	s19 =	sand.u32 $0x1FFFFFE0, s16;
	[sflag:s31] =	ssyncset.done $0x0  }
0x7b: {  	s21 =	sadd.s32 s1, s19;
	[sflag:s31] =	ssyncadd.s32 $0xFFFFC000  }
0x7c: {  	[tilespmem:s4], [sflag:$0x3] =	stream.linear.gather [hbm4b:s21+s4], $0x80, $0x38;
	[tilespmem:$0x1C200] =	vst v63  }
0x7d: {  	s19 =	sadd.s32 s6, s19  }
0x7e: {  	[tilespmem:s0], [sflag:$0x3] =	stream.linear.gather [hbm4b:s19+s4], $0x80, $0x38;
	[tilespmem:$0x1C200] =	vst v63  }
0x7f: {  	_ =	swait.ge [sflag:s14], $0x4000  }
0x80: {  	[sflag:s14] =	ssyncset.done $0x0  }
0x81: {  	[sflag:s14] =	ssyncadd.s32 $0xFFFFC000  }
0x82: {  	_ =	swait.ge [sflag:s2], $0x80  }
0x83: {  	[sflag:s2] =	ssyncset.done $0x0  }
0x84: {  	[sflag:s2] =	ssyncadd.s32 $0xFFFFFF80  }
0x85: {  	_ =	swait.ge [sflag:s2], $0x80  }
0x86: {  	[sflag:s2] =	ssyncset.done $0x0  }
0x87: {  	[sflag:s2] =	ssyncadd.s32 $0xFFFFFF80  }
0x88: {  	[tilespmem:s30], [sflag:$0x1] =	stream.indirect.gather [hbm4b:s5+s7], $0x80, s4, s7, $0xb8;
	[tilespmem:$0x1C200] =	vst v63  }
0x89: {  	_ = 	snop  }
0x8a: {  	[spmem:s3] =	stream.indirect.scatter.add.f32 [tilespmem:s13], [sflag:$0x5], $0x80, s9, s7, $0xb8;
	[tilespmem:$0x1C200] =	vst v63  }
.Ltmp1:
0x8b: {  	s18 =	sadd.s32 $0x30, s18;
	_ =	swait.ge [sflag:s31], $0x4000;
	(pc) =	sbr.rel @p0 .LBB2_2-.Ltmp1, $4  }
0x8c: {  	s18 =	sand.u32 $0x1FFFFFF0, s18;
	[sflag:s31] =	ssyncset.done $0x0  }
0x8d: {  	s19 =	sadd.s32 s1, s18;
	[sflag:s31] =	ssyncadd.s32 $0xFFFFC000  }
0x8e: {  	[tilespmem:s7], [sflag:$0x4] =	stream.linear.gather [hbm4b:s19+s4], $0x80, $0x38;
	[tilespmem:$0x1C200] =	vst v63  }
0x8f: {  	s18 =	sadd.s32 s6, s18  }
.LBB2_3:
0x90: {  	[tilespmem:s9], [sflag:$0x4] =	stream.linear.gather [hbm4b:s18+s4], $0x80, $0x38;
	[tilespmem:$0x1C200] =	vst v63  }
0x91: {  	_ =	swait.ge [sflag:s10], $0x4000  }
0x92: {  	[sflag:s10] =	ssyncset.done $0x0  }
0x93: {  	[sflag:s10] =	ssyncadd.s32 $0xFFFFC000  }
0x94: {  	_ =	swait.ge [sflag:s12], $0x80  }
0x95: {  	[sflag:s12] =	ssyncset.done $0x0  }
0x96: {  	[sflag:s12] =	ssyncadd.s32 $0xFFFFFF80  }
0x97: {  	_ =	swait.ge [sflag:s12], $0x80  }
0x98: {  	[sflag:s12] =	ssyncset.done $0x0  }
0x99: {  	[sflag:s12] =	ssyncadd.s32 $0xFFFFFF80  }
0x9a: {  	[tilespmem:s13], [sflag:$0x2] =	stream.indirect.gather [hbm4b:s5+s7], $0x80, s7, s7, $0xb8;
	[tilespmem:$0x1C200] =	vst v63  }
0x9b: {  	_ = 	snop  }
0x9c: {  	[spmem:s3] =	stream.indirect.scatter.add.f32 [tilespmem:s30], [sflag:$0x5], $0x80, s0, s7, $0xb8;
	[tilespmem:$0x1C200] =	vst v63  }
0x9d: {  	_ =	swait.ge [sflag:s31], $0x4000  }
0x9e: {  	[sflag:s31] =	ssyncset.done $0x0  }
0x9f: {  	[sflag:s31] =	ssyncadd.s32 $0xFFFFC000  }
0xa0: {  	_ =	swait.ge [sflag:s14], $0x4000  }
0xa1: {  	[sflag:s14] =	ssyncset.done $0x0  }
0xa2: {  	[sflag:s14] =	ssyncadd.s32 $0xFFFFC000  }
0xa3: {  	[spmem:s3] =	stream.indirect.scatter.add.f32 [tilespmem:s13], [sflag:$0x5], $0x80, s9, s7, $0xb8;
	[tilespmem:$0x1C200] =	vst v63  }
0xa4: {  	_ =	swait.ge [sflag:s31], $0x4000  }
0xa5: {  	[sflag:s31] =	ssyncset.done $0x0  }
0xa6: {  	[sflag:s31] =	ssyncadd.s32 $0xFFFFC000  }
0xa7: {  	[bflag:$0x0] =	sbarrier.arrive $0xFFFF  }
0xa8: {  	[tilespmem:s30], [sflag:$0x5] =	stream.linear.gather [spmem:s8], $0x4000, $0x38;
	[tilespmem:$0x1C200] =	vst v63  }
0xa9: {  	_ =	swait.ge [sflag:s31], $0x4000  }
0xaa: {  	[sflag:s31] =	ssyncset.done $0x0  }
0xab: {  	s16 =	rddreg [dreg:$0x7];
	[sflag:s31] =	ssyncadd.s32 $0xFFFFC000  }
0xac: {  	[hbm4b:s16+s4] =	stream.linear.scatter [tilespmem:s30], [sflag:$0x5], $0x4000, $0x38;
	[tilespmem:$0x1C200] =	vst v63  }
0xad: {  	_ =	swait.ge [sflag:s31], $0x4000  }
0xae: {  	[sflag:s31] =	ssyncset.done $0x0  }
0xaf: {  	[sflag:s31] =	ssyncadd.s32 $0xFFFFC000  }
0xb0: {  	[tilespmem:s30], [sflag:$0x5] =	stream.linear.gather [spmem:s22], $0x4000, $0x38;
	[tilespmem:$0x1C200] =	vst v63  }
0xb1: {  	_ =	swait.ge [sflag:s31], $0x4000  }
0xb2: {  	[sflag:s31] =	ssyncset.done $0x0  }
0xb3: {  	s21 =	rddreg [dreg:$0x8];
	[sflag:s31] =	ssyncadd.s32 $0xFFFFC000  }
0xb4: {  	[hbm4b:s21+s4] =	stream.linear.scatter [tilespmem:s30], [sflag:$0x5], $0x4000, $0x38;
	[tilespmem:$0x1C200] =	vst v63  }
0xb5: {  	_ =	swait.ge [sflag:s31], $0x4000  }
0xb6: {  	[sflag:s31] =	ssyncset.done $0x0  }
0xb7: {  	[sflag:s31] =	ssyncadd.s32 $0xFFFFC000  }
0xb8: {  	[tilespmem:s30], [sflag:$0x5] =	stream.linear.gather [spmem:s23], $0x4000, $0x38;
	[tilespmem:$0x1C200] =	vst v63  }
0xb9: {  	_ =	swait.ge [sflag:s31], $0x4000  }
0xba: {  	[sflag:s31] =	ssyncset.done $0x0  }
0xbb: {  	s17 =	rddreg [dreg:$0x9];
	[sflag:s31] =	ssyncadd.s32 $0xFFFFC000  }
0xbc: {  	[hbm4b:s17+s4] =	stream.linear.scatter [tilespmem:s30], [sflag:$0x5], $0x4000, $0x38;
	[tilespmem:$0x1C200] =	vst v63  }
0xbd: {  	_ =	swait.ge [sflag:s31], $0x4000  }
0xbe: {  	[sflag:s31] =	ssyncset.done $0x0  }
0xbf: {  	[sflag:s31] =	ssyncadd.s32 $0xFFFFC000  }
0xc0: {  	[tilespmem:s30], [sflag:$0x5] =	stream.linear.gather [spmem:s24], $0x4000, $0x38;
	[tilespmem:$0x1C200] =	vst v63  }
0xc1: {  	_ =	swait.ge [sflag:s31], $0x4000  }
0xc2: {  	[sflag:s31] =	ssyncset.done $0x0  }
0xc3: {  	s18 =	rddreg [dreg:$0xa];
	[sflag:s31] =	ssyncadd.s32 $0xFFFFC000  }
0xc4: {  	[hbm4b:s18+s4] =	stream.linear.scatter [tilespmem:s30], [sflag:$0x5], $0x4000, $0x38;
	[tilespmem:$0x1C200] =	vst v63  }
0xc5: {  	_ =	swait.ge [sflag:s31], $0x4000  }
0xc6: {  	[sflag:s31] =	ssyncset.done $0x0  }
0xc7: {  	[sflag:s31] =	ssyncadd.s32 $0xFFFFC000  }
0xc8: {  	[tilespmem:s30], [sflag:$0x5] =	stream.linear.gather [spmem:s25], $0x4000, $0x38;
	[tilespmem:$0x1C200] =	vst v63  }
0xc9: {  	_ =	swait.ge [sflag:s31], $0x4000  }
0xca: {  	[sflag:s31] =	ssyncset.done $0x0  }
0xcb: {  	s19 =	rddreg [dreg:$0xb];
	[sflag:s31] =	ssyncadd.s32 $0xFFFFC000  }
0xcc: {  	[hbm4b:s19+s4] =	stream.linear.scatter [tilespmem:s30], [sflag:$0x5], $0x4000, $0x38;
	[tilespmem:$0x1C200] =	vst v63  }
0xcd: {  	_ =	swait.ge [sflag:s31], $0x4000  }
0xce: {  	s15 =	sadd.s32 $0x1, s15;
	s21 =	rddreg [dreg:$0xe]  }
0xcf: {  	p0 =	sne.s32 s15, s21  }
.Ltmp2:
0xd0: {  	_ = 	snop;
	(pc) =	sbr.rel @p0 .LBB2_1-.Ltmp2, $3  }
0xd1: {  	_ =	sdelay $0x1  }
0xd2: {  	[sflag:s31] =	ssyncset.done $0x0  }
0xd3: {  	[sflag:s31] =	ssyncadd.s32 $0xFFFFC000  }
0xd4: {  	_ =	sfence.sel $0x180000  }
0xd5: {  	[bflag:$0x0] =	sbarrier.arrive $0xFFFF  }
0xd6: {  	_ =	strace $0x9000004D  }
0xd7: {  	s0 =	stileid.u32;
	[bflag:$0x2] =	sbarrier.arrive $0xFFFF  }
0xd8: {  	p0 =	sne.s32 s0, $0x0;
	s0 =	rddreg [dreg:$0x3]  }
0xd9: {  	s0 =	sadd.s32 @!p0 $0x100000, s0  }
0xda: {  	[sflag:s0] =	ssyncadd.tile.s32 @!p0 $0x1;
	_ =	shalt  }
.Lfunc_end2:
_tile_overlayer_lowered:
.L_overlay_start_2:
0xdb: {  	(tag) =	ssettag $0x2  }
0xdc: {  	s0 =	rddreg [dreg:$0x0];
	s2 =	stileid.u32  }
0xdd: {  	s1 =	rddreg [dreg:$0x1];
	p0 =	sne.s32 s2, $0x0  }
0xde: {  	s3 =	rddreg [dreg:$0x2];
	[bflag:$0x3] =	sbarrier.arrive $0xFFFF;
	s2 =	simm.s32 @!p0 $0x1C05  }
0xdf: {  	[timem:s3], [sflag:s2] =	dma.local @!p0 [hbm:s0], s1  }
0xe0: {  	s0 =	simm.s32 @!p0 $0x5  }
0xe1: {  	_ =	swait.ge @!p0 [sflag:s0], s1  }
0xe2: {  	s1 =	ssub.s32 @!p0 $0x0, s1;
	[sflag:s0] =	ssyncset.done @!p0 $0x0  }
0xe3: {  	[sflag:s0] =	ssyncadd.s32 @!p0 s1  }
0xe4: {  	[bflag:$0x3] =	sbarrier.arrive $0xFFFF  }
0xe5: {  	_ =	shalt  }

</sc_bundles>
